<compile_context>
chip_gen: v7x
topology: tpu7x:2x2x1
jax: 0.10.2.dev20260603
libtpu: 0.0.44.dev20260713+nightly
codegen_flags: <defaults>
</compile_context>

<pallas_src>
import functools

import jax
import jax.numpy as jnp
from jax import lax
from jax.experimental import pallas as pl
from jax.experimental.pallas import tpu as pltpu
from jax.experimental.pallas import tpu_sc as plsc

N = 10000
E = 320000
D_IN = 128
D_EDGE = 16
D_OUT = 128
D_HALF = D_OUT // 2

NC = 2
NS = 16
NW = NC * NS

CHUNK = 80
STEPS = E // NS // CHUNK
K = 3
NB = 2 * K
NACC = N
ROWS_PER_SUB = NACC // NS

CH_E = 80
ST_E = E // NW // CH_E
K_E = 3
NB_E = 2 * K_E
NPAD = 10240
ROWS_S = NPAD // NS

BLK = 1000
GRID = N // BLK


def _mm_body(x_ref, w_ref, o_ref):
    o_ref[...] = jnp.dot(x_ref[...], w_ref[...],
                         preferred_element_type=jnp.float32)


def _tc_matmul(x, wT):
    return pl.pallas_call(
        _mm_body,
        grid=(GRID,),
        in_specs=[
            pl.BlockSpec((BLK, D_IN), lambda i: (i, 0)),
            pl.BlockSpec((D_IN, D_OUT), lambda i: (0, 0)),
        ],
        out_specs=pl.BlockSpec((BLK, D_OUT), lambda i: (i, 0)),
        out_shape=jax.ShapeDtypeStruct((N, D_OUT), jnp.float32),
    )(x, wT)


def _combine_body(p0, p1, s0, s1, x_ref, wself, we, o_ref):
    agg = jnp.concatenate([p0[0], p1[0]], axis=-1)
    o_ref[...] = (
        agg
        + jnp.dot(x_ref[...], wself[...], preferred_element_type=jnp.float32)
        + jnp.dot(s0[0] + s1[0], we[...],
                  preferred_element_type=jnp.float32)
    )


def _tc_combine(p, s, x, wselfT, weT):
    return pl.pallas_call(
        _combine_body,
        grid=(GRID,),
        in_specs=[
            pl.BlockSpec((1, BLK, D_HALF), lambda i: (0, i, 0)),
            pl.BlockSpec((1, BLK, D_HALF), lambda i: (1, i, 0)),
            pl.BlockSpec((1, BLK, D_EDGE), lambda i: (0, i, 0)),
            pl.BlockSpec((1, BLK, D_EDGE), lambda i: (1, i, 0)),
            pl.BlockSpec((BLK, D_IN), lambda i: (i, 0)),
            pl.BlockSpec((D_IN, D_OUT), lambda i: (0, 0)),
            pl.BlockSpec((D_EDGE, D_OUT), lambda i: (0, 0)),
        ],
        out_specs=pl.BlockSpec((BLK, D_OUT), lambda i: (i, 0)),
        out_shape=jax.ShapeDtypeStruct((N, D_OUT), jnp.float32),
    )(p, p, s, s, x, wselfT, weT)


def _pipeline(n_steps, depth, ring, fire_g, wait_g, fire_s, wait_s):
    def slot_a(t, b):
        wait_g(b)
        fire_s(t, b)

    m = (n_steps - 2 * depth) // ring
    tail1 = range(depth + m * ring, n_steps - depth)

    for b in range(depth):
        fire_g(b, b)
    for t in range(depth):
        slot_a(t, t)
        fire_g(t + depth, (t + depth) % ring)

    def body(i, carry):
        base = depth + i * ring
        for j in range(ring):
            t = base + j
            a = (depth + j) % ring
            c = (a + depth) % ring
            slot_a(t, a)
            wait_s(c)
            fire_g(t + depth, c)
        return carry

    lax.fori_loop(0, m, body, 0)

    for t in tail1:
        a = t % ring
        c = (a + depth) % ring
        slot_a(t, a)
        wait_s(c)
        fire_g(t + depth, c)
    for j in range(depth):
        t = n_steps - depth + j
        a = t % ring
        slot_a(t, a)
        wait_s((a + depth) % ring)
    for j in range(depth):
        wait_s((n_steps - depth + j) % ring)


def _sc_body(y2, srcA3d, srcB3d, dst3d, zp, p_out, *scr):
    src_v, dst_v = scr[0], scr[1]
    rows = list(scr[2:2 + NB])
    acc = scr[2 + NB]
    gsem = list(scr[3 + NB:3 + 2 * NB])
    ssem = list(scr[3 + 2 * NB:3 + 3 * NB])

    cid = lax.axis_index("c")
    sid = lax.axis_index("s")

    r0 = sid * ROWS_PER_SUB
    pltpu.sync_copy(zp.at[pl.ds(r0, ROWS_PER_SUB)],
                    acc.at[pl.ds(r0, ROWS_PER_SUB)])
    plsc.subcore_barrier()

    @pl.when(cid == 0)
    def _():
        pltpu.sync_copy(srcA3d.at[sid], src_v)

    @pl.when(cid == 1)
    def _():
        pltpu.sync_copy(srcB3d.at[sid], src_v)

    pltpu.sync_copy(dst3d.at[sid], dst_v)

    def fire_g(t, b):
        pltpu.async_copy(y2.at[src_v.at[t]], rows[b], gsem[b])

    def wait_g(b):
        pltpu.make_async_copy(y2.at[src_v.at[0]], rows[b], gsem[b]).wait()

    def fire_s(t, b):
        pltpu.async_copy(rows[b], acc.at[dst_v.at[t]], ssem[b], add=True)

    def wait_s(b):
        pltpu.make_async_copy(rows[b], acc.at[dst_v.at[0]], ssem[b]).wait()

    _pipeline(STEPS, K, NB, fire_g, wait_g, fire_s, wait_s)
    plsc.subcore_barrier()

    pltpu.sync_copy(acc.at[pl.ds(r0, ROWS_PER_SUB)],
                    p_out.at[cid, pl.ds(r0, ROWS_PER_SUB)])


_sc_scatter = functools.partial(
    pl.kernel,
    out_type=jax.ShapeDtypeStruct((NC, NACC, D_HALF), jnp.float32),
    mesh=plsc.VectorSubcoreMesh(core_axis_name="c", subcore_axis_name="s"),
    compiler_params=pltpu.CompilerParams(use_tc_tiling_on_sc=False),
    scratch_types=(
        [
            pltpu.VMEM((STEPS, CHUNK), jnp.int32),
            pltpu.VMEM((STEPS, CHUNK), jnp.int32),
        ]
        + [pltpu.VMEM((CHUNK, D_HALF), jnp.float32)] * NB
        + [pltpu.VMEM_SHARED((NACC, D_HALF), jnp.float32)]
        + [pltpu.SemaphoreType.DMA] * (2 * NB)
    ),
)(_sc_body)


def _sc_ea_body(ea, dstE3d, zs, s_out, *scr):
    dst_v = scr[0]
    bufs = list(scr[1:1 + NB_E])
    acc_s = scr[1 + NB_E]
    gsem = list(scr[2 + NB_E:2 + 2 * NB_E])
    ssem = list(scr[2 + 2 * NB_E:2 + 3 * NB_E])

    cid = lax.axis_index("c")
    sid = lax.axis_index("s")
    wid = sid * NC + cid

    r0 = sid * ROWS_S
    pltpu.sync_copy(zs.at[pl.ds(r0, ROWS_S)], acc_s.at[pl.ds(r0, ROWS_S)])
    plsc.subcore_barrier()

    pltpu.sync_copy(dstE3d.at[wid], dst_v)
    g0 = wid * (ST_E * CH_E)

    def fire_g(t, b):
        pltpu.async_copy(ea.at[pl.ds(g0 + t * CH_E, CH_E)], bufs[b],
                         gsem[b])

    def wait_g(b):
        pltpu.make_async_copy(ea.at[pl.ds(g0, CH_E)], bufs[b],
                              gsem[b]).wait()

    def fire_s(t, b):
        pltpu.async_copy(bufs[b], acc_s.at[dst_v.at[t]], ssem[b], add=True)

    def wait_s(b):
        pltpu.make_async_copy(bufs[b], acc_s.at[dst_v.at[0]],
                              ssem[b]).wait()

    _pipeline(ST_E, K_E, NB_E, fire_g, wait_g, fire_s, wait_s)
    plsc.subcore_barrier()

    pltpu.sync_copy(acc_s.at[pl.ds(r0, ROWS_S)],
                    s_out.at[cid, pl.ds(r0, ROWS_S)])


_sc_ea = functools.partial(
    pl.kernel,
    out_type=jax.ShapeDtypeStruct((NC, NPAD, D_EDGE), jnp.float32),
    mesh=plsc.VectorSubcoreMesh(core_axis_name="c", subcore_axis_name="s"),
    compiler_params=pltpu.CompilerParams(use_tc_tiling_on_sc=False),
    scratch_types=(
        [pltpu.VMEM((ST_E, CH_E), jnp.int32)]
        + [pltpu.VMEM((CH_E, D_EDGE), jnp.float32)] * NB_E
        + [pltpu.VMEM_SHARED((NPAD, D_EDGE), jnp.float32)]
        + [pltpu.SemaphoreType.DMA] * (2 * NB_E)
    ),
)(_sc_ea_body)


def kernel(x, edge_index, edge_attr, W_msg, W_self):
    wxT = W_msg[:, :D_IN].T
    weT = W_msg[:, D_IN:].T
    wselfT = W_self.T

    src2 = edge_index[0] * 2
    srcA3d = src2.reshape(NS, STEPS, CHUNK)
    srcB3d = (src2 + 1).reshape(NS, STEPS, CHUNK)
    dst3d = edge_index[1].reshape(NS, STEPS, CHUNK)
    dstE3d = edge_index[1].reshape(NW, ST_E, CH_E)
    zp = jnp.zeros((NACC, D_HALF), jnp.float32)
    zs = jnp.zeros((NPAD, D_EDGE), jnp.float32)

    y = _tc_matmul(x, wxT)
    y2 = y.reshape(2 * N, D_HALF)
    p = _sc_scatter(y2, srcA3d, srcB3d, dst3d, zp)
    s = _sc_ea(edge_attr, dstE3d, zs)
    return _tc_combine(p, s, x, wselfT, weT)

# --- scband reference (transcript-rebuilt; emitter-appended) ---
"""Pipeline reference for scband-general-edge-conv-4363686772851 (READ-ONLY COPY).

The authoritative reference and input builder live on the scoring server;
editing this copy changes nothing except your own understanding.
"""

import jax
import jax.numpy as jnp
import numpy as np

N = 10000
E = 320000
D_IN = 128
D_EDGE = 16
D_OUT = 128


def setup_inputs(seed: int = 0) -> dict:
    key = jax.random.key(seed)
    k1, k2, k3, k4, k5 = jax.random.split(key, 5)
    x = jax.random.normal(k1, (N, D_IN), dtype=jnp.float32)
    edge_index = jax.random.randint(k2, (2, E), 0, N, dtype=jnp.int32)
    edge_attr = jax.random.normal(k3, (E, D_EDGE), dtype=jnp.float32)
    # learned params: linear_msg (msg_direction='single' -> in = D_IN + D_EDGE),
    # linear_self (self_msg='concat'), both bias-free (bias=False)
    W_msg = jax.random.normal(k4, (D_OUT, D_IN + D_EDGE), dtype=jnp.float32) * 0.05
    W_self = jax.random.normal(k5, (D_OUT, D_IN), dtype=jnp.float32) * 0.05
    return {"x": x, "edge_index": edge_index, "edge_attr": edge_attr, "W_msg": W_msg, "W_self": W_self}


def reference(x, edge_index, edge_attr, W_msg, W_self):
    # GraphGym defaults assumed: aggr='add', normalize_adj=False (norm=None),
    # msg_direction='single', self_msg='concat'
    src = edge_index[0]  # x_j source nodes
    dst = edge_index[1]  # aggregation target nodes (x_i)
    x_j = jnp.take(x, src, axis=0)                      # gather [E, D_IN]
    msg_in = jnp.concatenate([x_j, edge_attr], axis=-1)  # [E, D_IN + D_EDGE]
    msg = msg_in @ W_msg.T                               # [E, D_OUT]
    agg = jax.ops.segment_sum(msg, dst, num_segments=x.shape[0])  # scatter-add
    x_self = x @ W_self.T
    return x_self + agg

if __name__ == "__main__":
    import jax
    _d = setup_inputs()
    print(jax.jit(kernel)(*tuple(_d.values())))

</pallas_src>

<mosaic_0001>
#map = affine_map<(d0, d1) -> (0, 0)>
#map1 = affine_map<(d0, d1) -> (0, 0, 0)>
module attributes {stable_mosaic.version = 14 : i64} {
  func.func @_sc_body(%arg0: i32, %arg1: i32, %arg2: memref<20000x64xf32, #tpu.memory_space<hbm>>, %arg3: memref<16x250x80xi32, #tpu.memory_space<hbm>>, %arg4: memref<16x250x80xi32, #tpu.memory_space<hbm>>, %arg5: memref<16x250x80xi32, #tpu.memory_space<hbm>>, %arg6: memref<10000x64xf32, #tpu.memory_space<hbm>>, %arg7: memref<2x10000x64xf32, #tpu.memory_space<hbm>>, %arg8: memref<250x80xi32, #tpu.memory_space<vmem>>, %arg9: memref<250x80xi32, #tpu.memory_space<vmem>>, %arg10: memref<80x64xf32, #tpu.memory_space<vmem>>, %arg11: memref<80x64xf32, #tpu.memory_space<vmem>>, %arg12: memref<80x64xf32, #tpu.memory_space<vmem>>, %arg13: memref<80x64xf32, #tpu.memory_space<vmem>>, %arg14: memref<80x64xf32, #tpu.memory_space<vmem>>, %arg15: memref<80x64xf32, #tpu.memory_space<vmem>>, %arg16: memref<10000x64xf32, #tpu.memory_space<vmem_shared>>, %arg17: memref<!tpu.dma_semaphore, #tpu.memory_space<semaphore_mem>>, %arg18: memref<!tpu.dma_semaphore, #tpu.memory_space<semaphore_mem>>, %arg19: memref<!tpu.dma_semaphore, #tpu.memory_space<semaphore_mem>>, %arg20: memref<!tpu.dma_semaphore, #tpu.memory_space<semaphore_mem>>, %arg21: memref<!tpu.dma_semaphore, #tpu.memory_space<semaphore_mem>>, %arg22: memref<!tpu.dma_semaphore, #tpu.memory_space<semaphore_mem>>, %arg23: memref<!tpu.dma_semaphore, #tpu.memory_space<semaphore_mem>>, %arg24: memref<!tpu.dma_semaphore, #tpu.memory_space<semaphore_mem>>, %arg25: memref<!tpu.dma_semaphore, #tpu.memory_space<semaphore_mem>>, %arg26: memref<!tpu.dma_semaphore, #tpu.memory_space<semaphore_mem>>, %arg27: memref<!tpu.dma_semaphore, #tpu.memory_space<semaphore_mem>>, %arg28: memref<!tpu.dma_semaphore, #tpu.memory_space<semaphore_mem>>) attributes {dimension_semantics = [#tpu.dimension_semantics<core_parallel>, #tpu.dimension_semantics<subcore_parallel>], iteration_bounds = array<i64: 2, 16>, scalar_prefetch = 0 : i64, scratch_operands = 21 : i64, tpu.core_type = #tpu.core_type<sc_vector_subcore>, window_params = [{transform_indices = #map}, {transform_indices = #map1}, {transform_indices = #map1}, {transform_indices = #map1}, {transform_indices = #map}, {transform_indices = #map1}]} {
    %mul3A = arith.constant 625 : i32
    %mul3A_0 = arith.muli %arg1, %mul3A : i32
    "tpu.region"() ({
      %run_scoped3A = tpu.sem_alloc : memref<!tpu.dma_semaphore, #tpu.memory_space<semaphore_mem>>
      %dma_start3A_292 = arith.constant 0 : i32
      %dma_start3A_293 = tpu.memref_slice %arg16[%mul3A_0, %dma_start3A_292] : memref<10000x64xf32, #tpu.memory_space<vmem_shared>> -> memref<625x64xf32, #tpu.memory_space<vmem_shared>>
      %dma_start3A_294 = arith.constant 0 : i32
      %dma_start3A_295 = tpu.memref_slice %arg6[%mul3A_0, %dma_start3A_294] : memref<10000x64xf32, #tpu.memory_space<hbm>> -> memref<625x64xf32, #tpu.memory_space<hbm>>
      tpu.enqueue_dma source(%dma_start3A_295 : memref<625x64xf32, #tpu.memory_space<hbm>>) target(%dma_start3A_293 : memref<625x64xf32, #tpu.memory_space<vmem_shared>>) target_semaphore(%run_scoped3A : memref<!tpu.dma_semaphore, #tpu.memory_space<semaphore_mem>>)
      %dma_wait3A_296 = arith.constant 0 : i32
      %dma_wait3A_297 = tpu.memref_slice %arg16[%mul3A_0, %dma_wait3A_296] : memref<10000x64xf32, #tpu.memory_space<vmem_shared>> -> memref<625x64xf32, #tpu.memory_space<vmem_shared>>
      %dma_wait3A_298 = arith.constant 0 : i32
      %dma_wait3A_299 = tpu.memref_slice %arg6[%mul3A_0, %dma_wait3A_298] : memref<10000x64xf32, #tpu.memory_space<hbm>> -> memref<625x64xf32, #tpu.memory_space<hbm>>
      tpu.wait_dma2 semaphore(%run_scoped3A : memref<!tpu.dma_semaphore, #tpu.memory_space<semaphore_mem>>) src(%dma_wait3A_299 : memref<625x64xf32, #tpu.memory_space<hbm>>) dst(%dma_wait3A_297 : memref<625x64xf32, #tpu.memory_space<vmem_shared>>)
      tpu.yield
    }) : () -> ()
    %barrier3A = arith.constant 0 : index
    tpu.barrier barrier_id(%barrier3A)
    %eq3A = arith.constant 0 : i32
    %eq3A_1 = arith.cmpi eq, %arg0, %eq3A : i32
    %convert_element_type3A = arith.extui %eq3A_1 : i1 to i32
    %cond3A = arith.constant 0 : i32
    %cond3A_2 = arith.cmpi ne, %convert_element_type3A, %cond3A : i32
    scf.if %cond3A_2 {
      "tpu.region"() ({
        %run_scoped3A = tpu.sem_alloc : memref<!tpu.dma_semaphore, #tpu.memory_space<semaphore_mem>>
        %dma_start3A_292 = arith.constant 0 : i32
        %dma_start3A_293 = arith.constant 0 : i32
        %dma_start3A_294 = tpu.memref_slice %arg3[%arg1, %dma_start3A_292, %dma_start3A_293] : memref<16x250x80xi32, #tpu.memory_space<hbm>> -> memref<1x250x80xi32, #tpu.memory_space<hbm>>
        %dma_start3A_295 = tpu.memref_squeeze %dma_start3A_294 : memref<1x250x80xi32, #tpu.memory_space<hbm>> -> memref<250x80xi32, #tpu.memory_space<hbm>>
        %dma_start3A_296 = arith.constant 0 : i32
        %dma_start3A_297 = arith.constant 0 : i32
        %dma_start3A_298 = tpu.memref_slice %arg3[%arg1, %dma_start3A_296, %dma_start3A_297] : memref<16x250x80xi32, #tpu.memory_space<hbm>> -> memref<1x250x80xi32, #tpu.memory_space<hbm>>
        %dma_start3A_299 = tpu.memref_squeeze %dma_start3A_298 : memref<1x250x80xi32, #tpu.memory_space<hbm>> -> memref<250x80xi32, #tpu.memory_space<hbm>>
        tpu.enqueue_dma source(%dma_start3A_299 : memref<250x80xi32, #tpu.memory_space<hbm>>) target(%arg8 : memref<250x80xi32, #tpu.memory_space<vmem>>) target_semaphore(%run_scoped3A : memref<!tpu.dma_semaphore, #tpu.memory_space<semaphore_mem>>)
        %dma_wait3A_300 = arith.constant 0 : i32
        %dma_wait3A_301 = arith.constant 0 : i32
        %dma_wait3A_302 = tpu.memref_slice %arg3[%arg1, %dma_wait3A_300, %dma_wait3A_301] : memref<16x250x80xi32, #tpu.memory_space<hbm>> -> memref<1x250x80xi32, #tpu.memory_space<hbm>>
        %dma_wait3A_303 = tpu.memref_squeeze %dma_wait3A_302 : memref<1x250x80xi32, #tpu.memory_space<hbm>> -> memref<250x80xi32, #tpu.memory_space<hbm>>
        %dma_wait3A_304 = arith.constant 0 : i32
        %dma_wait3A_305 = arith.constant 0 : i32
        %dma_wait3A_306 = tpu.memref_slice %arg3[%arg1, %dma_wait3A_304, %dma_wait3A_305] : memref<16x250x80xi32, #tpu.memory_space<hbm>> -> memref<1x250x80xi32, #tpu.memory_space<hbm>>
        %dma_wait3A_307 = tpu.memref_squeeze %dma_wait3A_306 : memref<1x250x80xi32, #tpu.memory_space<hbm>> -> memref<250x80xi32, #tpu.memory_space<hbm>>
        tpu.wait_dma2 semaphore(%run_scoped3A : memref<!tpu.dma_semaphore, #tpu.memory_space<semaphore_mem>>) src(%dma_wait3A_307 : memref<250x80xi32, #tpu.memory_space<hbm>>) dst(%arg8 : memref<250x80xi32, #tpu.memory_space<vmem>>)
        tpu.yield
      }) : () -> ()
    } else {
    }
    %eq3A_3 = arith.constant 1 : i32
    %eq3A_4 = arith.cmpi eq, %arg0, %eq3A_3 : i32
    %convert_element_type3A_5 = arith.extui %eq3A_4 : i1 to i32
    %cond3A_6 = arith.constant 0 : i32
    %cond3A_7 = arith.cmpi ne, %convert_element_type3A_5, %cond3A_6 : i32
    scf.if %cond3A_7 {
      "tpu.region"() ({
        %run_scoped3A = tpu.sem_alloc : memref<!tpu.dma_semaphore, #tpu.memory_space<semaphore_mem>>
        %dma_start3A_292 = arith.constant 0 : i32
        %dma_start3A_293 = arith.constant 0 : i32
        %dma_start3A_294 = tpu.memref_slice %arg4[%arg1, %dma_start3A_292, %dma_start3A_293] : memref<16x250x80xi32, #tpu.memory_space<hbm>> -> memref<1x250x80xi32, #tpu.memory_space<hbm>>
        %dma_start3A_295 = tpu.memref_squeeze %dma_start3A_294 : memref<1x250x80xi32, #tpu.memory_space<hbm>> -> memref<250x80xi32, #tpu.memory_space<hbm>>
        %dma_start3A_296 = arith.constant 0 : i32
        %dma_start3A_297 = arith.constant 0 : i32
        %dma_start3A_298 = tpu.memref_slice %arg4[%arg1, %dma_start3A_296, %dma_start3A_297] : memref<16x250x80xi32, #tpu.memory_space<hbm>> -> memref<1x250x80xi32, #tpu.memory_space<hbm>>
        %dma_start3A_299 = tpu.memref_squeeze %dma_start3A_298 : memref<1x250x80xi32, #tpu.memory_space<hbm>> -> memref<250x80xi32, #tpu.memory_space<hbm>>
        tpu.enqueue_dma source(%dma_start3A_299 : memref<250x80xi32, #tpu.memory_space<hbm>>) target(%arg8 : memref<250x80xi32, #tpu.memory_space<vmem>>) target_semaphore(%run_scoped3A : memref<!tpu.dma_semaphore, #tpu.memory_space<semaphore_mem>>)
        %dma_wait3A_300 = arith.constant 0 : i32
        %dma_wait3A_301 = arith.constant 0 : i32
        %dma_wait3A_302 = tpu.memref_slice %arg4[%arg1, %dma_wait3A_300, %dma_wait3A_301] : memref<16x250x80xi32, #tpu.memory_space<hbm>> -> memref<1x250x80xi32, #tpu.memory_space<hbm>>
        %dma_wait3A_303 = tpu.memref_squeeze %dma_wait3A_302 : memref<1x250x80xi32, #tpu.memory_space<hbm>> -> memref<250x80xi32, #tpu.memory_space<hbm>>
        %dma_wait3A_304 = arith.constant 0 : i32
        %dma_wait3A_305 = arith.constant 0 : i32
        %dma_wait3A_306 = tpu.memref_slice %arg4[%arg1, %dma_wait3A_304, %dma_wait3A_305] : memref<16x250x80xi32, #tpu.memory_space<hbm>> -> memref<1x250x80xi32, #tpu.memory_space<hbm>>
        %dma_wait3A_307 = tpu.memref_squeeze %dma_wait3A_306 : memref<1x250x80xi32, #tpu.memory_space<hbm>> -> memref<250x80xi32, #tpu.memory_space<hbm>>
        tpu.wait_dma2 semaphore(%run_scoped3A : memref<!tpu.dma_semaphore, #tpu.memory_space<semaphore_mem>>) src(%dma_wait3A_307 : memref<250x80xi32, #tpu.memory_space<hbm>>) dst(%arg8 : memref<250x80xi32, #tpu.memory_space<vmem>>)
        tpu.yield
      }) : () -> ()
    } else {
    }
    "tpu.region"() ({
      %run_scoped3A = tpu.sem_alloc : memref<!tpu.dma_semaphore, #tpu.memory_space<semaphore_mem>>
      %dma_start3A_292 = arith.constant 0 : i32
      %dma_start3A_293 = arith.constant 0 : i32
      %dma_start3A_294 = tpu.memref_slice %arg5[%arg1, %dma_start3A_292, %dma_start3A_293] : memref<16x250x80xi32, #tpu.memory_space<hbm>> -> memref<1x250x80xi32, #tpu.memory_space<hbm>>
      %dma_start3A_295 = tpu.memref_squeeze %dma_start3A_294 : memref<1x250x80xi32, #tpu.memory_space<hbm>> -> memref<250x80xi32, #tpu.memory_space<hbm>>
      %dma_start3A_296 = arith.constant 0 : i32
      %dma_start3A_297 = arith.constant 0 : i32
      %dma_start3A_298 = tpu.memref_slice %arg5[%arg1, %dma_start3A_296, %dma_start3A_297] : memref<16x250x80xi32, #tpu.memory_space<hbm>> -> memref<1x250x80xi32, #tpu.memory_space<hbm>>
      %dma_start3A_299 = tpu.memref_squeeze %dma_start3A_298 : memref<1x250x80xi32, #tpu.memory_space<hbm>> -> memref<250x80xi32, #tpu.memory_space<hbm>>
      tpu.enqueue_dma source(%dma_start3A_299 : memref<250x80xi32, #tpu.memory_space<hbm>>) target(%arg9 : memref<250x80xi32, #tpu.memory_space<vmem>>) target_semaphore(%run_scoped3A : memref<!tpu.dma_semaphore, #tpu.memory_space<semaphore_mem>>)
      %dma_wait3A_300 = arith.constant 0 : i32
      %dma_wait3A_301 = arith.constant 0 : i32
      %dma_wait3A_302 = tpu.memref_slice %arg5[%arg1, %dma_wait3A_300, %dma_wait3A_301] : memref<16x250x80xi32, #tpu.memory_space<hbm>> -> memref<1x250x80xi32, #tpu.memory_space<hbm>>
      %dma_wait3A_303 = tpu.memref_squeeze %dma_wait3A_302 : memref<1x250x80xi32, #tpu.memory_space<hbm>> -> memref<250x80xi32, #tpu.memory_space<hbm>>
      %dma_wait3A_304 = arith.constant 0 : i32
      %dma_wait3A_305 = arith.constant 0 : i32
      %dma_wait3A_306 = tpu.memref_slice %arg5[%arg1, %dma_wait3A_304, %dma_wait3A_305] : memref<16x250x80xi32, #tpu.memory_space<hbm>> -> memref<1x250x80xi32, #tpu.memory_space<hbm>>
      %dma_wait3A_307 = tpu.memref_squeeze %dma_wait3A_306 : memref<1x250x80xi32, #tpu.memory_space<hbm>> -> memref<250x80xi32, #tpu.memory_space<hbm>>
      tpu.wait_dma2 semaphore(%run_scoped3A : memref<!tpu.dma_semaphore, #tpu.memory_space<semaphore_mem>>) src(%dma_wait3A_307 : memref<250x80xi32, #tpu.memory_space<hbm>>) dst(%arg9 : memref<250x80xi32, #tpu.memory_space<vmem>>)
      tpu.yield
    }) : () -> ()
    %dma_start3A = arith.constant 0 : i32
    %dma_start3A_8 = arith.constant 0 : i32
    %dma_start3A_9 = tpu.memref_slice %arg8[%dma_start3A, %dma_start3A_8] : memref<250x80xi32, #tpu.memory_space<vmem>> -> memref<1x80xi32, #tpu.memory_space<vmem>>
    %dma_start3A_10 = tpu.memref_squeeze %dma_start3A_9 : memref<1x80xi32, #tpu.memory_space<vmem>> -> memref<80xi32, #tpu.memory_space<vmem>>
    %dma_start3A_11 = arith.constant 0 : i32
    %dma_start3A_12 = arith.constant 0 : i32
    %dma_start3A_13 = tpu.memref_slice %arg2[%dma_start3A_11, %dma_start3A_12] : memref<20000x64xf32, #tpu.memory_space<hbm>> -> memref<20000x64xf32, #tpu.memory_space<hbm>>
    tpu.enqueue_indirect_dma source(%dma_start3A_13 : memref<20000x64xf32, #tpu.memory_space<hbm>>) target(%arg10 : memref<80x64xf32, #tpu.memory_space<vmem>>) offsets(%dma_start3A_10 : memref<80xi32, #tpu.memory_space<vmem>>) semaphore(%arg17 : memref<!tpu.dma_semaphore, #tpu.memory_space<semaphore_mem>>)
    %dma_start3A_14 = arith.constant 1 : i32
    %dma_start3A_15 = arith.constant 0 : i32
    %dma_start3A_16 = tpu.memref_slice %arg8[%dma_start3A_14, %dma_start3A_15] : memref<250x80xi32, #tpu.memory_space<vmem>> -> memref<1x80xi32, #tpu.memory_space<vmem>>
    %dma_start3A_17 = tpu.memref_squeeze %dma_start3A_16 : memref<1x80xi32, #tpu.memory_space<vmem>> -> memref<80xi32, #tpu.memory_space<vmem>>
    %dma_start3A_18 = arith.constant 0 : i32
    %dma_start3A_19 = arith.constant 0 : i32
    %dma_start3A_20 = tpu.memref_slice %arg2[%dma_start3A_18, %dma_start3A_19] : memref<20000x64xf32, #tpu.memory_space<hbm>> -> memref<20000x64xf32, #tpu.memory_space<hbm>>
    tpu.enqueue_indirect_dma source(%dma_start3A_20 : memref<20000x64xf32, #tpu.memory_space<hbm>>) target(%arg11 : memref<80x64xf32, #tpu.memory_space<vmem>>) offsets(%dma_start3A_17 : memref<80xi32, #tpu.memory_space<vmem>>) semaphore(%arg18 : memref<!tpu.dma_semaphore, #tpu.memory_space<semaphore_mem>>)
    %dma_start3A_21 = arith.constant 2 : i32
    %dma_start3A_22 = arith.constant 0 : i32
    %dma_start3A_23 = tpu.memref_slice %arg8[%dma_start3A_21, %dma_start3A_22] : memref<250x80xi32, #tpu.memory_space<vmem>> -> memref<1x80xi32, #tpu.memory_space<vmem>>
    %dma_start3A_24 = tpu.memref_squeeze %dma_start3A_23 : memref<1x80xi32, #tpu.memory_space<vmem>> -> memref<80xi32, #tpu.memory_space<vmem>>
    %dma_start3A_25 = arith.constant 0 : i32
    %dma_start3A_26 = arith.constant 0 : i32
    %dma_start3A_27 = tpu.memref_slice %arg2[%dma_start3A_25, %dma_start3A_26] : memref<20000x64xf32, #tpu.memory_space<hbm>> -> memref<20000x64xf32, #tpu.memory_space<hbm>>
    tpu.enqueue_indirect_dma source(%dma_start3A_27 : memref<20000x64xf32, #tpu.memory_space<hbm>>) target(%arg12 : memref<80x64xf32, #tpu.memory_space<vmem>>) offsets(%dma_start3A_24 : memref<80xi32, #tpu.memory_space<vmem>>) semaphore(%arg19 : memref<!tpu.dma_semaphore, #tpu.memory_space<semaphore_mem>>)
    %dma_wait3A = arith.constant 0 : i32
    %dma_wait3A_28 = arith.constant 0 : i32
    %dma_wait3A_29 = tpu.memref_slice %arg8[%dma_wait3A, %dma_wait3A_28] : memref<250x80xi32, #tpu.memory_space<vmem>> -> memref<1x80xi32, #tpu.memory_space<vmem>>
    %dma_wait3A_30 = tpu.memref_squeeze %dma_wait3A_29 : memref<1x80xi32, #tpu.memory_space<vmem>> -> memref<80xi32, #tpu.memory_space<vmem>>
    %dma_wait3A_31 = arith.constant 0 : i32
    %dma_wait3A_32 = arith.constant 0 : i32
    %dma_wait3A_33 = tpu.memref_slice %arg2[%dma_wait3A_31, %dma_wait3A_32] : memref<20000x64xf32, #tpu.memory_space<hbm>> -> memref<20000x64xf32, #tpu.memory_space<hbm>>
    tpu.wait_indirect_dma semaphore(%arg17 : memref<!tpu.dma_semaphore, #tpu.memory_space<semaphore_mem>>) src(%dma_wait3A_33 : memref<20000x64xf32, #tpu.memory_space<hbm>>) dst(%arg10 : memref<80x64xf32, #tpu.memory_space<vmem>>)
    %dma_start3A_34 = arith.constant 0 : i32
    %dma_start3A_35 = arith.constant 0 : i32
    %dma_start3A_36 = tpu.memref_slice %arg9[%dma_start3A_34, %dma_start3A_35] : memref<250x80xi32, #tpu.memory_space<vmem>> -> memref<1x80xi32, #tpu.memory_space<vmem>>
    %dma_start3A_37 = tpu.memref_squeeze %dma_start3A_36 : memref<1x80xi32, #tpu.memory_space<vmem>> -> memref<80xi32, #tpu.memory_space<vmem>>
    %dma_start3A_38 = arith.constant 0 : i32
    %dma_start3A_39 = arith.constant 0 : i32
    %dma_start3A_40 = tpu.memref_slice %arg16[%dma_start3A_38, %dma_start3A_39] : memref<10000x64xf32, #tpu.memory_space<vmem_shared>> -> memref<10000x64xf32, #tpu.memory_space<vmem_shared>>
    tpu.enqueue_indirect_dma source(%arg10 : memref<80x64xf32, #tpu.memory_space<vmem>>) target(%dma_start3A_40 : memref<10000x64xf32, #tpu.memory_space<vmem_shared>>) offsets(%dma_start3A_37 : memref<80xi32, #tpu.memory_space<vmem>>) semaphore(%arg23 : memref<!tpu.dma_semaphore, #tpu.memory_space<semaphore_mem>>) {add = true}
    %dma_start3A_41 = arith.constant 3 : i32
    %dma_start3A_42 = arith.constant 0 : i32
    %dma_start3A_43 = tpu.memref_slice %arg8[%dma_start3A_41, %dma_start3A_42] : memref<250x80xi32, #tpu.memory_space<vmem>> -> memref<1x80xi32, #tpu.memory_space<vmem>>
    %dma_start3A_44 = tpu.memref_squeeze %dma_start3A_43 : memref<1x80xi32, #tpu.memory_space<vmem>> -> memref<80xi32, #tpu.memory_space<vmem>>
    %dma_start3A_45 = arith.constant 0 : i32
    %dma_start3A_46 = arith.constant 0 : i32
    %dma_start3A_47 = tpu.memref_slice %arg2[%dma_start3A_45, %dma_start3A_46] : memref<20000x64xf32, #tpu.memory_space<hbm>> -> memref<20000x64xf32, #tpu.memory_space<hbm>>
    tpu.enqueue_indirect_dma source(%dma_start3A_47 : memref<20000x64xf32, #tpu.memory_space<hbm>>) target(%arg13 : memref<80x64xf32, #tpu.memory_space<vmem>>) offsets(%dma_start3A_44 : memref<80xi32, #tpu.memory_space<vmem>>) semaphore(%arg20 : memref<!tpu.dma_semaphore, #tpu.memory_space<semaphore_mem>>)
    %dma_wait3A_48 = arith.constant 0 : i32
    %dma_wait3A_49 = arith.constant 0 : i32
    %dma_wait3A_50 = tpu.memref_slice %arg8[%dma_wait3A_48, %dma_wait3A_49] : memref<250x80xi32, #tpu.memory_space<vmem>> -> memref<1x80xi32, #tpu.memory_space<vmem>>
    %dma_wait3A_51 = tpu.memref_squeeze %dma_wait3A_50 : memref<1x80xi32, #tpu.memory_space<vmem>> -> memref<80xi32, #tpu.memory_space<vmem>>
    %dma_wait3A_52 = arith.constant 0 : i32
    %dma_wait3A_53 = arith.constant 0 : i32
    %dma_wait3A_54 = tpu.memref_slice %arg2[%dma_wait3A_52, %dma_wait3A_53] : memref<20000x64xf32, #tpu.memory_space<hbm>> -> memref<20000x64xf32, #tpu.memory_space<hbm>>
    tpu.wait_indirect_dma semaphore(%arg18 : memref<!tpu.dma_semaphore, #tpu.memory_space<semaphore_mem>>) src(%dma_wait3A_54 : memref<20000x64xf32, #tpu.memory_space<hbm>>) dst(%arg11 : memref<80x64xf32, #tpu.memory_space<vmem>>)
    %dma_start3A_55 = arith.constant 1 : i32
    %dma_start3A_56 = arith.constant 0 : i32
    %dma_start3A_57 = tpu.memref_slice %arg9[%dma_start3A_55, %dma_start3A_56] : memref<250x80xi32, #tpu.memory_space<vmem>> -> memref<1x80xi32, #tpu.memory_space<vmem>>
    %dma_start3A_58 = tpu.memref_squeeze %dma_start3A_57 : memref<1x80xi32, #tpu.memory_space<vmem>> -> memref<80xi32, #tpu.memory_space<vmem>>
    %dma_start3A_59 = arith.constant 0 : i32
    %dma_start3A_60 = arith.constant 0 : i32
    %dma_start3A_61 = tpu.memref_slice %arg16[%dma_start3A_59, %dma_start3A_60] : memref<10000x64xf32, #tpu.memory_space<vmem_shared>> -> memref<10000x64xf32, #tpu.memory_space<vmem_shared>>
    tpu.enqueue_indirect_dma source(%arg11 : memref<80x64xf32, #tpu.memory_space<vmem>>) target(%dma_start3A_61 : memref<10000x64xf32, #tpu.memory_space<vmem_shared>>) offsets(%dma_start3A_58 : memref<80xi32, #tpu.memory_space<vmem>>) semaphore(%arg24 : memref<!tpu.dma_semaphore, #tpu.memory_space<semaphore_mem>>) {add = true}
    %dma_start3A_62 = arith.constant 4 : i32
    %dma_start3A_63 = arith.constant 0 : i32
    %dma_start3A_64 = tpu.memref_slice %arg8[%dma_start3A_62, %dma_start3A_63] : memref<250x80xi32, #tpu.memory_space<vmem>> -> memref<1x80xi32, #tpu.memory_space<vmem>>
    %dma_start3A_65 = tpu.memref_squeeze %dma_start3A_64 : memref<1x80xi32, #tpu.memory_space<vmem>> -> memref<80xi32, #tpu.memory_space<vmem>>
    %dma_start3A_66 = arith.constant 0 : i32
    %dma_start3A_67 = arith.constant 0 : i32
    %dma_start3A_68 = tpu.memref_slice %arg2[%dma_start3A_66, %dma_start3A_67] : memref<20000x64xf32, #tpu.memory_space<hbm>> -> memref<20000x64xf32, #tpu.memory_space<hbm>>
    tpu.enqueue_indirect_dma source(%dma_start3A_68 : memref<20000x64xf32, #tpu.memory_space<hbm>>) target(%arg14 : memref<80x64xf32, #tpu.memory_space<vmem>>) offsets(%dma_start3A_65 : memref<80xi32, #tpu.memory_space<vmem>>) semaphore(%arg21 : memref<!tpu.dma_semaphore, #tpu.memory_space<semaphore_mem>>)
    %dma_wait3A_69 = arith.constant 0 : i32
    %dma_wait3A_70 = arith.constant 0 : i32
    %dma_wait3A_71 = tpu.memref_slice %arg8[%dma_wait3A_69, %dma_wait3A_70] : memref<250x80xi32, #tpu.memory_space<vmem>> -> memref<1x80xi32, #tpu.memory_space<vmem>>
    %dma_wait3A_72 = tpu.memref_squeeze %dma_wait3A_71 : memref<1x80xi32, #tpu.memory_space<vmem>> -> memref<80xi32, #tpu.memory_space<vmem>>
    %dma_wait3A_73 = arith.constant 0 : i32
    %dma_wait3A_74 = arith.constant 0 : i32
    %dma_wait3A_75 = tpu.memref_slice %arg2[%dma_wait3A_73, %dma_wait3A_74] : memref<20000x64xf32, #tpu.memory_space<hbm>> -> memref<20000x64xf32, #tpu.memory_space<hbm>>
    tpu.wait_indirect_dma semaphore(%arg19 : memref<!tpu.dma_semaphore, #tpu.memory_space<semaphore_mem>>) src(%dma_wait3A_75 : memref<20000x64xf32, #tpu.memory_space<hbm>>) dst(%arg12 : memref<80x64xf32, #tpu.memory_space<vmem>>)
    %dma_start3A_76 = arith.constant 2 : i32
    %dma_start3A_77 = arith.constant 0 : i32
    %dma_start3A_78 = tpu.memref_slice %arg9[%dma_start3A_76, %dma_start3A_77] : memref<250x80xi32, #tpu.memory_space<vmem>> -> memref<1x80xi32, #tpu.memory_space<vmem>>
    %dma_start3A_79 = tpu.memref_squeeze %dma_start3A_78 : memref<1x80xi32, #tpu.memory_space<vmem>> -> memref<80xi32, #tpu.memory_space<vmem>>
    %dma_start3A_80 = arith.constant 0 : i32
    %dma_start3A_81 = arith.constant 0 : i32
    %dma_start3A_82 = tpu.memref_slice %arg16[%dma_start3A_80, %dma_start3A_81] : memref<10000x64xf32, #tpu.memory_space<vmem_shared>> -> memref<10000x64xf32, #tpu.memory_space<vmem_shared>>
    tpu.enqueue_indirect_dma source(%arg12 : memref<80x64xf32, #tpu.memory_space<vmem>>) target(%dma_start3A_82 : memref<10000x64xf32, #tpu.memory_space<vmem_shared>>) offsets(%dma_start3A_79 : memref<80xi32, #tpu.memory_space<vmem>>) semaphore(%arg25 : memref<!tpu.dma_semaphore, #tpu.memory_space<semaphore_mem>>) {add = true}
    %dma_start3A_83 = arith.constant 5 : i32
    %dma_start3A_84 = arith.constant 0 : i32
    %dma_start3A_85 = tpu.memref_slice %arg8[%dma_start3A_83, %dma_start3A_84] : memref<250x80xi32, #tpu.memory_space<vmem>> -> memref<1x80xi32, #tpu.memory_space<vmem>>
    %dma_start3A_86 = tpu.memref_squeeze %dma_start3A_85 : memref<1x80xi32, #tpu.memory_space<vmem>> -> memref<80xi32, #tpu.memory_space<vmem>>
    %dma_start3A_87 = arith.constant 0 : i32
    %dma_start3A_88 = arith.constant 0 : i32
    %dma_start3A_89 = tpu.memref_slice %arg2[%dma_start3A_87, %dma_start3A_88] : memref<20000x64xf32, #tpu.memory_space<hbm>> -> memref<20000x64xf32, #tpu.memory_space<hbm>>
    tpu.enqueue_indirect_dma source(%dma_start3A_89 : memref<20000x64xf32, #tpu.memory_space<hbm>>) target(%arg15 : memref<80x64xf32, #tpu.memory_space<vmem>>) offsets(%dma_start3A_86 : memref<80xi32, #tpu.memory_space<vmem>>) semaphore(%arg22 : memref<!tpu.dma_semaphore, #tpu.memory_space<semaphore_mem>>)
    %scan3A = arith.constant 0 : i32
    %scan3A_90 = arith.constant 0 : i32
    %scan3A_91 = arith.constant 40 : i32
    %scan3A_92 = arith.addi %scan3A_90, %scan3A_91 : i32
    %scan3A_93 = arith.constant 1 : i32
    scf.for %scan3A_292 = %scan3A_90 to %scan3A_92 step %scan3A_93  : i32 {
      %mul3A_293 = arith.constant 6 : i32
      %mul3A_294 = arith.muli %scan3A_292, %mul3A_293 : i32
      %add3A = arith.constant 3 : i32
      %add3A_295 = arith.addi %add3A, %mul3A_294 : i32
      %add3A_296 = arith.constant 0 : i32
      %add3A_297 = arith.addi %add3A_295, %add3A_296 : i32
      %dma_wait3A_298 = arith.constant 0 : i32
      %dma_wait3A_299 = arith.constant 0 : i32
      %dma_wait3A_300 = tpu.memref_slice %arg8[%dma_wait3A_298, %dma_wait3A_299] : memref<250x80xi32, #tpu.memory_space<vmem>> -> memref<1x80xi32, #tpu.memory_space<vmem>>
      %dma_wait3A_301 = tpu.memref_squeeze %dma_wait3A_300 : memref<1x80xi32, #tpu.memory_space<vmem>> -> memref<80xi32, #tpu.memory_space<vmem>>
      %dma_wait3A_302 = arith.constant 0 : i32
      %dma_wait3A_303 = arith.constant 0 : i32
      %dma_wait3A_304 = tpu.memref_slice %arg2[%dma_wait3A_302, %dma_wait3A_303] : memref<20000x64xf32, #tpu.memory_space<hbm>> -> memref<20000x64xf32, #tpu.memory_space<hbm>>
      tpu.wait_indirect_dma semaphore(%arg20 : memref<!tpu.dma_semaphore, #tpu.memory_space<semaphore_mem>>) src(%dma_wait3A_304 : memref<20000x64xf32, #tpu.memory_space<hbm>>) dst(%arg13 : memref<80x64xf32, #tpu.memory_space<vmem>>)
      %dma_start3A_305 = arith.constant 0 : i32
      %dma_start3A_306 = tpu.memref_slice %arg9[%add3A_297, %dma_start3A_305] : memref<250x80xi32, #tpu.memory_space<vmem>> -> memref<1x80xi32, #tpu.memory_space<vmem>>
      %dma_start3A_307 = tpu.memref_squeeze %dma_start3A_306 : memref<1x80xi32, #tpu.memory_space<vmem>> -> memref<80xi32, #tpu.memory_space<vmem>>
      %dma_start3A_308 = arith.constant 0 : i32
      %dma_start3A_309 = arith.constant 0 : i32
      %dma_start3A_310 = tpu.memref_slice %arg16[%dma_start3A_308, %dma_start3A_309] : memref<10000x64xf32, #tpu.memory_space<vmem_shared>> -> memref<10000x64xf32, #tpu.memory_space<vmem_shared>>
      tpu.enqueue_indirect_dma source(%arg13 : memref<80x64xf32, #tpu.memory_space<vmem>>) target(%dma_start3A_310 : memref<10000x64xf32, #tpu.memory_space<vmem_shared>>) offsets(%dma_start3A_307 : memref<80xi32, #tpu.memory_space<vmem>>) semaphore(%arg26 : memref<!tpu.dma_semaphore, #tpu.memory_space<semaphore_mem>>) {add = true}
      %dma_wait3A_311 = arith.constant 0 : i32
      %dma_wait3A_312 = arith.constant 0 : i32
      %dma_wait3A_313 = tpu.memref_slice %arg9[%dma_wait3A_311, %dma_wait3A_312] : memref<250x80xi32, #tpu.memory_space<vmem>> -> memref<1x80xi32, #tpu.memory_space<vmem>>
      %dma_wait3A_314 = tpu.memref_squeeze %dma_wait3A_313 : memref<1x80xi32, #tpu.memory_space<vmem>> -> memref<80xi32, #tpu.memory_space<vmem>>
      %dma_wait3A_315 = arith.constant 0 : i32
      %dma_wait3A_316 = arith.constant 0 : i32
      %dma_wait3A_317 = tpu.memref_slice %arg16[%dma_wait3A_315, %dma_wait3A_316] : memref<10000x64xf32, #tpu.memory_space<vmem_shared>> -> memref<10000x64xf32, #tpu.memory_space<vmem_shared>>
      tpu.wait_indirect_dma semaphore(%arg23 : memref<!tpu.dma_semaphore, #tpu.memory_space<semaphore_mem>>) src(%arg10 : memref<80x64xf32, #tpu.memory_space<vmem>>) dst(%dma_wait3A_317 : memref<10000x64xf32, #tpu.memory_space<vmem_shared>>)
      %add3A_318 = arith.constant 3 : i32
      %add3A_319 = arith.addi %add3A_297, %add3A_318 : i32
      %dma_start3A_320 = arith.constant 0 : i32
      %dma_start3A_321 = tpu.memref_slice %arg8[%add3A_319, %dma_start3A_320] : memref<250x80xi32, #tpu.memory_space<vmem>> -> memref<1x80xi32, #tpu.memory_space<vmem>>
      %dma_start3A_322 = tpu.memref_squeeze %dma_start3A_321 : memref<1x80xi32, #tpu.memory_space<vmem>> -> memref<80xi32, #tpu.memory_space<vmem>>
      %dma_start3A_323 = arith.constant 0 : i32
      %dma_start3A_324 = arith.constant 0 : i32
      %dma_start3A_325 = tpu.memref_slice %arg2[%dma_start3A_323, %dma_start3A_324] : memref<20000x64xf32, #tpu.memory_space<hbm>> -> memref<20000x64xf32, #tpu.memory_space<hbm>>
      tpu.enqueue_indirect_dma source(%dma_start3A_325 : memref<20000x64xf32, #tpu.memory_space<hbm>>) target(%arg10 : memref<80x64xf32, #tpu.memory_space<vmem>>) offsets(%dma_start3A_322 : memref<80xi32, #tpu.memory_space<vmem>>) semaphore(%arg17 : memref<!tpu.dma_semaphore, #tpu.memory_space<semaphore_mem>>)
      %add3A_326 = arith.constant 1 : i32
      %add3A_327 = arith.addi %add3A_295, %add3A_326 : i32
      %dma_wait3A_328 = arith.constant 0 : i32
      %dma_wait3A_329 = arith.constant 0 : i32
      %dma_wait3A_330 = tpu.memref_slice %arg8[%dma_wait3A_328, %dma_wait3A_329] : memref<250x80xi32, #tpu.memory_space<vmem>> -> memref<1x80xi32, #tpu.memory_space<vmem>>
      %dma_wait3A_331 = tpu.memref_squeeze %dma_wait3A_330 : memref<1x80xi32, #tpu.memory_space<vmem>> -> memref<80xi32, #tpu.memory_space<vmem>>
      %dma_wait3A_332 = arith.constant 0 : i32
      %dma_wait3A_333 = arith.constant 0 : i32
      %dma_wait3A_334 = tpu.memref_slice %arg2[%dma_wait3A_332, %dma_wait3A_333] : memref<20000x64xf32, #tpu.memory_space<hbm>> -> memref<20000x64xf32, #tpu.memory_space<hbm>>
      tpu.wait_indirect_dma semaphore(%arg21 : memref<!tpu.dma_semaphore, #tpu.memory_space<semaphore_mem>>) src(%dma_wait3A_334 : memref<20000x64xf32, #tpu.memory_space<hbm>>) dst(%arg14 : memref<80x64xf32, #tpu.memory_space<vmem>>)
      %dma_start3A_335 = arith.constant 0 : i32
      %dma_start3A_336 = tpu.memref_slice %arg9[%add3A_327, %dma_start3A_335] : memref<250x80xi32, #tpu.memory_space<vmem>> -> memref<1x80xi32, #tpu.memory_space<vmem>>
      %dma_start3A_337 = tpu.memref_squeeze %dma_start3A_336 : memref<1x80xi32, #tpu.memory_space<vmem>> -> memref<80xi32, #tpu.memory_space<vmem>>
      %dma_start3A_338 = arith.constant 0 : i32
      %dma_start3A_339 = arith.constant 0 : i32
      %dma_start3A_340 = tpu.memref_slice %arg16[%dma_start3A_338, %dma_start3A_339] : memref<10000x64xf32, #tpu.memory_space<vmem_shared>> -> memref<10000x64xf32, #tpu.memory_space<vmem_shared>>
      tpu.enqueue_indirect_dma source(%arg14 : memref<80x64xf32, #tpu.memory_space<vmem>>) target(%dma_start3A_340 : memref<10000x64xf32, #tpu.memory_space<vmem_shared>>) offsets(%dma_start3A_337 : memref<80xi32, #tpu.memory_space<vmem>>) semaphore(%arg27 : memref<!tpu.dma_semaphore, #tpu.memory_space<semaphore_mem>>) {add = true}
      %dma_wait3A_341 = arith.constant 0 : i32
      %dma_wait3A_342 = arith.constant 0 : i32
      %dma_wait3A_343 = tpu.memref_slice %arg9[%dma_wait3A_341, %dma_wait3A_342] : memref<250x80xi32, #tpu.memory_space<vmem>> -> memref<1x80xi32, #tpu.memory_space<vmem>>
      %dma_wait3A_344 = tpu.memref_squeeze %dma_wait3A_343 : memref<1x80xi32, #tpu.memory_space<vmem>> -> memref<80xi32, #tpu.memory_space<vmem>>
      %dma_wait3A_345 = arith.constant 0 : i32
      %dma_wait3A_346 = arith.constant 0 : i32
      %dma_wait3A_347 = tpu.memref_slice %arg16[%dma_wait3A_345, %dma_wait3A_346] : memref<10000x64xf32, #tpu.memory_space<vmem_shared>> -> memref<10000x64xf32, #tpu.memory_space<vmem_shared>>
      tpu.wait_indirect_dma semaphore(%arg24 : memref<!tpu.dma_semaphore, #tpu.memory_space<semaphore_mem>>) src(%arg11 : memref<80x64xf32, #tpu.memory_space<vmem>>) dst(%dma_wait3A_347 : memref<10000x64xf32, #tpu.memory_space<vmem_shared>>)
      %add3A_348 = arith.constant 3 : i32
      %add3A_349 = arith.addi %add3A_327, %add3A_348 : i32
      %dma_start3A_350 = arith.constant 0 : i32
      %dma_start3A_351 = tpu.memref_slice %arg8[%add3A_349, %dma_start3A_350] : memref<250x80xi32, #tpu.memory_space<vmem>> -> memref<1x80xi32, #tpu.memory_space<vmem>>
      %dma_start3A_352 = tpu.memref_squeeze %dma_start3A_351 : memref<1x80xi32, #tpu.memory_space<vmem>> -> memref<80xi32, #tpu.memory_space<vmem>>
      %dma_start3A_353 = arith.constant 0 : i32
      %dma_start3A_354 = arith.constant 0 : i32
      %dma_start3A_355 = tpu.memref_slice %arg2[%dma_start3A_353, %dma_start3A_354] : memref<20000x64xf32, #tpu.memory_space<hbm>> -> memref<20000x64xf32, #tpu.memory_space<hbm>>
      tpu.enqueue_indirect_dma source(%dma_start3A_355 : memref<20000x64xf32, #tpu.memory_space<hbm>>) target(%arg11 : memref<80x64xf32, #tpu.memory_space<vmem>>) offsets(%dma_start3A_352 : memref<80xi32, #tpu.memory_space<vmem>>) semaphore(%arg18 : memref<!tpu.dma_semaphore, #tpu.memory_space<semaphore_mem>>)
      %add3A_356 = arith.constant 2 : i32
      %add3A_357 = arith.addi %add3A_295, %add3A_356 : i32
      %dma_wait3A_358 = arith.constant 0 : i32
      %dma_wait3A_359 = arith.constant 0 : i32
      %dma_wait3A_360 = tpu.memref_slice %arg8[%dma_wait3A_358, %dma_wait3A_359] : memref<250x80xi32, #tpu.memory_space<vmem>> -> memref<1x80xi32, #tpu.memory_space<vmem>>
      %dma_wait3A_361 = tpu.memref_squeeze %dma_wait3A_360 : memref<1x80xi32, #tpu.memory_space<vmem>> -> memref<80xi32, #tpu.memory_space<vmem>>
      %dma_wait3A_362 = arith.constant 0 : i32
      %dma_wait3A_363 = arith.constant 0 : i32
      %dma_wait3A_364 = tpu.memref_slice %arg2[%dma_wait3A_362, %dma_wait3A_363] : memref<20000x64xf32, #tpu.memory_space<hbm>> -> memref<20000x64xf32, #tpu.memory_space<hbm>>
      tpu.wait_indirect_dma semaphore(%arg22 : memref<!tpu.dma_semaphore, #tpu.memory_space<semaphore_mem>>) src(%dma_wait3A_364 : memref<20000x64xf32, #tpu.memory_space<hbm>>) dst(%arg15 : memref<80x64xf32, #tpu.memory_space<vmem>>)
      %dma_start3A_365 = arith.constant 0 : i32
      %dma_start3A_366 = tpu.memref_slice %arg9[%add3A_357, %dma_start3A_365] : memref<250x80xi32, #tpu.memory_space<vmem>> -> memref<1x80xi32, #tpu.memory_space<vmem>>
      %dma_start3A_367 = tpu.memref_squeeze %dma_start3A_366 : memref<1x80xi32, #tpu.memory_space<vmem>> -> memref<80xi32, #tpu.memory_space<vmem>>
      %dma_start3A_368 = arith.constant 0 : i32
      %dma_start3A_369 = arith.constant 0 : i32
      %dma_start3A_370 = tpu.memref_slice %arg16[%dma_start3A_368, %dma_start3A_369] : memref<10000x64xf32, #tpu.memory_space<vmem_shared>> -> memref<10000x64xf32, #tpu.memory_space<vmem_shared>>
      tpu.enqueue_indirect_dma source(%arg15 : memref<80x64xf32, #tpu.memory_space<vmem>>) target(%dma_start3A_370 : memref<10000x64xf32, #tpu.memory_space<vmem_shared>>) offsets(%dma_start3A_367 : memref<80xi32, #tpu.memory_space<vmem>>) semaphore(%arg28 : memref<!tpu.dma_semaphore, #tpu.memory_space<semaphore_mem>>) {add = true}
      %dma_wait3A_371 = arith.constant 0 : i32
      %dma_wait3A_372 = arith.constant 0 : i32
      %dma_wait3A_373 = tpu.memref_slice %arg9[%dma_wait3A_371, %dma_wait3A_372] : memref<250x80xi32, #tpu.memory_space<vmem>> -> memref<1x80xi32, #tpu.memory_space<vmem>>
      %dma_wait3A_374 = tpu.memref_squeeze %dma_wait3A_373 : memref<1x80xi32, #tpu.memory_space<vmem>> -> memref<80xi32, #tpu.memory_space<vmem>>
      %dma_wait3A_375 = arith.constant 0 : i32
      %dma_wait3A_376 = arith.constant 0 : i32
      %dma_wait3A_377 = tpu.memref_slice %arg16[%dma_wait3A_375, %dma_wait3A_376] : memref<10000x64xf32, #tpu.memory_space<vmem_shared>> -> memref<10000x64xf32, #tpu.memory_space<vmem_shared>>
      tpu.wait_indirect_dma semaphore(%arg25 : memref<!tpu.dma_semaphore, #tpu.memory_space<semaphore_mem>>) src(%arg12 : memref<80x64xf32, #tpu.memory_space<vmem>>) dst(%dma_wait3A_377 : memref<10000x64xf32, #tpu.memory_space<vmem_shared>>)
      %add3A_378 = arith.constant 3 : i32
      %add3A_379 = arith.addi %add3A_357, %add3A_378 : i32
      %dma_start3A_380 = arith.constant 0 : i32
      %dma_start3A_381 = tpu.memref_slice %arg8[%add3A_379, %dma_start3A_380] : memref<250x80xi32, #tpu.memory_space<vmem>> -> memref<1x80xi32, #tpu.memory_space<vmem>>
      %dma_start3A_382 = tpu.memref_squeeze %dma_start3A_381 : memref<1x80xi32, #tpu.memory_space<vmem>> -> memref<80xi32, #tpu.memory_space<vmem>>
      %dma_start3A_383 = arith.constant 0 : i32
      %dma_start3A_384 = arith.constant 0 : i32
      %dma_start3A_385 = tpu.memref_slice %arg2[%dma_start3A_383, %dma_start3A_384] : memref<20000x64xf32, #tpu.memory_space<hbm>> -> memref<20000x64xf32, #tpu.memory_space<hbm>>
      tpu.enqueue_indirect_dma source(%dma_start3A_385 : memref<20000x64xf32, #tpu.memory_space<hbm>>) target(%arg12 : memref<80x64xf32, #tpu.memory_space<vmem>>) offsets(%dma_start3A_382 : memref<80xi32, #tpu.memory_space<vmem>>) semaphore(%arg19 : memref<!tpu.dma_semaphore, #tpu.memory_space<semaphore_mem>>)
      %add3A_386 = arith.constant 3 : i32
      %add3A_387 = arith.addi %add3A_295, %add3A_386 : i32
      %dma_wait3A_388 = arith.constant 0 : i32
      %dma_wait3A_389 = arith.constant 0 : i32
      %dma_wait3A_390 = tpu.memref_slice %arg8[%dma_wait3A_388, %dma_wait3A_389] : memref<250x80xi32, #tpu.memory_space<vmem>> -> memref<1x80xi32, #tpu.memory_space<vmem>>
      %dma_wait3A_391 = tpu.memref_squeeze %dma_wait3A_390 : memref<1x80xi32, #tpu.memory_space<vmem>> -> memref<80xi32, #tpu.memory_space<vmem>>
      %dma_wait3A_392 = arith.constant 0 : i32
      %dma_wait3A_393 = arith.constant 0 : i32
      %dma_wait3A_394 = tpu.memref_slice %arg2[%dma_wait3A_392, %dma_wait3A_393] : memref<20000x64xf32, #tpu.memory_space<hbm>> -> memref<20000x64xf32, #tpu.memory_space<hbm>>
      tpu.wait_indirect_dma semaphore(%arg17 : memref<!tpu.dma_semaphore, #tpu.memory_space<semaphore_mem>>) src(%dma_wait3A_394 : memref<20000x64xf32, #tpu.memory_space<hbm>>) dst(%arg10 : memref<80x64xf32, #tpu.memory_space<vmem>>)
      %dma_start3A_395 = arith.constant 0 : i32
      %dma_start3A_396 = tpu.memref_slice %arg9[%add3A_387, %dma_start3A_395] : memref<250x80xi32, #tpu.memory_space<vmem>> -> memref<1x80xi32, #tpu.memory_space<vmem>>
      %dma_start3A_397 = tpu.memref_squeeze %dma_start3A_396 : memref<1x80xi32, #tpu.memory_space<vmem>> -> memref<80xi32, #tpu.memory_space<vmem>>
      %dma_start3A_398 = arith.constant 0 : i32
      %dma_start3A_399 = arith.constant 0 : i32
      %dma_start3A_400 = tpu.memref_slice %arg16[%dma_start3A_398, %dma_start3A_399] : memref<10000x64xf32, #tpu.memory_space<vmem_shared>> -> memref<10000x64xf32, #tpu.memory_space<vmem_shared>>
      tpu.enqueue_indirect_dma source(%arg10 : memref<80x64xf32, #tpu.memory_space<vmem>>) target(%dma_start3A_400 : memref<10000x64xf32, #tpu.memory_space<vmem_shared>>) offsets(%dma_start3A_397 : memref<80xi32, #tpu.memory_space<vmem>>) semaphore(%arg23 : memref<!tpu.dma_semaphore, #tpu.memory_space<semaphore_mem>>) {add = true}
      %dma_wait3A_401 = arith.constant 0 : i32
      %dma_wait3A_402 = arith.constant 0 : i32
      %dma_wait3A_403 = tpu.memref_slice %arg9[%dma_wait3A_401, %dma_wait3A_402] : memref<250x80xi32, #tpu.memory_space<vmem>> -> memref<1x80xi32, #tpu.memory_space<vmem>>
      %dma_wait3A_404 = tpu.memref_squeeze %dma_wait3A_403 : memref<1x80xi32, #tpu.memory_space<vmem>> -> memref<80xi32, #tpu.memory_space<vmem>>
      %dma_wait3A_405 = arith.constant 0 : i32
      %dma_wait3A_406 = arith.constant 0 : i32
      %dma_wait3A_407 = tpu.memref_slice %arg16[%dma_wait3A_405, %dma_wait3A_406] : memref<10000x64xf32, #tpu.memory_space<vmem_shared>> -> memref<10000x64xf32, #tpu.memory_space<vmem_shared>>
      tpu.wait_indirect_dma semaphore(%arg26 : memref<!tpu.dma_semaphore, #tpu.memory_space<semaphore_mem>>) src(%arg13 : memref<80x64xf32, #tpu.memory_space<vmem>>) dst(%dma_wait3A_407 : memref<10000x64xf32, #tpu.memory_space<vmem_shared>>)
      %add3A_408 = arith.constant 3 : i32
      %add3A_409 = arith.addi %add3A_387, %add3A_408 : i32
      %dma_start3A_410 = arith.constant 0 : i32
      %dma_start3A_411 = tpu.memref_slice %arg8[%add3A_409, %dma_start3A_410] : memref<250x80xi32, #tpu.memory_space<vmem>> -> memref<1x80xi32, #tpu.memory_space<vmem>>
      %dma_start3A_412 = tpu.memref_squeeze %dma_start3A_411 : memref<1x80xi32, #tpu.memory_space<vmem>> -> memref<80xi32, #tpu.memory_space<vmem>>
      %dma_start3A_413 = arith.constant 0 : i32
      %dma_start3A_414 = arith.constant 0 : i32
      %dma_start3A_415 = tpu.memref_slice %arg2[%dma_start3A_413, %dma_start3A_414] : memref<20000x64xf32, #tpu.memory_space<hbm>> -> memref<20000x64xf32, #tpu.memory_space<hbm>>
      tpu.enqueue_indirect_dma source(%dma_start3A_415 : memref<20000x64xf32, #tpu.memory_space<hbm>>) target(%arg13 : memref<80x64xf32, #tpu.memory_space<vmem>>) offsets(%dma_start3A_412 : memref<80xi32, #tpu.memory_space<vmem>>) semaphore(%arg20 : memref<!tpu.dma_semaphore, #tpu.memory_space<semaphore_mem>>)
      %add3A_416 = arith.constant 4 : i32
      %add3A_417 = arith.addi %add3A_295, %add3A_416 : i32
      %dma_wait3A_418 = arith.constant 0 : i32
      %dma_wait3A_419 = arith.constant 0 : i32
      %dma_wait3A_420 = tpu.memref_slice %arg8[%dma_wait3A_418, %dma_wait3A_419] : memref<250x80xi32, #tpu.memory_space<vmem>> -> memref<1x80xi32, #tpu.memory_space<vmem>>
      %dma_wait3A_421 = tpu.memref_squeeze %dma_wait3A_420 : memref<1x80xi32, #tpu.memory_space<vmem>> -> memref<80xi32, #tpu.memory_space<vmem>>
      %dma_wait3A_422 = arith.constant 0 : i32
      %dma_wait3A_423 = arith.constant 0 : i32
      %dma_wait3A_424 = tpu.memref_slice %arg2[%dma_wait3A_422, %dma_wait3A_423] : memref<20000x64xf32, #tpu.memory_space<hbm>> -> memref<20000x64xf32, #tpu.memory_space<hbm>>
      tpu.wait_indirect_dma semaphore(%arg18 : memref<!tpu.dma_semaphore, #tpu.memory_space<semaphore_mem>>) src(%dma_wait3A_424 : memref<20000x64xf32, #tpu.memory_space<hbm>>) dst(%arg11 : memref<80x64xf32, #tpu.memory_space<vmem>>)
      %dma_start3A_425 = arith.constant 0 : i32
      %dma_start3A_426 = tpu.memref_slice %arg9[%add3A_417, %dma_start3A_425] : memref<250x80xi32, #tpu.memory_space<vmem>> -> memref<1x80xi32, #tpu.memory_space<vmem>>
      %dma_start3A_427 = tpu.memref_squeeze %dma_start3A_426 : memref<1x80xi32, #tpu.memory_space<vmem>> -> memref<80xi32, #tpu.memory_space<vmem>>
      %dma_start3A_428 = arith.constant 0 : i32
      %dma_start3A_429 = arith.constant 0 : i32
      %dma_start3A_430 = tpu.memref_slice %arg16[%dma_start3A_428, %dma_start3A_429] : memref<10000x64xf32, #tpu.memory_space<vmem_shared>> -> memref<10000x64xf32, #tpu.memory_space<vmem_shared>>
      tpu.enqueue_indirect_dma source(%arg11 : memref<80x64xf32, #tpu.memory_space<vmem>>) target(%dma_start3A_430 : memref<10000x64xf32, #tpu.memory_space<vmem_shared>>) offsets(%dma_start3A_427 : memref<80xi32, #tpu.memory_space<vmem>>) semaphore(%arg24 : memref<!tpu.dma_semaphore, #tpu.memory_space<semaphore_mem>>) {add = true}
      %dma_wait3A_431 = arith.constant 0 : i32
      %dma_wait3A_432 = arith.constant 0 : i32
      %dma_wait3A_433 = tpu.memref_slice %arg9[%dma_wait3A_431, %dma_wait3A_432] : memref<250x80xi32, #tpu.memory_space<vmem>> -> memref<1x80xi32, #tpu.memory_space<vmem>>
      %dma_wait3A_434 = tpu.memref_squeeze %dma_wait3A_433 : memref<1x80xi32, #tpu.memory_space<vmem>> -> memref<80xi32, #tpu.memory_space<vmem>>
      %dma_wait3A_435 = arith.constant 0 : i32
      %dma_wait3A_436 = arith.constant 0 : i32
      %dma_wait3A_437 = tpu.memref_slice %arg16[%dma_wait3A_435, %dma_wait3A_436] : memref<10000x64xf32, #tpu.memory_space<vmem_shared>> -> memref<10000x64xf32, #tpu.memory_space<vmem_shared>>
      tpu.wait_indirect_dma semaphore(%arg27 : memref<!tpu.dma_semaphore, #tpu.memory_space<semaphore_mem>>) src(%arg14 : memref<80x64xf32, #tpu.memory_space<vmem>>) dst(%dma_wait3A_437 : memref<10000x64xf32, #tpu.memory_space<vmem_shared>>)
      %add3A_438 = arith.constant 3 : i32
      %add3A_439 = arith.addi %add3A_417, %add3A_438 : i32
      %dma_start3A_440 = arith.constant 0 : i32
      %dma_start3A_441 = tpu.memref_slice %arg8[%add3A_439, %dma_start3A_440] : memref<250x80xi32, #tpu.memory_space<vmem>> -> memref<1x80xi32, #tpu.memory_space<vmem>>
      %dma_start3A_442 = tpu.memref_squeeze %dma_start3A_441 : memref<1x80xi32, #tpu.memory_space<vmem>> -> memref<80xi32, #tpu.memory_space<vmem>>
      %dma_start3A_443 = arith.constant 0 : i32
      %dma_start3A_444 = arith.constant 0 : i32
      %dma_start3A_445 = tpu.memref_slice %arg2[%dma_start3A_443, %dma_start3A_444] : memref<20000x64xf32, #tpu.memory_space<hbm>> -> memref<20000x64xf32, #tpu.memory_space<hbm>>
      tpu.enqueue_indirect_dma source(%dma_start3A_445 : memref<20000x64xf32, #tpu.memory_space<hbm>>) target(%arg14 : memref<80x64xf32, #tpu.memory_space<vmem>>) offsets(%dma_start3A_442 : memref<80xi32, #tpu.memory_space<vmem>>) semaphore(%arg21 : memref<!tpu.dma_semaphore, #tpu.memory_space<semaphore_mem>>)
      %add3A_446 = arith.constant 5 : i32
      %add3A_447 = arith.addi %add3A_295, %add3A_446 : i32
      %dma_wait3A_448 = arith.constant 0 : i32
      %dma_wait3A_449 = arith.constant 0 : i32
      %dma_wait3A_450 = tpu.memref_slice %arg8[%dma_wait3A_448, %dma_wait3A_449] : memref<250x80xi32, #tpu.memory_space<vmem>> -> memref<1x80xi32, #tpu.memory_space<vmem>>
      %dma_wait3A_451 = tpu.memref_squeeze %dma_wait3A_450 : memref<1x80xi32, #tpu.memory_space<vmem>> -> memref<80xi32, #tpu.memory_space<vmem>>
      %dma_wait3A_452 = arith.constant 0 : i32
      %dma_wait3A_453 = arith.constant 0 : i32
      %dma_wait3A_454 = tpu.memref_slice %arg2[%dma_wait3A_452, %dma_wait3A_453] : memref<20000x64xf32, #tpu.memory_space<hbm>> -> memref<20000x64xf32, #tpu.memory_space<hbm>>
      tpu.wait_indirect_dma semaphore(%arg19 : memref<!tpu.dma_semaphore, #tpu.memory_space<semaphore_mem>>) src(%dma_wait3A_454 : memref<20000x64xf32, #tpu.memory_space<hbm>>) dst(%arg12 : memref<80x64xf32, #tpu.memory_space<vmem>>)
      %dma_start3A_455 = arith.constant 0 : i32
      %dma_start3A_456 = tpu.memref_slice %arg9[%add3A_447, %dma_start3A_455] : memref<250x80xi32, #tpu.memory_space<vmem>> -> memref<1x80xi32, #tpu.memory_space<vmem>>
      %dma_start3A_457 = tpu.memref_squeeze %dma_start3A_456 : memref<1x80xi32, #tpu.memory_space<vmem>> -> memref<80xi32, #tpu.memory_space<vmem>>
      %dma_start3A_458 = arith.constant 0 : i32
      %dma_start3A_459 = arith.constant 0 : i32
      %dma_start3A_460 = tpu.memref_slice %arg16[%dma_start3A_458, %dma_start3A_459] : memref<10000x64xf32, #tpu.memory_space<vmem_shared>> -> memref<10000x64xf32, #tpu.memory_space<vmem_shared>>
      tpu.enqueue_indirect_dma source(%arg12 : memref<80x64xf32, #tpu.memory_space<vmem>>) target(%dma_start3A_460 : memref<10000x64xf32, #tpu.memory_space<vmem_shared>>) offsets(%dma_start3A_457 : memref<80xi32, #tpu.memory_space<vmem>>) semaphore(%arg25 : memref<!tpu.dma_semaphore, #tpu.memory_space<semaphore_mem>>) {add = true}
      %dma_wait3A_461 = arith.constant 0 : i32
      %dma_wait3A_462 = arith.constant 0 : i32
      %dma_wait3A_463 = tpu.memref_slice %arg9[%dma_wait3A_461, %dma_wait3A_462] : memref<250x80xi32, #tpu.memory_space<vmem>> -> memref<1x80xi32, #tpu.memory_space<vmem>>
      %dma_wait3A_464 = tpu.memref_squeeze %dma_wait3A_463 : memref<1x80xi32, #tpu.memory_space<vmem>> -> memref<80xi32, #tpu.memory_space<vmem>>
      %dma_wait3A_465 = arith.constant 0 : i32
      %dma_wait3A_466 = arith.constant 0 : i32
      %dma_wait3A_467 = tpu.memref_slice %arg16[%dma_wait3A_465, %dma_wait3A_466] : memref<10000x64xf32, #tpu.memory_space<vmem_shared>> -> memref<10000x64xf32, #tpu.memory_space<vmem_shared>>
      tpu.wait_indirect_dma semaphore(%arg28 : memref<!tpu.dma_semaphore, #tpu.memory_space<semaphore_mem>>) src(%arg15 : memref<80x64xf32, #tpu.memory_space<vmem>>) dst(%dma_wait3A_467 : memref<10000x64xf32, #tpu.memory_space<vmem_shared>>)
      %add3A_468 = arith.constant 3 : i32
      %add3A_469 = arith.addi %add3A_447, %add3A_468 : i32
      %dma_start3A_470 = arith.constant 0 : i32
      %dma_start3A_471 = tpu.memref_slice %arg8[%add3A_469, %dma_start3A_470] : memref<250x80xi32, #tpu.memory_space<vmem>> -> memref<1x80xi32, #tpu.memory_space<vmem>>
      %dma_start3A_472 = tpu.memref_squeeze %dma_start3A_471 : memref<1x80xi32, #tpu.memory_space<vmem>> -> memref<80xi32, #tpu.memory_space<vmem>>
      %dma_start3A_473 = arith.constant 0 : i32
      %dma_start3A_474 = arith.constant 0 : i32
      %dma_start3A_475 = tpu.memref_slice %arg2[%dma_start3A_473, %dma_start3A_474] : memref<20000x64xf32, #tpu.memory_space<hbm>> -> memref<20000x64xf32, #tpu.memory_space<hbm>>
      tpu.enqueue_indirect_dma source(%dma_start3A_475 : memref<20000x64xf32, #tpu.memory_space<hbm>>) target(%arg15 : memref<80x64xf32, #tpu.memory_space<vmem>>) offsets(%dma_start3A_472 : memref<80xi32, #tpu.memory_space<vmem>>) semaphore(%arg22 : memref<!tpu.dma_semaphore, #tpu.memory_space<semaphore_mem>>)
    }
    %scan3A_94 = arith.constant 40 : i32
    %dma_wait3A_95 = arith.constant 0 : i32
    %dma_wait3A_96 = arith.constant 0 : i32
    %dma_wait3A_97 = tpu.memref_slice %arg8[%dma_wait3A_95, %dma_wait3A_96] : memref<250x80xi32, #tpu.memory_space<vmem>> -> memref<1x80xi32, #tpu.memory_space<vmem>>
    %dma_wait3A_98 = tpu.memref_squeeze %dma_wait3A_97 : memref<1x80xi32, #tpu.memory_space<vmem>> -> memref<80xi32, #tpu.memory_space<vmem>>
    %dma_wait3A_99 = arith.constant 0 : i32
    %dma_wait3A_100 = arith.constant 0 : i32
    %dma_wait3A_101 = tpu.memref_slice %arg2[%dma_wait3A_99, %dma_wait3A_100] : memref<20000x64xf32, #tpu.memory_space<hbm>> -> memref<20000x64xf32, #tpu.memory_space<hbm>>
    tpu.wait_indirect_dma semaphore(%arg20 : memref<!tpu.dma_semaphore, #tpu.memory_space<semaphore_mem>>) src(%dma_wait3A_101 : memref<20000x64xf32, #tpu.memory_space<hbm>>) dst(%arg13 : memref<80x64xf32, #tpu.memory_space<vmem>>)
    %dma_start3A_102 = arith.constant 243 : i32
    %dma_start3A_103 = arith.constant 0 : i32
    %dma_start3A_104 = tpu.memref_slice %arg9[%dma_start3A_102, %dma_start3A_103] : memref<250x80xi32, #tpu.memory_space<vmem>> -> memref<1x80xi32, #tpu.memory_space<vmem>>
    %dma_start3A_105 = tpu.memref_squeeze %dma_start3A_104 : memref<1x80xi32, #tpu.memory_space<vmem>> -> memref<80xi32, #tpu.memory_space<vmem>>
    %dma_start3A_106 = arith.constant 0 : i32
    %dma_start3A_107 = arith.constant 0 : i32
    %dma_start3A_108 = tpu.memref_slice %arg16[%dma_start3A_106, %dma_start3A_107] : memref<10000x64xf32, #tpu.memory_space<vmem_shared>> -> memref<10000x64xf32, #tpu.memory_space<vmem_shared>>
    tpu.enqueue_indirect_dma source(%arg13 : memref<80x64xf32, #tpu.memory_space<vmem>>) target(%dma_start3A_108 : memref<10000x64xf32, #tpu.memory_space<vmem_shared>>) offsets(%dma_start3A_105 : memref<80xi32, #tpu.memory_space<vmem>>) semaphore(%arg26 : memref<!tpu.dma_semaphore, #tpu.memory_space<semaphore_mem>>) {add = true}
    %dma_wait3A_109 = arith.constant 0 : i32
    %dma_wait3A_110 = arith.constant 0 : i32
    %dma_wait3A_111 = tpu.memref_slice %arg9[%dma_wait3A_109, %dma_wait3A_110] : memref<250x80xi32, #tpu.memory_space<vmem>> -> memref<1x80xi32, #tpu.memory_space<vmem>>
    %dma_wait3A_112 = tpu.memref_squeeze %dma_wait3A_111 : memref<1x80xi32, #tpu.memory_space<vmem>> -> memref<80xi32, #tpu.memory_space<vmem>>
    %dma_wait3A_113 = arith.constant 0 : i32
    %dma_wait3A_114 = arith.constant 0 : i32
    %dma_wait3A_115 = tpu.memref_slice %arg16[%dma_wait3A_113, %dma_wait3A_114] : memref<10000x64xf32, #tpu.memory_space<vmem_shared>> -> memref<10000x64xf32, #tpu.memory_space<vmem_shared>>
    tpu.wait_indirect_dma semaphore(%arg23 : memref<!tpu.dma_semaphore, #tpu.memory_space<semaphore_mem>>) src(%arg10 : memref<80x64xf32, #tpu.memory_space<vmem>>) dst(%dma_wait3A_115 : memref<10000x64xf32, #tpu.memory_space<vmem_shared>>)
    %dma_start3A_116 = arith.constant 246 : i32
    %dma_start3A_117 = arith.constant 0 : i32
    %dma_start3A_118 = tpu.memref_slice %arg8[%dma_start3A_116, %dma_start3A_117] : memref<250x80xi32, #tpu.memory_space<vmem>> -> memref<1x80xi32, #tpu.memory_space<vmem>>
    %dma_start3A_119 = tpu.memref_squeeze %dma_start3A_118 : memref<1x80xi32, #tpu.memory_space<vmem>> -> memref<80xi32, #tpu.memory_space<vmem>>
    %dma_start3A_120 = arith.constant 0 : i32
    %dma_start3A_121 = arith.constant 0 : i32
    %dma_start3A_122 = tpu.memref_slice %arg2[%dma_start3A_120, %dma_start3A_121] : memref<20000x64xf32, #tpu.memory_space<hbm>> -> memref<20000x64xf32, #tpu.memory_space<hbm>>
    tpu.enqueue_indirect_dma source(%dma_start3A_122 : memref<20000x64xf32, #tpu.memory_space<hbm>>) target(%arg10 : memref<80x64xf32, #tpu.memory_space<vmem>>) offsets(%dma_start3A_119 : memref<80xi32, #tpu.memory_space<vmem>>) semaphore(%arg17 : memref<!tpu.dma_semaphore, #tpu.memory_space<semaphore_mem>>)
    %dma_wait3A_123 = arith.constant 0 : i32
    %dma_wait3A_124 = arith.constant 0 : i32
    %dma_wait3A_125 = tpu.memref_slice %arg8[%dma_wait3A_123, %dma_wait3A_124] : memref<250x80xi32, #tpu.memory_space<vmem>> -> memref<1x80xi32, #tpu.memory_space<vmem>>
    %dma_wait3A_126 = tpu.memref_squeeze %dma_wait3A_125 : memref<1x80xi32, #tpu.memory_space<vmem>> -> memref<80xi32, #tpu.memory_space<vmem>>
    %dma_wait3A_127 = arith.constant 0 : i32
    %dma_wait3A_128 = arith.constant 0 : i32
    %dma_wait3A_129 = tpu.memref_slice %arg2[%dma_wait3A_127, %dma_wait3A_128] : memref<20000x64xf32, #tpu.memory_space<hbm>> -> memref<20000x64xf32, #tpu.memory_space<hbm>>
    tpu.wait_indirect_dma semaphore(%arg21 : memref<!tpu.dma_semaphore, #tpu.memory_space<semaphore_mem>>) src(%dma_wait3A_129 : memref<20000x64xf32, #tpu.memory_space<hbm>>) dst(%arg14 : memref<80x64xf32, #tpu.memory_space<vmem>>)
    %dma_start3A_130 = arith.constant 244 : i32
    %dma_start3A_131 = arith.constant 0 : i32
    %dma_start3A_132 = tpu.memref_slice %arg9[%dma_start3A_130, %dma_start3A_131] : memref<250x80xi32, #tpu.memory_space<vmem>> -> memref<1x80xi32, #tpu.memory_space<vmem>>
    %dma_start3A_133 = tpu.memref_squeeze %dma_start3A_132 : memref<1x80xi32, #tpu.memory_space<vmem>> -> memref<80xi32, #tpu.memory_space<vmem>>
    %dma_start3A_134 = arith.constant 0 : i32
    %dma_start3A_135 = arith.constant 0 : i32
    %dma_start3A_136 = tpu.memref_slice %arg16[%dma_start3A_134, %dma_start3A_135] : memref<10000x64xf32, #tpu.memory_space<vmem_shared>> -> memref<10000x64xf32, #tpu.memory_space<vmem_shared>>
    tpu.enqueue_indirect_dma source(%arg14 : memref<80x64xf32, #tpu.memory_space<vmem>>) target(%dma_start3A_136 : memref<10000x64xf32, #tpu.memory_space<vmem_shared>>) offsets(%dma_start3A_133 : memref<80xi32, #tpu.memory_space<vmem>>) semaphore(%arg27 : memref<!tpu.dma_semaphore, #tpu.memory_space<semaphore_mem>>) {add = true}
    %dma_wait3A_137 = arith.constant 0 : i32
    %dma_wait3A_138 = arith.constant 0 : i32
    %dma_wait3A_139 = tpu.memref_slice %arg9[%dma_wait3A_137, %dma_wait3A_138] : memref<250x80xi32, #tpu.memory_space<vmem>> -> memref<1x80xi32, #tpu.memory_space<vmem>>
    %dma_wait3A_140 = tpu.memref_squeeze %dma_wait3A_139 : memref<1x80xi32, #tpu.memory_space<vmem>> -> memref<80xi32, #tpu.memory_space<vmem>>
    %dma_wait3A_141 = arith.constant 0 : i32
    %dma_wait3A_142 = arith.constant 0 : i32
    %dma_wait3A_143 = tpu.memref_slice %arg16[%dma_wait3A_141, %dma_wait3A_142] : memref<10000x64xf32, #tpu.memory_space<vmem_shared>> -> memref<10000x64xf32, #tpu.memory_space<vmem_shared>>
    tpu.wait_indirect_dma semaphore(%arg24 : memref<!tpu.dma_semaphore, #tpu.memory_space<semaphore_mem>>) src(%arg11 : memref<80x64xf32, #tpu.memory_space<vmem>>) dst(%dma_wait3A_143 : memref<10000x64xf32, #tpu.memory_space<vmem_shared>>)
    %dma_start3A_144 = arith.constant 247 : i32
    %dma_start3A_145 = arith.constant 0 : i32
    %dma_start3A_146 = tpu.memref_slice %arg8[%dma_start3A_144, %dma_start3A_145] : memref<250x80xi32, #tpu.memory_space<vmem>> -> memref<1x80xi32, #tpu.memory_space<vmem>>
    %dma_start3A_147 = tpu.memref_squeeze %dma_start3A_146 : memref<1x80xi32, #tpu.memory_space<vmem>> -> memref<80xi32, #tpu.memory_space<vmem>>
    %dma_start3A_148 = arith.constant 0 : i32
    %dma_start3A_149 = arith.constant 0 : i32
    %dma_start3A_150 = tpu.memref_slice %arg2[%dma_start3A_148, %dma_start3A_149] : memref<20000x64xf32, #tpu.memory_space<hbm>> -> memref<20000x64xf32, #tpu.memory_space<hbm>>
    tpu.enqueue_indirect_dma source(%dma_start3A_150 : memref<20000x64xf32, #tpu.memory_space<hbm>>) target(%arg11 : memref<80x64xf32, #tpu.memory_space<vmem>>) offsets(%dma_start3A_147 : memref<80xi32, #tpu.memory_space<vmem>>) semaphore(%arg18 : memref<!tpu.dma_semaphore, #tpu.memory_space<semaphore_mem>>)
    %dma_wait3A_151 = arith.constant 0 : i32
    %dma_wait3A_152 = arith.constant 0 : i32
    %dma_wait3A_153 = tpu.memref_slice %arg8[%dma_wait3A_151, %dma_wait3A_152] : memref<250x80xi32, #tpu.memory_space<vmem>> -> memref<1x80xi32, #tpu.memory_space<vmem>>
    %dma_wait3A_154 = tpu.memref_squeeze %dma_wait3A_153 : memref<1x80xi32, #tpu.memory_space<vmem>> -> memref<80xi32, #tpu.memory_space<vmem>>
    %dma_wait3A_155 = arith.constant 0 : i32
    %dma_wait3A_156 = arith.constant 0 : i32
    %dma_wait3A_157 = tpu.memref_slice %arg2[%dma_wait3A_155, %dma_wait3A_156] : memref<20000x64xf32, #tpu.memory_space<hbm>> -> memref<20000x64xf32, #tpu.memory_space<hbm>>
    tpu.wait_indirect_dma semaphore(%arg22 : memref<!tpu.dma_semaphore, #tpu.memory_space<semaphore_mem>>) src(%dma_wait3A_157 : memref<20000x64xf32, #tpu.memory_space<hbm>>) dst(%arg15 : memref<80x64xf32, #tpu.memory_space<vmem>>)
    %dma_start3A_158 = arith.constant 245 : i32
    %dma_start3A_159 = arith.constant 0 : i32
    %dma_start3A_160 = tpu.memref_slice %arg9[%dma_start3A_158, %dma_start3A_159] : memref<250x80xi32, #tpu.memory_space<vmem>> -> memref<1x80xi32, #tpu.memory_space<vmem>>
    %dma_start3A_161 = tpu.memref_squeeze %dma_start3A_160 : memref<1x80xi32, #tpu.memory_space<vmem>> -> memref<80xi32, #tpu.memory_space<vmem>>
    %dma_start3A_162 = arith.constant 0 : i32
    %dma_start3A_163 = arith.constant 0 : i32
    %dma_start3A_164 = tpu.memref_slice %arg16[%dma_start3A_162, %dma_start3A_163] : memref<10000x64xf32, #tpu.memory_space<vmem_shared>> -> memref<10000x64xf32, #tpu.memory_space<vmem_shared>>
    tpu.enqueue_indirect_dma source(%arg15 : memref<80x64xf32, #tpu.memory_space<vmem>>) target(%dma_start3A_164 : memref<10000x64xf32, #tpu.memory_space<vmem_shared>>) offsets(%dma_start3A_161 : memref<80xi32, #tpu.memory_space<vmem>>) semaphore(%arg28 : memref<!tpu.dma_semaphore, #tpu.memory_space<semaphore_mem>>) {add = true}
    %dma_wait3A_165 = arith.constant 0 : i32
    %dma_wait3A_166 = arith.constant 0 : i32
    %dma_wait3A_167 = tpu.memref_slice %arg9[%dma_wait3A_165, %dma_wait3A_166] : memref<250x80xi32, #tpu.memory_space<vmem>> -> memref<1x80xi32, #tpu.memory_space<vmem>>
    %dma_wait3A_168 = tpu.memref_squeeze %dma_wait3A_167 : memref<1x80xi32, #tpu.memory_space<vmem>> -> memref<80xi32, #tpu.memory_space<vmem>>
    %dma_wait3A_169 = arith.constant 0 : i32
    %dma_wait3A_170 = arith.constant 0 : i32
    %dma_wait3A_171 = tpu.memref_slice %arg16[%dma_wait3A_169, %dma_wait3A_170] : memref<10000x64xf32, #tpu.memory_space<vmem_shared>> -> memref<10000x64xf32, #tpu.memory_space<vmem_shared>>
    tpu.wait_indirect_dma semaphore(%arg25 : memref<!tpu.dma_semaphore, #tpu.memory_space<semaphore_mem>>) src(%arg12 : memref<80x64xf32, #tpu.memory_space<vmem>>) dst(%dma_wait3A_171 : memref<10000x64xf32, #tpu.memory_space<vmem_shared>>)
    %dma_start3A_172 = arith.constant 248 : i32
    %dma_start3A_173 = arith.constant 0 : i32
    %dma_start3A_174 = tpu.memref_slice %arg8[%dma_start3A_172, %dma_start3A_173] : memref<250x80xi32, #tpu.memory_space<vmem>> -> memref<1x80xi32, #tpu.memory_space<vmem>>
    %dma_start3A_175 = tpu.memref_squeeze %dma_start3A_174 : memref<1x80xi32, #tpu.memory_space<vmem>> -> memref<80xi32, #tpu.memory_space<vmem>>
    %dma_start3A_176 = arith.constant 0 : i32
    %dma_start3A_177 = arith.constant 0 : i32
    %dma_start3A_178 = tpu.memref_slice %arg2[%dma_start3A_176, %dma_start3A_177] : memref<20000x64xf32, #tpu.memory_space<hbm>> -> memref<20000x64xf32, #tpu.memory_space<hbm>>
    tpu.enqueue_indirect_dma source(%dma_start3A_178 : memref<20000x64xf32, #tpu.memory_space<hbm>>) target(%arg12 : memref<80x64xf32, #tpu.memory_space<vmem>>) offsets(%dma_start3A_175 : memref<80xi32, #tpu.memory_space<vmem>>) semaphore(%arg19 : memref<!tpu.dma_semaphore, #tpu.memory_space<semaphore_mem>>)
    %dma_wait3A_179 = arith.constant 0 : i32
    %dma_wait3A_180 = arith.constant 0 : i32
    %dma_wait3A_181 = tpu.memref_slice %arg8[%dma_wait3A_179, %dma_wait3A_180] : memref<250x80xi32, #tpu.memory_space<vmem>> -> memref<1x80xi32, #tpu.memory_space<vmem>>
    %dma_wait3A_182 = tpu.memref_squeeze %dma_wait3A_181 : memref<1x80xi32, #tpu.memory_space<vmem>> -> memref<80xi32, #tpu.memory_space<vmem>>
    %dma_wait3A_183 = arith.constant 0 : i32
    %dma_wait3A_184 = arith.constant 0 : i32
    %dma_wait3A_185 = tpu.memref_slice %arg2[%dma_wait3A_183, %dma_wait3A_184] : memref<20000x64xf32, #tpu.memory_space<hbm>> -> memref<20000x64xf32, #tpu.memory_space<hbm>>
    tpu.wait_indirect_dma semaphore(%arg17 : memref<!tpu.dma_semaphore, #tpu.memory_space<semaphore_mem>>) src(%dma_wait3A_185 : memref<20000x64xf32, #tpu.memory_space<hbm>>) dst(%arg10 : memref<80x64xf32, #tpu.memory_space<vmem>>)
    %dma_start3A_186 = arith.constant 246 : i32
    %dma_start3A_187 = arith.constant 0 : i32
    %dma_start3A_188 = tpu.memref_slice %arg9[%dma_start3A_186, %dma_start3A_187] : memref<250x80xi32, #tpu.memory_space<vmem>> -> memref<1x80xi32, #tpu.memory_space<vmem>>
    %dma_start3A_189 = tpu.memref_squeeze %dma_start3A_188 : memref<1x80xi32, #tpu.memory_space<vmem>> -> memref<80xi32, #tpu.memory_space<vmem>>
    %dma_start3A_190 = arith.constant 0 : i32
    %dma_start3A_191 = arith.constant 0 : i32
    %dma_start3A_192 = tpu.memref_slice %arg16[%dma_start3A_190, %dma_start3A_191] : memref<10000x64xf32, #tpu.memory_space<vmem_shared>> -> memref<10000x64xf32, #tpu.memory_space<vmem_shared>>
    tpu.enqueue_indirect_dma source(%arg10 : memref<80x64xf32, #tpu.memory_space<vmem>>) target(%dma_start3A_192 : memref<10000x64xf32, #tpu.memory_space<vmem_shared>>) offsets(%dma_start3A_189 : memref<80xi32, #tpu.memory_space<vmem>>) semaphore(%arg23 : memref<!tpu.dma_semaphore, #tpu.memory_space<semaphore_mem>>) {add = true}
    %dma_wait3A_193 = arith.constant 0 : i32
    %dma_wait3A_194 = arith.constant 0 : i32
    %dma_wait3A_195 = tpu.memref_slice %arg9[%dma_wait3A_193, %dma_wait3A_194] : memref<250x80xi32, #tpu.memory_space<vmem>> -> memref<1x80xi32, #tpu.memory_space<vmem>>
    %dma_wait3A_196 = tpu.memref_squeeze %dma_wait3A_195 : memref<1x80xi32, #tpu.memory_space<vmem>> -> memref<80xi32, #tpu.memory_space<vmem>>
    %dma_wait3A_197 = arith.constant 0 : i32
    %dma_wait3A_198 = arith.constant 0 : i32
    %dma_wait3A_199 = tpu.memref_slice %arg16[%dma_wait3A_197, %dma_wait3A_198] : memref<10000x64xf32, #tpu.memory_space<vmem_shared>> -> memref<10000x64xf32, #tpu.memory_space<vmem_shared>>
    tpu.wait_indirect_dma semaphore(%arg26 : memref<!tpu.dma_semaphore, #tpu.memory_space<semaphore_mem>>) src(%arg13 : memref<80x64xf32, #tpu.memory_space<vmem>>) dst(%dma_wait3A_199 : memref<10000x64xf32, #tpu.memory_space<vmem_shared>>)
    %dma_start3A_200 = arith.constant 249 : i32
    %dma_start3A_201 = arith.constant 0 : i32
    %dma_start3A_202 = tpu.memref_slice %arg8[%dma_start3A_200, %dma_start3A_201] : memref<250x80xi32, #tpu.memory_space<vmem>> -> memref<1x80xi32, #tpu.memory_space<vmem>>
    %dma_start3A_203 = tpu.memref_squeeze %dma_start3A_202 : memref<1x80xi32, #tpu.memory_space<vmem>> -> memref<80xi32, #tpu.memory_space<vmem>>
    %dma_start3A_204 = arith.constant 0 : i32
    %dma_start3A_205 = arith.constant 0 : i32
    %dma_start3A_206 = tpu.memref_slice %arg2[%dma_start3A_204, %dma_start3A_205] : memref<20000x64xf32, #tpu.memory_space<hbm>> -> memref<20000x64xf32, #tpu.memory_space<hbm>>
    tpu.enqueue_indirect_dma source(%dma_start3A_206 : memref<20000x64xf32, #tpu.memory_space<hbm>>) target(%arg13 : memref<80x64xf32, #tpu.memory_space<vmem>>) offsets(%dma_start3A_203 : memref<80xi32, #tpu.memory_space<vmem>>) semaphore(%arg20 : memref<!tpu.dma_semaphore, #tpu.memory_space<semaphore_mem>>)
    %dma_wait3A_207 = arith.constant 0 : i32
    %dma_wait3A_208 = arith.constant 0 : i32
    %dma_wait3A_209 = tpu.memref_slice %arg8[%dma_wait3A_207, %dma_wait3A_208] : memref<250x80xi32, #tpu.memory_space<vmem>> -> memref<1x80xi32, #tpu.memory_space<vmem>>
    %dma_wait3A_210 = tpu.memref_squeeze %dma_wait3A_209 : memref<1x80xi32, #tpu.memory_space<vmem>> -> memref<80xi32, #tpu.memory_space<vmem>>
    %dma_wait3A_211 = arith.constant 0 : i32
    %dma_wait3A_212 = arith.constant 0 : i32
    %dma_wait3A_213 = tpu.memref_slice %arg2[%dma_wait3A_211, %dma_wait3A_212] : memref<20000x64xf32, #tpu.memory_space<hbm>> -> memref<20000x64xf32, #tpu.memory_space<hbm>>
    tpu.wait_indirect_dma semaphore(%arg18 : memref<!tpu.dma_semaphore, #tpu.memory_space<semaphore_mem>>) src(%dma_wait3A_213 : memref<20000x64xf32, #tpu.memory_space<hbm>>) dst(%arg11 : memref<80x64xf32, #tpu.memory_space<vmem>>)
    %dma_start3A_214 = arith.constant 247 : i32
    %dma_start3A_215 = arith.constant 0 : i32
    %dma_start3A_216 = tpu.memref_slice %arg9[%dma_start3A_214, %dma_start3A_215] : memref<250x80xi32, #tpu.memory_space<vmem>> -> memref<1x80xi32, #tpu.memory_space<vmem>>
    %dma_start3A_217 = tpu.memref_squeeze %dma_start3A_216 : memref<1x80xi32, #tpu.memory_space<vmem>> -> memref<80xi32, #tpu.memory_space<vmem>>
    %dma_start3A_218 = arith.constant 0 : i32
    %dma_start3A_219 = arith.constant 0 : i32
    %dma_start3A_220 = tpu.memref_slice %arg16[%dma_start3A_218, %dma_start3A_219] : memref<10000x64xf32, #tpu.memory_space<vmem_shared>> -> memref<10000x64xf32, #tpu.memory_space<vmem_shared>>
    tpu.enqueue_indirect_dma source(%arg11 : memref<80x64xf32, #tpu.memory_space<vmem>>) target(%dma_start3A_220 : memref<10000x64xf32, #tpu.memory_space<vmem_shared>>) offsets(%dma_start3A_217 : memref<80xi32, #tpu.memory_space<vmem>>) semaphore(%arg24 : memref<!tpu.dma_semaphore, #tpu.memory_space<semaphore_mem>>) {add = true}
    %dma_wait3A_221 = arith.constant 0 : i32
    %dma_wait3A_222 = arith.constant 0 : i32
    %dma_wait3A_223 = tpu.memref_slice %arg9[%dma_wait3A_221, %dma_wait3A_222] : memref<250x80xi32, #tpu.memory_space<vmem>> -> memref<1x80xi32, #tpu.memory_space<vmem>>
    %dma_wait3A_224 = tpu.memref_squeeze %dma_wait3A_223 : memref<1x80xi32, #tpu.memory_space<vmem>> -> memref<80xi32, #tpu.memory_space<vmem>>
    %dma_wait3A_225 = arith.constant 0 : i32
    %dma_wait3A_226 = arith.constant 0 : i32
    %dma_wait3A_227 = tpu.memref_slice %arg16[%dma_wait3A_225, %dma_wait3A_226] : memref<10000x64xf32, #tpu.memory_space<vmem_shared>> -> memref<10000x64xf32, #tpu.memory_space<vmem_shared>>
    tpu.wait_indirect_dma semaphore(%arg27 : memref<!tpu.dma_semaphore, #tpu.memory_space<semaphore_mem>>) src(%arg14 : memref<80x64xf32, #tpu.memory_space<vmem>>) dst(%dma_wait3A_227 : memref<10000x64xf32, #tpu.memory_space<vmem_shared>>)
    %dma_wait3A_228 = arith.constant 0 : i32
    %dma_wait3A_229 = arith.constant 0 : i32
    %dma_wait3A_230 = tpu.memref_slice %arg8[%dma_wait3A_228, %dma_wait3A_229] : memref<250x80xi32, #tpu.memory_space<vmem>> -> memref<1x80xi32, #tpu.memory_space<vmem>>
    %dma_wait3A_231 = tpu.memref_squeeze %dma_wait3A_230 : memref<1x80xi32, #tpu.memory_space<vmem>> -> memref<80xi32, #tpu.memory_space<vmem>>
    %dma_wait3A_232 = arith.constant 0 : i32
    %dma_wait3A_233 = arith.constant 0 : i32
    %dma_wait3A_234 = tpu.memref_slice %arg2[%dma_wait3A_232, %dma_wait3A_233] : memref<20000x64xf32, #tpu.memory_space<hbm>> -> memref<20000x64xf32, #tpu.memory_space<hbm>>
    tpu.wait_indirect_dma semaphore(%arg19 : memref<!tpu.dma_semaphore, #tpu.memory_space<semaphore_mem>>) src(%dma_wait3A_234 : memref<20000x64xf32, #tpu.memory_space<hbm>>) dst(%arg12 : memref<80x64xf32, #tpu.memory_space<vmem>>)
    %dma_start3A_235 = arith.constant 248 : i32
    %dma_start3A_236 = arith.constant 0 : i32
    %dma_start3A_237 = tpu.memref_slice %arg9[%dma_start3A_235, %dma_start3A_236] : memref<250x80xi32, #tpu.memory_space<vmem>> -> memref<1x80xi32, #tpu.memory_space<vmem>>
    %dma_start3A_238 = tpu.memref_squeeze %dma_start3A_237 : memref<1x80xi32, #tpu.memory_space<vmem>> -> memref<80xi32, #tpu.memory_space<vmem>>
    %dma_start3A_239 = arith.constant 0 : i32
    %dma_start3A_240 = arith.constant 0 : i32
    %dma_start3A_241 = tpu.memref_slice %arg16[%dma_start3A_239, %dma_start3A_240] : memref<10000x64xf32, #tpu.memory_space<vmem_shared>> -> memref<10000x64xf32, #tpu.memory_space<vmem_shared>>
    tpu.enqueue_indirect_dma source(%arg12 : memref<80x64xf32, #tpu.memory_space<vmem>>) target(%dma_start3A_241 : memref<10000x64xf32, #tpu.memory_space<vmem_shared>>) offsets(%dma_start3A_238 : memref<80xi32, #tpu.memory_space<vmem>>) semaphore(%arg25 : memref<!tpu.dma_semaphore, #tpu.memory_space<semaphore_mem>>) {add = true}
    %dma_wait3A_242 = arith.constant 0 : i32
    %dma_wait3A_243 = arith.constant 0 : i32
    %dma_wait3A_244 = tpu.memref_slice %arg9[%dma_wait3A_242, %dma_wait3A_243] : memref<250x80xi32, #tpu.memory_space<vmem>> -> memref<1x80xi32, #tpu.memory_space<vmem>>
    %dma_wait3A_245 = tpu.memref_squeeze %dma_wait3A_244 : memref<1x80xi32, #tpu.memory_space<vmem>> -> memref<80xi32, #tpu.memory_space<vmem>>
    %dma_wait3A_246 = arith.constant 0 : i32
    %dma_wait3A_247 = arith.constant 0 : i32
    %dma_wait3A_248 = tpu.memref_slice %arg16[%dma_wait3A_246, %dma_wait3A_247] : memref<10000x64xf32, #tpu.memory_space<vmem_shared>> -> memref<10000x64xf32, #tpu.memory_space<vmem_shared>>
    tpu.wait_indirect_dma semaphore(%arg28 : memref<!tpu.dma_semaphore, #tpu.memory_space<semaphore_mem>>) src(%arg15 : memref<80x64xf32, #tpu.memory_space<vmem>>) dst(%dma_wait3A_248 : memref<10000x64xf32, #tpu.memory_space<vmem_shared>>)
    %dma_wait3A_249 = arith.constant 0 : i32
    %dma_wait3A_250 = arith.constant 0 : i32
    %dma_wait3A_251 = tpu.memref_slice %arg8[%dma_wait3A_249, %dma_wait3A_250] : memref<250x80xi32, #tpu.memory_space<vmem>> -> memref<1x80xi32, #tpu.memory_space<vmem>>
    %dma_wait3A_252 = tpu.memref_squeeze %dma_wait3A_251 : memref<1x80xi32, #tpu.memory_space<vmem>> -> memref<80xi32, #tpu.memory_space<vmem>>
    %dma_wait3A_253 = arith.constant 0 : i32
    %dma_wait3A_254 = arith.constant 0 : i32
    %dma_wait3A_255 = tpu.memref_slice %arg2[%dma_wait3A_253, %dma_wait3A_254] : memref<20000x64xf32, #tpu.memory_space<hbm>> -> memref<20000x64xf32, #tpu.memory_space<hbm>>
    tpu.wait_indirect_dma semaphore(%arg20 : memref<!tpu.dma_semaphore, #tpu.memory_space<semaphore_mem>>) src(%dma_wait3A_255 : memref<20000x64xf32, #tpu.memory_space<hbm>>) dst(%arg13 : memref<80x64xf32, #tpu.memory_space<vmem>>)
    %dma_start3A_256 = arith.constant 249 : i32
    %dma_start3A_257 = arith.constant 0 : i32
    %dma_start3A_258 = tpu.memref_slice %arg9[%dma_start3A_256, %dma_start3A_257] : memref<250x80xi32, #tpu.memory_space<vmem>> -> memref<1x80xi32, #tpu.memory_space<vmem>>
    %dma_start3A_259 = tpu.memref_squeeze %dma_start3A_258 : memref<1x80xi32, #tpu.memory_space<vmem>> -> memref<80xi32, #tpu.memory_space<vmem>>
    %dma_start3A_260 = arith.constant 0 : i32
    %dma_start3A_261 = arith.constant 0 : i32
    %dma_start3A_262 = tpu.memref_slice %arg16[%dma_start3A_260, %dma_start3A_261] : memref<10000x64xf32, #tpu.memory_space<vmem_shared>> -> memref<10000x64xf32, #tpu.memory_space<vmem_shared>>
    tpu.enqueue_indirect_dma source(%arg13 : memref<80x64xf32, #tpu.memory_space<vmem>>) target(%dma_start3A_262 : memref<10000x64xf32, #tpu.memory_space<vmem_shared>>) offsets(%dma_start3A_259 : memref<80xi32, #tpu.memory_space<vmem>>) semaphore(%arg26 : memref<!tpu.dma_semaphore, #tpu.memory_space<semaphore_mem>>) {add = true}
    %dma_wait3A_263 = arith.constant 0 : i32
    %dma_wait3A_264 = arith.constant 0 : i32
    %dma_wait3A_265 = tpu.memref_slice %arg9[%dma_wait3A_263, %dma_wait3A_264] : memref<250x80xi32, #tpu.memory_space<vmem>> -> memref<1x80xi32, #tpu.memory_space<vmem>>
    %dma_wait3A_266 = tpu.memref_squeeze %dma_wait3A_265 : memref<1x80xi32, #tpu.memory_space<vmem>> -> memref<80xi32, #tpu.memory_space<vmem>>
    %dma_wait3A_267 = arith.constant 0 : i32
    %dma_wait3A_268 = arith.constant 0 : i32
    %dma_wait3A_269 = tpu.memref_slice %arg16[%dma_wait3A_267, %dma_wait3A_268] : memref<10000x64xf32, #tpu.memory_space<vmem_shared>> -> memref<10000x64xf32, #tpu.memory_space<vmem_shared>>
    tpu.wait_indirect_dma semaphore(%arg23 : memref<!tpu.dma_semaphore, #tpu.memory_space<semaphore_mem>>) src(%arg10 : memref<80x64xf32, #tpu.memory_space<vmem>>) dst(%dma_wait3A_269 : memref<10000x64xf32, #tpu.memory_space<vmem_shared>>)
    %dma_wait3A_270 = arith.constant 0 : i32
    %dma_wait3A_271 = arith.constant 0 : i32
    %dma_wait3A_272 = tpu.memref_slice %arg9[%dma_wait3A_270, %dma_wait3A_271] : memref<250x80xi32, #tpu.memory_space<vmem>> -> memref<1x80xi32, #tpu.memory_space<vmem>>
    %dma_wait3A_273 = tpu.memref_squeeze %dma_wait3A_272 : memref<1x80xi32, #tpu.memory_space<vmem>> -> memref<80xi32, #tpu.memory_space<vmem>>
    %dma_wait3A_274 = arith.constant 0 : i32
    %dma_wait3A_275 = arith.constant 0 : i32
    %dma_wait3A_276 = tpu.memref_slice %arg16[%dma_wait3A_274, %dma_wait3A_275] : memref<10000x64xf32, #tpu.memory_space<vmem_shared>> -> memref<10000x64xf32, #tpu.memory_space<vmem_shared>>
    tpu.wait_indirect_dma semaphore(%arg24 : memref<!tpu.dma_semaphore, #tpu.memory_space<semaphore_mem>>) src(%arg11 : memref<80x64xf32, #tpu.memory_space<vmem>>) dst(%dma_wait3A_276 : memref<10000x64xf32, #tpu.memory_space<vmem_shared>>)
    %dma_wait3A_277 = arith.constant 0 : i32
    %dma_wait3A_278 = arith.constant 0 : i32
    %dma_wait3A_279 = tpu.memref_slice %arg9[%dma_wait3A_277, %dma_wait3A_278] : memref<250x80xi32, #tpu.memory_space<vmem>> -> memref<1x80xi32, #tpu.memory_space<vmem>>
    %dma_wait3A_280 = tpu.memref_squeeze %dma_wait3A_279 : memref<1x80xi32, #tpu.memory_space<vmem>> -> memref<80xi32, #tpu.memory_space<vmem>>
    %dma_wait3A_281 = arith.constant 0 : i32
    %dma_wait3A_282 = arith.constant 0 : i32
    %dma_wait3A_283 = tpu.memref_slice %arg16[%dma_wait3A_281, %dma_wait3A_282] : memref<10000x64xf32, #tpu.memory_space<vmem_shared>> -> memref<10000x64xf32, #tpu.memory_space<vmem_shared>>
    tpu.wait_indirect_dma semaphore(%arg25 : memref<!tpu.dma_semaphore, #tpu.memory_space<semaphore_mem>>) src(%arg12 : memref<80x64xf32, #tpu.memory_space<vmem>>) dst(%dma_wait3A_283 : memref<10000x64xf32, #tpu.memory_space<vmem_shared>>)
    %dma_wait3A_284 = arith.constant 0 : i32
    %dma_wait3A_285 = arith.constant 0 : i32
    %dma_wait3A_286 = tpu.memref_slice %arg9[%dma_wait3A_284, %dma_wait3A_285] : memref<250x80xi32, #tpu.memory_space<vmem>> -> memref<1x80xi32, #tpu.memory_space<vmem>>
    %dma_wait3A_287 = tpu.memref_squeeze %dma_wait3A_286 : memref<1x80xi32, #tpu.memory_space<vmem>> -> memref<80xi32, #tpu.memory_space<vmem>>
    %dma_wait3A_288 = arith.constant 0 : i32
    %dma_wait3A_289 = arith.constant 0 : i32
    %dma_wait3A_290 = tpu.memref_slice %arg16[%dma_wait3A_288, %dma_wait3A_289] : memref<10000x64xf32, #tpu.memory_space<vmem_shared>> -> memref<10000x64xf32, #tpu.memory_space<vmem_shared>>
    tpu.wait_indirect_dma semaphore(%arg26 : memref<!tpu.dma_semaphore, #tpu.memory_space<semaphore_mem>>) src(%arg13 : memref<80x64xf32, #tpu.memory_space<vmem>>) dst(%dma_wait3A_290 : memref<10000x64xf32, #tpu.memory_space<vmem_shared>>)
    %barrier3A_291 = arith.constant 0 : index
    tpu.barrier barrier_id(%barrier3A_291)
    "tpu.region"() ({
      %run_scoped3A = tpu.sem_alloc : memref<!tpu.dma_semaphore, #tpu.memory_space<semaphore_mem>>
      %dma_start3A_292 = arith.constant 0 : i32
      %dma_start3A_293 = tpu.memref_slice %arg7[%arg0, %mul3A_0, %dma_start3A_292] : memref<2x10000x64xf32, #tpu.memory_space<hbm>> -> memref<1x625x64xf32, #tpu.memory_space<hbm>>
      %dma_start3A_294 = tpu.memref_squeeze %dma_start3A_293 : memref<1x625x64xf32, #tpu.memory_space<hbm>> -> memref<625x64xf32, #tpu.memory_space<hbm>>
      %dma_start3A_295 = arith.constant 0 : i32
      %dma_start3A_296 = tpu.memref_slice %arg16[%mul3A_0, %dma_start3A_295] : memref<10000x64xf32, #tpu.memory_space<vmem_shared>> -> memref<625x64xf32, #tpu.memory_space<vmem_shared>>
      tpu.enqueue_dma source(%dma_start3A_296 : memref<625x64xf32, #tpu.memory_space<vmem_shared>>) target(%dma_start3A_294 : memref<625x64xf32, #tpu.memory_space<hbm>>) target_semaphore(%run_scoped3A : memref<!tpu.dma_semaphore, #tpu.memory_space<semaphore_mem>>)
      %dma_wait3A_297 = arith.constant 0 : i32
      %dma_wait3A_298 = tpu.memref_slice %arg7[%arg0, %mul3A_0, %dma_wait3A_297] : memref<2x10000x64xf32, #tpu.memory_space<hbm>> -> memref<1x625x64xf32, #tpu.memory_space<hbm>>
      %dma_wait3A_299 = tpu.memref_squeeze %dma_wait3A_298 : memref<1x625x64xf32, #tpu.memory_space<hbm>> -> memref<625x64xf32, #tpu.memory_space<hbm>>
      %dma_wait3A_300 = arith.constant 0 : i32
      %dma_wait3A_301 = tpu.memref_slice %arg16[%mul3A_0, %dma_wait3A_300] : memref<10000x64xf32, #tpu.memory_space<vmem_shared>> -> memref<625x64xf32, #tpu.memory_space<vmem_shared>>
      tpu.wait_dma2 semaphore(%run_scoped3A : memref<!tpu.dma_semaphore, #tpu.memory_space<semaphore_mem>>) src(%dma_wait3A_301 : memref<625x64xf32, #tpu.memory_space<vmem_shared>>) dst(%dma_wait3A_299 : memref<625x64xf32, #tpu.memory_space<hbm>>)
      tpu.yield
    }) : () -> ()
    return
  }
}

#map = affine_map<(d0, d1) -> (0, 0)>
#map1 = affine_map<(d0, d1) -> (0, 0, 0)>
module attributes {stable_mosaic.version = 14 : i64} {
  func.func @_sc_ea_body(%arg0: i32, %arg1: i32, %arg2: memref<320000x16xf32, #tpu.memory_space<hbm>>, %arg3: memref<32x125x80xi32, #tpu.memory_space<hbm>>, %arg4: memref<10240x16xf32, #tpu.memory_space<hbm>>, %arg5: memref<2x10240x16xf32, #tpu.memory_space<hbm>>, %arg6: memref<125x80xi32, #tpu.memory_space<vmem>>, %arg7: memref<80x16xf32, #tpu.memory_space<vmem>>, %arg8: memref<80x16xf32, #tpu.memory_space<vmem>>, %arg9: memref<80x16xf32, #tpu.memory_space<vmem>>, %arg10: memref<80x16xf32, #tpu.memory_space<vmem>>, %arg11: memref<80x16xf32, #tpu.memory_space<vmem>>, %arg12: memref<80x16xf32, #tpu.memory_space<vmem>>, %arg13: memref<10240x16xf32, #tpu.memory_space<vmem_shared>>, %arg14: memref<!tpu.dma_semaphore, #tpu.memory_space<semaphore_mem>>, %arg15: memref<!tpu.dma_semaphore, #tpu.memory_space<semaphore_mem>>, %arg16: memref<!tpu.dma_semaphore, #tpu.memory_space<semaphore_mem>>, %arg17: memref<!tpu.dma_semaphore, #tpu.memory_space<semaphore_mem>>, %arg18: memref<!tpu.dma_semaphore, #tpu.memory_space<semaphore_mem>>, %arg19: memref<!tpu.dma_semaphore, #tpu.memory_space<semaphore_mem>>, %arg20: memref<!tpu.dma_semaphore, #tpu.memory_space<semaphore_mem>>, %arg21: memref<!tpu.dma_semaphore, #tpu.memory_space<semaphore_mem>>, %arg22: memref<!tpu.dma_semaphore, #tpu.memory_space<semaphore_mem>>, %arg23: memref<!tpu.dma_semaphore, #tpu.memory_space<semaphore_mem>>, %arg24: memref<!tpu.dma_semaphore, #tpu.memory_space<semaphore_mem>>, %arg25: memref<!tpu.dma_semaphore, #tpu.memory_space<semaphore_mem>>) attributes {dimension_semantics = [#tpu.dimension_semantics<core_parallel>, #tpu.dimension_semantics<subcore_parallel>], iteration_bounds = array<i64: 2, 16>, scalar_prefetch = 0 : i64, scratch_operands = 20 : i64, tpu.core_type = #tpu.core_type<sc_vector_subcore>, window_params = [{transform_indices = #map}, {transform_indices = #map1}, {transform_indices = #map}, {transform_indices = #map1}]} {
    %mul3A = arith.constant 2 : i32
    %mul3A_0 = arith.muli %arg1, %mul3A : i32
    %add3A = arith.addi %mul3A_0, %arg0 : i32
    %mul3A_1 = arith.constant 640 : i32
    %mul3A_2 = arith.muli %arg1, %mul3A_1 : i32
    "tpu.region"() ({
      %run_scoped3A = tpu.sem_alloc : memref<!tpu.dma_semaphore, #tpu.memory_space<semaphore_mem>>
      %dma_start3A_273 = arith.constant 0 : i32
      %dma_start3A_274 = tpu.memref_slice %arg13[%mul3A_2, %dma_start3A_273] : memref<10240x16xf32, #tpu.memory_space<vmem_shared>> -> memref<640x16xf32, #tpu.memory_space<vmem_shared>>
      %dma_start3A_275 = arith.constant 0 : i32
      %dma_start3A_276 = tpu.memref_slice %arg4[%mul3A_2, %dma_start3A_275] : memref<10240x16xf32, #tpu.memory_space<hbm>> -> memref<640x16xf32, #tpu.memory_space<hbm>>
      tpu.enqueue_dma source(%dma_start3A_276 : memref<640x16xf32, #tpu.memory_space<hbm>>) target(%dma_start3A_274 : memref<640x16xf32, #tpu.memory_space<vmem_shared>>) target_semaphore(%run_scoped3A : memref<!tpu.dma_semaphore, #tpu.memory_space<semaphore_mem>>)
      %dma_wait3A_277 = arith.constant 0 : i32
      %dma_wait3A_278 = tpu.memref_slice %arg13[%mul3A_2, %dma_wait3A_277] : memref<10240x16xf32, #tpu.memory_space<vmem_shared>> -> memref<640x16xf32, #tpu.memory_space<vmem_shared>>
      %dma_wait3A_279 = arith.constant 0 : i32
      %dma_wait3A_280 = tpu.memref_slice %arg4[%mul3A_2, %dma_wait3A_279] : memref<10240x16xf32, #tpu.memory_space<hbm>> -> memref<640x16xf32, #tpu.memory_space<hbm>>
      tpu.wait_dma2 semaphore(%run_scoped3A : memref<!tpu.dma_semaphore, #tpu.memory_space<semaphore_mem>>) src(%dma_wait3A_280 : memref<640x16xf32, #tpu.memory_space<hbm>>) dst(%dma_wait3A_278 : memref<640x16xf32, #tpu.memory_space<vmem_shared>>)
      tpu.yield
    }) : () -> ()
    %barrier3A = arith.constant 0 : index
    tpu.barrier barrier_id(%barrier3A)
    "tpu.region"() ({
      %run_scoped3A = tpu.sem_alloc : memref<!tpu.dma_semaphore, #tpu.memory_space<semaphore_mem>>
      %dma_start3A_273 = arith.constant 0 : i32
      %dma_start3A_274 = arith.constant 0 : i32
      %dma_start3A_275 = tpu.memref_slice %arg3[%add3A, %dma_start3A_273, %dma_start3A_274] : memref<32x125x80xi32, #tpu.memory_space<hbm>> -> memref<1x125x80xi32, #tpu.memory_space<hbm>>
      %dma_start3A_276 = tpu.memref_squeeze %dma_start3A_275 : memref<1x125x80xi32, #tpu.memory_space<hbm>> -> memref<125x80xi32, #tpu.memory_space<hbm>>
      %dma_start3A_277 = arith.constant 0 : i32
      %dma_start3A_278 = arith.constant 0 : i32
      %dma_start3A_279 = tpu.memref_slice %arg3[%add3A, %dma_start3A_277, %dma_start3A_278] : memref<32x125x80xi32, #tpu.memory_space<hbm>> -> memref<1x125x80xi32, #tpu.memory_space<hbm>>
      %dma_start3A_280 = tpu.memref_squeeze %dma_start3A_279 : memref<1x125x80xi32, #tpu.memory_space<hbm>> -> memref<125x80xi32, #tpu.memory_space<hbm>>
      tpu.enqueue_dma source(%dma_start3A_280 : memref<125x80xi32, #tpu.memory_space<hbm>>) target(%arg6 : memref<125x80xi32, #tpu.memory_space<vmem>>) target_semaphore(%run_scoped3A : memref<!tpu.dma_semaphore, #tpu.memory_space<semaphore_mem>>)
      %dma_wait3A_281 = arith.constant 0 : i32
      %dma_wait3A_282 = arith.constant 0 : i32
      %dma_wait3A_283 = tpu.memref_slice %arg3[%add3A, %dma_wait3A_281, %dma_wait3A_282] : memref<32x125x80xi32, #tpu.memory_space<hbm>> -> memref<1x125x80xi32, #tpu.memory_space<hbm>>
      %dma_wait3A_284 = tpu.memref_squeeze %dma_wait3A_283 : memref<1x125x80xi32, #tpu.memory_space<hbm>> -> memref<125x80xi32, #tpu.memory_space<hbm>>
      %dma_wait3A_285 = arith.constant 0 : i32
      %dma_wait3A_286 = arith.constant 0 : i32
      %dma_wait3A_287 = tpu.memref_slice %arg3[%add3A, %dma_wait3A_285, %dma_wait3A_286] : memref<32x125x80xi32, #tpu.memory_space<hbm>> -> memref<1x125x80xi32, #tpu.memory_space<hbm>>
      %dma_wait3A_288 = tpu.memref_squeeze %dma_wait3A_287 : memref<1x125x80xi32, #tpu.memory_space<hbm>> -> memref<125x80xi32, #tpu.memory_space<hbm>>
      tpu.wait_dma2 semaphore(%run_scoped3A : memref<!tpu.dma_semaphore, #tpu.memory_space<semaphore_mem>>) src(%dma_wait3A_288 : memref<125x80xi32, #tpu.memory_space<hbm>>) dst(%arg6 : memref<125x80xi32, #tpu.memory_space<vmem>>)
      tpu.yield
    }) : () -> ()
    %mul3A_3 = arith.constant 10000 : i32
    %mul3A_4 = arith.muli %add3A, %mul3A_3 : i32
    %add3A_5 = arith.constant 0 : i32
    %add3A_6 = arith.addi %mul3A_4, %add3A_5 : i32
    %dma_start3A = arith.constant 0 : i32
    %dma_start3A_7 = tpu.memref_slice %arg2[%add3A_6, %dma_start3A] : memref<320000x16xf32, #tpu.memory_space<hbm>> -> memref<80x16xf32, #tpu.memory_space<hbm>>
    %dma_start3A_8 = arith.constant 0 : i32
    %dma_start3A_9 = tpu.memref_slice %arg2[%add3A_6, %dma_start3A_8] : memref<320000x16xf32, #tpu.memory_space<hbm>> -> memref<80x16xf32, #tpu.memory_space<hbm>>
    tpu.enqueue_dma source(%dma_start3A_9 : memref<80x16xf32, #tpu.memory_space<hbm>>) target(%arg7 : memref<80x16xf32, #tpu.memory_space<vmem>>) target_semaphore(%arg14 : memref<!tpu.dma_semaphore, #tpu.memory_space<semaphore_mem>>)
    %add3A_10 = arith.constant 80 : i32
    %add3A_11 = arith.addi %mul3A_4, %add3A_10 : i32
    %dma_start3A_12 = arith.constant 0 : i32
    %dma_start3A_13 = tpu.memref_slice %arg2[%add3A_11, %dma_start3A_12] : memref<320000x16xf32, #tpu.memory_space<hbm>> -> memref<80x16xf32, #tpu.memory_space<hbm>>
    %dma_start3A_14 = arith.constant 0 : i32
    %dma_start3A_15 = tpu.memref_slice %arg2[%add3A_11, %dma_start3A_14] : memref<320000x16xf32, #tpu.memory_space<hbm>> -> memref<80x16xf32, #tpu.memory_space<hbm>>
    tpu.enqueue_dma source(%dma_start3A_15 : memref<80x16xf32, #tpu.memory_space<hbm>>) target(%arg8 : memref<80x16xf32, #tpu.memory_space<vmem>>) target_semaphore(%arg15 : memref<!tpu.dma_semaphore, #tpu.memory_space<semaphore_mem>>)
    %add3A_16 = arith.constant 160 : i32
    %add3A_17 = arith.addi %mul3A_4, %add3A_16 : i32
    %dma_start3A_18 = arith.constant 0 : i32
    %dma_start3A_19 = tpu.memref_slice %arg2[%add3A_17, %dma_start3A_18] : memref<320000x16xf32, #tpu.memory_space<hbm>> -> memref<80x16xf32, #tpu.memory_space<hbm>>
    %dma_start3A_20 = arith.constant 0 : i32
    %dma_start3A_21 = tpu.memref_slice %arg2[%add3A_17, %dma_start3A_20] : memref<320000x16xf32, #tpu.memory_space<hbm>> -> memref<80x16xf32, #tpu.memory_space<hbm>>
    tpu.enqueue_dma source(%dma_start3A_21 : memref<80x16xf32, #tpu.memory_space<hbm>>) target(%arg9 : memref<80x16xf32, #tpu.memory_space<vmem>>) target_semaphore(%arg16 : memref<!tpu.dma_semaphore, #tpu.memory_space<semaphore_mem>>)
    %dma_wait3A = arith.constant 0 : i32
    %dma_wait3A_22 = tpu.memref_slice %arg2[%mul3A_4, %dma_wait3A] : memref<320000x16xf32, #tpu.memory_space<hbm>> -> memref<80x16xf32, #tpu.memory_space<hbm>>
    %dma_wait3A_23 = arith.constant 0 : i32
    %dma_wait3A_24 = tpu.memref_slice %arg2[%mul3A_4, %dma_wait3A_23] : memref<320000x16xf32, #tpu.memory_space<hbm>> -> memref<80x16xf32, #tpu.memory_space<hbm>>
    tpu.wait_dma2 semaphore(%arg14 : memref<!tpu.dma_semaphore, #tpu.memory_space<semaphore_mem>>) src(%dma_wait3A_24 : memref<80x16xf32, #tpu.memory_space<hbm>>) dst(%arg7 : memref<80x16xf32, #tpu.memory_space<vmem>>)
    %dma_start3A_25 = arith.constant 0 : i32
    %dma_start3A_26 = arith.constant 0 : i32
    %dma_start3A_27 = tpu.memref_slice %arg6[%dma_start3A_25, %dma_start3A_26] : memref<125x80xi32, #tpu.memory_space<vmem>> -> memref<1x80xi32, #tpu.memory_space<vmem>>
    %dma_start3A_28 = tpu.memref_squeeze %dma_start3A_27 : memref<1x80xi32, #tpu.memory_space<vmem>> -> memref<80xi32, #tpu.memory_space<vmem>>
    %dma_start3A_29 = arith.constant 0 : i32
    %dma_start3A_30 = arith.constant 0 : i32
    %dma_start3A_31 = tpu.memref_slice %arg13[%dma_start3A_29, %dma_start3A_30] : memref<10240x16xf32, #tpu.memory_space<vmem_shared>> -> memref<10240x16xf32, #tpu.memory_space<vmem_shared>>
    tpu.enqueue_indirect_dma source(%arg7 : memref<80x16xf32, #tpu.memory_space<vmem>>) target(%dma_start3A_31 : memref<10240x16xf32, #tpu.memory_space<vmem_shared>>) offsets(%dma_start3A_28 : memref<80xi32, #tpu.memory_space<vmem>>) semaphore(%arg20 : memref<!tpu.dma_semaphore, #tpu.memory_space<semaphore_mem>>) {add = true}
    %add3A_32 = arith.constant 240 : i32
    %add3A_33 = arith.addi %mul3A_4, %add3A_32 : i32
    %dma_start3A_34 = arith.constant 0 : i32
    %dma_start3A_35 = tpu.memref_slice %arg2[%add3A_33, %dma_start3A_34] : memref<320000x16xf32, #tpu.memory_space<hbm>> -> memref<80x16xf32, #tpu.memory_space<hbm>>
    %dma_start3A_36 = arith.constant 0 : i32
    %dma_start3A_37 = tpu.memref_slice %arg2[%add3A_33, %dma_start3A_36] : memref<320000x16xf32, #tpu.memory_space<hbm>> -> memref<80x16xf32, #tpu.memory_space<hbm>>
    tpu.enqueue_dma source(%dma_start3A_37 : memref<80x16xf32, #tpu.memory_space<hbm>>) target(%arg10 : memref<80x16xf32, #tpu.memory_space<vmem>>) target_semaphore(%arg17 : memref<!tpu.dma_semaphore, #tpu.memory_space<semaphore_mem>>)
    %dma_wait3A_38 = arith.constant 0 : i32
    %dma_wait3A_39 = tpu.memref_slice %arg2[%mul3A_4, %dma_wait3A_38] : memref<320000x16xf32, #tpu.memory_space<hbm>> -> memref<80x16xf32, #tpu.memory_space<hbm>>
    %dma_wait3A_40 = arith.constant 0 : i32
    %dma_wait3A_41 = tpu.memref_slice %arg2[%mul3A_4, %dma_wait3A_40] : memref<320000x16xf32, #tpu.memory_space<hbm>> -> memref<80x16xf32, #tpu.memory_space<hbm>>
    tpu.wait_dma2 semaphore(%arg15 : memref<!tpu.dma_semaphore, #tpu.memory_space<semaphore_mem>>) src(%dma_wait3A_41 : memref<80x16xf32, #tpu.memory_space<hbm>>) dst(%arg8 : memref<80x16xf32, #tpu.memory_space<vmem>>)
    %dma_start3A_42 = arith.constant 1 : i32
    %dma_start3A_43 = arith.constant 0 : i32
    %dma_start3A_44 = tpu.memref_slice %arg6[%dma_start3A_42, %dma_start3A_43] : memref<125x80xi32, #tpu.memory_space<vmem>> -> memref<1x80xi32, #tpu.memory_space<vmem>>
    %dma_start3A_45 = tpu.memref_squeeze %dma_start3A_44 : memref<1x80xi32, #tpu.memory_space<vmem>> -> memref<80xi32, #tpu.memory_space<vmem>>
    %dma_start3A_46 = arith.constant 0 : i32
    %dma_start3A_47 = arith.constant 0 : i32
    %dma_start3A_48 = tpu.memref_slice %arg13[%dma_start3A_46, %dma_start3A_47] : memref<10240x16xf32, #tpu.memory_space<vmem_shared>> -> memref<10240x16xf32, #tpu.memory_space<vmem_shared>>
    tpu.enqueue_indirect_dma source(%arg8 : memref<80x16xf32, #tpu.memory_space<vmem>>) target(%dma_start3A_48 : memref<10240x16xf32, #tpu.memory_space<vmem_shared>>) offsets(%dma_start3A_45 : memref<80xi32, #tpu.memory_space<vmem>>) semaphore(%arg21 : memref<!tpu.dma_semaphore, #tpu.memory_space<semaphore_mem>>) {add = true}
    %add3A_49 = arith.constant 320 : i32
    %add3A_50 = arith.addi %mul3A_4, %add3A_49 : i32
    %dma_start3A_51 = arith.constant 0 : i32
    %dma_start3A_52 = tpu.memref_slice %arg2[%add3A_50, %dma_start3A_51] : memref<320000x16xf32, #tpu.memory_space<hbm>> -> memref<80x16xf32, #tpu.memory_space<hbm>>
    %dma_start3A_53 = arith.constant 0 : i32
    %dma_start3A_54 = tpu.memref_slice %arg2[%add3A_50, %dma_start3A_53] : memref<320000x16xf32, #tpu.memory_space<hbm>> -> memref<80x16xf32, #tpu.memory_space<hbm>>
    tpu.enqueue_dma source(%dma_start3A_54 : memref<80x16xf32, #tpu.memory_space<hbm>>) target(%arg11 : memref<80x16xf32, #tpu.memory_space<vmem>>) target_semaphore(%arg18 : memref<!tpu.dma_semaphore, #tpu.memory_space<semaphore_mem>>)
    %dma_wait3A_55 = arith.constant 0 : i32
    %dma_wait3A_56 = tpu.memref_slice %arg2[%mul3A_4, %dma_wait3A_55] : memref<320000x16xf32, #tpu.memory_space<hbm>> -> memref<80x16xf32, #tpu.memory_space<hbm>>
    %dma_wait3A_57 = arith.constant 0 : i32
    %dma_wait3A_58 = tpu.memref_slice %arg2[%mul3A_4, %dma_wait3A_57] : memref<320000x16xf32, #tpu.memory_space<hbm>> -> memref<80x16xf32, #tpu.memory_space<hbm>>
    tpu.wait_dma2 semaphore(%arg16 : memref<!tpu.dma_semaphore, #tpu.memory_space<semaphore_mem>>) src(%dma_wait3A_58 : memref<80x16xf32, #tpu.memory_space<hbm>>) dst(%arg9 : memref<80x16xf32, #tpu.memory_space<vmem>>)
    %dma_start3A_59 = arith.constant 2 : i32
    %dma_start3A_60 = arith.constant 0 : i32
    %dma_start3A_61 = tpu.memref_slice %arg6[%dma_start3A_59, %dma_start3A_60] : memref<125x80xi32, #tpu.memory_space<vmem>> -> memref<1x80xi32, #tpu.memory_space<vmem>>
    %dma_start3A_62 = tpu.memref_squeeze %dma_start3A_61 : memref<1x80xi32, #tpu.memory_space<vmem>> -> memref<80xi32, #tpu.memory_space<vmem>>
    %dma_start3A_63 = arith.constant 0 : i32
    %dma_start3A_64 = arith.constant 0 : i32
    %dma_start3A_65 = tpu.memref_slice %arg13[%dma_start3A_63, %dma_start3A_64] : memref<10240x16xf32, #tpu.memory_space<vmem_shared>> -> memref<10240x16xf32, #tpu.memory_space<vmem_shared>>
    tpu.enqueue_indirect_dma source(%arg9 : memref<80x16xf32, #tpu.memory_space<vmem>>) target(%dma_start3A_65 : memref<10240x16xf32, #tpu.memory_space<vmem_shared>>) offsets(%dma_start3A_62 : memref<80xi32, #tpu.memory_space<vmem>>) semaphore(%arg22 : memref<!tpu.dma_semaphore, #tpu.memory_space<semaphore_mem>>) {add = true}
    %add3A_66 = arith.constant 400 : i32
    %add3A_67 = arith.addi %mul3A_4, %add3A_66 : i32
    %dma_start3A_68 = arith.constant 0 : i32
    %dma_start3A_69 = tpu.memref_slice %arg2[%add3A_67, %dma_start3A_68] : memref<320000x16xf32, #tpu.memory_space<hbm>> -> memref<80x16xf32, #tpu.memory_space<hbm>>
    %dma_start3A_70 = arith.constant 0 : i32
    %dma_start3A_71 = tpu.memref_slice %arg2[%add3A_67, %dma_start3A_70] : memref<320000x16xf32, #tpu.memory_space<hbm>> -> memref<80x16xf32, #tpu.memory_space<hbm>>
    tpu.enqueue_dma source(%dma_start3A_71 : memref<80x16xf32, #tpu.memory_space<hbm>>) target(%arg12 : memref<80x16xf32, #tpu.memory_space<vmem>>) target_semaphore(%arg19 : memref<!tpu.dma_semaphore, #tpu.memory_space<semaphore_mem>>)
    %scan3A = arith.constant 0 : i32
    %scan3A_72 = arith.constant 0 : i32
    %scan3A_73 = arith.constant 19 : i32
    %scan3A_74 = arith.addi %scan3A_72, %scan3A_73 : i32
    %scan3A_75 = arith.constant 1 : i32
    scf.for %scan3A_273 = %scan3A_72 to %scan3A_74 step %scan3A_75  : i32 {
      %mul3A_274 = arith.constant 6 : i32
      %mul3A_275 = arith.muli %scan3A_273, %mul3A_274 : i32
      %add3A_276 = arith.constant 3 : i32
      %add3A_277 = arith.addi %add3A_276, %mul3A_275 : i32
      %add3A_278 = arith.constant 0 : i32
      %add3A_279 = arith.addi %add3A_277, %add3A_278 : i32
      %dma_wait3A_280 = arith.constant 0 : i32
      %dma_wait3A_281 = tpu.memref_slice %arg2[%mul3A_4, %dma_wait3A_280] : memref<320000x16xf32, #tpu.memory_space<hbm>> -> memref<80x16xf32, #tpu.memory_space<hbm>>
      %dma_wait3A_282 = arith.constant 0 : i32
      %dma_wait3A_283 = tpu.memref_slice %arg2[%mul3A_4, %dma_wait3A_282] : memref<320000x16xf32, #tpu.memory_space<hbm>> -> memref<80x16xf32, #tpu.memory_space<hbm>>
      tpu.wait_dma2 semaphore(%arg17 : memref<!tpu.dma_semaphore, #tpu.memory_space<semaphore_mem>>) src(%dma_wait3A_283 : memref<80x16xf32, #tpu.memory_space<hbm>>) dst(%arg10 : memref<80x16xf32, #tpu.memory_space<vmem>>)
      %dma_start3A_284 = arith.constant 0 : i32
      %dma_start3A_285 = tpu.memref_slice %arg6[%add3A_279, %dma_start3A_284] : memref<125x80xi32, #tpu.memory_space<vmem>> -> memref<1x80xi32, #tpu.memory_space<vmem>>
      %dma_start3A_286 = tpu.memref_squeeze %dma_start3A_285 : memref<1x80xi32, #tpu.memory_space<vmem>> -> memref<80xi32, #tpu.memory_space<vmem>>
      %dma_start3A_287 = arith.constant 0 : i32
      %dma_start3A_288 = arith.constant 0 : i32
      %dma_start3A_289 = tpu.memref_slice %arg13[%dma_start3A_287, %dma_start3A_288] : memref<10240x16xf32, #tpu.memory_space<vmem_shared>> -> memref<10240x16xf32, #tpu.memory_space<vmem_shared>>
      tpu.enqueue_indirect_dma source(%arg10 : memref<80x16xf32, #tpu.memory_space<vmem>>) target(%dma_start3A_289 : memref<10240x16xf32, #tpu.memory_space<vmem_shared>>) offsets(%dma_start3A_286 : memref<80xi32, #tpu.memory_space<vmem>>) semaphore(%arg23 : memref<!tpu.dma_semaphore, #tpu.memory_space<semaphore_mem>>) {add = true}
      %dma_wait3A_290 = arith.constant 0 : i32
      %dma_wait3A_291 = arith.constant 0 : i32
      %dma_wait3A_292 = tpu.memref_slice %arg6[%dma_wait3A_290, %dma_wait3A_291] : memref<125x80xi32, #tpu.memory_space<vmem>> -> memref<1x80xi32, #tpu.memory_space<vmem>>
      %dma_wait3A_293 = tpu.memref_squeeze %dma_wait3A_292 : memref<1x80xi32, #tpu.memory_space<vmem>> -> memref<80xi32, #tpu.memory_space<vmem>>
      %dma_wait3A_294 = arith.constant 0 : i32
      %dma_wait3A_295 = arith.constant 0 : i32
      %dma_wait3A_296 = tpu.memref_slice %arg13[%dma_wait3A_294, %dma_wait3A_295] : memref<10240x16xf32, #tpu.memory_space<vmem_shared>> -> memref<10240x16xf32, #tpu.memory_space<vmem_shared>>
      tpu.wait_indirect_dma semaphore(%arg20 : memref<!tpu.dma_semaphore, #tpu.memory_space<semaphore_mem>>) src(%arg7 : memref<80x16xf32, #tpu.memory_space<vmem>>) dst(%dma_wait3A_296 : memref<10240x16xf32, #tpu.memory_space<vmem_shared>>)
      %add3A_297 = arith.constant 3 : i32
      %add3A_298 = arith.addi %add3A_279, %add3A_297 : i32
      %mul3A_299 = arith.constant 80 : i32
      %mul3A_300 = arith.muli %add3A_298, %mul3A_299 : i32
      %add3A_301 = arith.addi %mul3A_4, %mul3A_300 : i32
      %dma_start3A_302 = arith.constant 0 : i32
      %dma_start3A_303 = tpu.memref_slice %arg2[%add3A_301, %dma_start3A_302] : memref<320000x16xf32, #tpu.memory_space<hbm>> -> memref<80x16xf32, #tpu.memory_space<hbm>>
      %dma_start3A_304 = arith.constant 0 : i32
      %dma_start3A_305 = tpu.memref_slice %arg2[%add3A_301, %dma_start3A_304] : memref<320000x16xf32, #tpu.memory_space<hbm>> -> memref<80x16xf32, #tpu.memory_space<hbm>>
      tpu.enqueue_dma source(%dma_start3A_305 : memref<80x16xf32, #tpu.memory_space<hbm>>) target(%arg7 : memref<80x16xf32, #tpu.memory_space<vmem>>) target_semaphore(%arg14 : memref<!tpu.dma_semaphore, #tpu.memory_space<semaphore_mem>>)
      %add3A_306 = arith.constant 1 : i32
      %add3A_307 = arith.addi %add3A_277, %add3A_306 : i32
      %dma_wait3A_308 = arith.constant 0 : i32
      %dma_wait3A_309 = tpu.memref_slice %arg2[%mul3A_4, %dma_wait3A_308] : memref<320000x16xf32, #tpu.memory_space<hbm>> -> memref<80x16xf32, #tpu.memory_space<hbm>>
      %dma_wait3A_310 = arith.constant 0 : i32
      %dma_wait3A_311 = tpu.memref_slice %arg2[%mul3A_4, %dma_wait3A_310] : memref<320000x16xf32, #tpu.memory_space<hbm>> -> memref<80x16xf32, #tpu.memory_space<hbm>>
      tpu.wait_dma2 semaphore(%arg18 : memref<!tpu.dma_semaphore, #tpu.memory_space<semaphore_mem>>) src(%dma_wait3A_311 : memref<80x16xf32, #tpu.memory_space<hbm>>) dst(%arg11 : memref<80x16xf32, #tpu.memory_space<vmem>>)
      %dma_start3A_312 = arith.constant 0 : i32
      %dma_start3A_313 = tpu.memref_slice %arg6[%add3A_307, %dma_start3A_312] : memref<125x80xi32, #tpu.memory_space<vmem>> -> memref<1x80xi32, #tpu.memory_space<vmem>>
      %dma_start3A_314 = tpu.memref_squeeze %dma_start3A_313 : memref<1x80xi32, #tpu.memory_space<vmem>> -> memref<80xi32, #tpu.memory_space<vmem>>
      %dma_start3A_315 = arith.constant 0 : i32
      %dma_start3A_316 = arith.constant 0 : i32
      %dma_start3A_317 = tpu.memref_slice %arg13[%dma_start3A_315, %dma_start3A_316] : memref<10240x16xf32, #tpu.memory_space<vmem_shared>> -> memref<10240x16xf32, #tpu.memory_space<vmem_shared>>
      tpu.enqueue_indirect_dma source(%arg11 : memref<80x16xf32, #tpu.memory_space<vmem>>) target(%dma_start3A_317 : memref<10240x16xf32, #tpu.memory_space<vmem_shared>>) offsets(%dma_start3A_314 : memref<80xi32, #tpu.memory_space<vmem>>) semaphore(%arg24 : memref<!tpu.dma_semaphore, #tpu.memory_space<semaphore_mem>>) {add = true}
      %dma_wait3A_318 = arith.constant 0 : i32
      %dma_wait3A_319 = arith.constant 0 : i32
      %dma_wait3A_320 = tpu.memref_slice %arg6[%dma_wait3A_318, %dma_wait3A_319] : memref<125x80xi32, #tpu.memory_space<vmem>> -> memref<1x80xi32, #tpu.memory_space<vmem>>
      %dma_wait3A_321 = tpu.memref_squeeze %dma_wait3A_320 : memref<1x80xi32, #tpu.memory_space<vmem>> -> memref<80xi32, #tpu.memory_space<vmem>>
      %dma_wait3A_322 = arith.constant 0 : i32
      %dma_wait3A_323 = arith.constant 0 : i32
      %dma_wait3A_324 = tpu.memref_slice %arg13[%dma_wait3A_322, %dma_wait3A_323] : memref<10240x16xf32, #tpu.memory_space<vmem_shared>> -> memref<10240x16xf32, #tpu.memory_space<vmem_shared>>
      tpu.wait_indirect_dma semaphore(%arg21 : memref<!tpu.dma_semaphore, #tpu.memory_space<semaphore_mem>>) src(%arg8 : memref<80x16xf32, #tpu.memory_space<vmem>>) dst(%dma_wait3A_324 : memref<10240x16xf32, #tpu.memory_space<vmem_shared>>)
      %add3A_325 = arith.constant 3 : i32
      %add3A_326 = arith.addi %add3A_307, %add3A_325 : i32
      %mul3A_327 = arith.constant 80 : i32
      %mul3A_328 = arith.muli %add3A_326, %mul3A_327 : i32
      %add3A_329 = arith.addi %mul3A_4, %mul3A_328 : i32
      %dma_start3A_330 = arith.constant 0 : i32
      %dma_start3A_331 = tpu.memref_slice %arg2[%add3A_329, %dma_start3A_330] : memref<320000x16xf32, #tpu.memory_space<hbm>> -> memref<80x16xf32, #tpu.memory_space<hbm>>
      %dma_start3A_332 = arith.constant 0 : i32
      %dma_start3A_333 = tpu.memref_slice %arg2[%add3A_329, %dma_start3A_332] : memref<320000x16xf32, #tpu.memory_space<hbm>> -> memref<80x16xf32, #tpu.memory_space<hbm>>
      tpu.enqueue_dma source(%dma_start3A_333 : memref<80x16xf32, #tpu.memory_space<hbm>>) target(%arg8 : memref<80x16xf32, #tpu.memory_space<vmem>>) target_semaphore(%arg15 : memref<!tpu.dma_semaphore, #tpu.memory_space<semaphore_mem>>)
      %add3A_334 = arith.constant 2 : i32
      %add3A_335 = arith.addi %add3A_277, %add3A_334 : i32
      %dma_wait3A_336 = arith.constant 0 : i32
      %dma_wait3A_337 = tpu.memref_slice %arg2[%mul3A_4, %dma_wait3A_336] : memref<320000x16xf32, #tpu.memory_space<hbm>> -> memref<80x16xf32, #tpu.memory_space<hbm>>
      %dma_wait3A_338 = arith.constant 0 : i32
      %dma_wait3A_339 = tpu.memref_slice %arg2[%mul3A_4, %dma_wait3A_338] : memref<320000x16xf32, #tpu.memory_space<hbm>> -> memref<80x16xf32, #tpu.memory_space<hbm>>
      tpu.wait_dma2 semaphore(%arg19 : memref<!tpu.dma_semaphore, #tpu.memory_space<semaphore_mem>>) src(%dma_wait3A_339 : memref<80x16xf32, #tpu.memory_space<hbm>>) dst(%arg12 : memref<80x16xf32, #tpu.memory_space<vmem>>)
      %dma_start3A_340 = arith.constant 0 : i32
      %dma_start3A_341 = tpu.memref_slice %arg6[%add3A_335, %dma_start3A_340] : memref<125x80xi32, #tpu.memory_space<vmem>> -> memref<1x80xi32, #tpu.memory_space<vmem>>
      %dma_start3A_342 = tpu.memref_squeeze %dma_start3A_341 : memref<1x80xi32, #tpu.memory_space<vmem>> -> memref<80xi32, #tpu.memory_space<vmem>>
      %dma_start3A_343 = arith.constant 0 : i32
      %dma_start3A_344 = arith.constant 0 : i32
      %dma_start3A_345 = tpu.memref_slice %arg13[%dma_start3A_343, %dma_start3A_344] : memref<10240x16xf32, #tpu.memory_space<vmem_shared>> -> memref<10240x16xf32, #tpu.memory_space<vmem_shared>>
      tpu.enqueue_indirect_dma source(%arg12 : memref<80x16xf32, #tpu.memory_space<vmem>>) target(%dma_start3A_345 : memref<10240x16xf32, #tpu.memory_space<vmem_shared>>) offsets(%dma_start3A_342 : memref<80xi32, #tpu.memory_space<vmem>>) semaphore(%arg25 : memref<!tpu.dma_semaphore, #tpu.memory_space<semaphore_mem>>) {add = true}
      %dma_wait3A_346 = arith.constant 0 : i32
      %dma_wait3A_347 = arith.constant 0 : i32
      %dma_wait3A_348 = tpu.memref_slice %arg6[%dma_wait3A_346, %dma_wait3A_347] : memref<125x80xi32, #tpu.memory_space<vmem>> -> memref<1x80xi32, #tpu.memory_space<vmem>>
      %dma_wait3A_349 = tpu.memref_squeeze %dma_wait3A_348 : memref<1x80xi32, #tpu.memory_space<vmem>> -> memref<80xi32, #tpu.memory_space<vmem>>
      %dma_wait3A_350 = arith.constant 0 : i32
      %dma_wait3A_351 = arith.constant 0 : i32
      %dma_wait3A_352 = tpu.memref_slice %arg13[%dma_wait3A_350, %dma_wait3A_351] : memref<10240x16xf32, #tpu.memory_space<vmem_shared>> -> memref<10240x16xf32, #tpu.memory_space<vmem_shared>>
      tpu.wait_indirect_dma semaphore(%arg22 : memref<!tpu.dma_semaphore, #tpu.memory_space<semaphore_mem>>) src(%arg9 : memref<80x16xf32, #tpu.memory_space<vmem>>) dst(%dma_wait3A_352 : memref<10240x16xf32, #tpu.memory_space<vmem_shared>>)
      %add3A_353 = arith.constant 3 : i32
      %add3A_354 = arith.addi %add3A_335, %add3A_353 : i32
      %mul3A_355 = arith.constant 80 : i32
      %mul3A_356 = arith.muli %add3A_354, %mul3A_355 : i32
      %add3A_357 = arith.addi %mul3A_4, %mul3A_356 : i32
      %dma_start3A_358 = arith.constant 0 : i32
      %dma_start3A_359 = tpu.memref_slice %arg2[%add3A_357, %dma_start3A_358] : memref<320000x16xf32, #tpu.memory_space<hbm>> -> memref<80x16xf32, #tpu.memory_space<hbm>>
      %dma_start3A_360 = arith.constant 0 : i32
      %dma_start3A_361 = tpu.memref_slice %arg2[%add3A_357, %dma_start3A_360] : memref<320000x16xf32, #tpu.memory_space<hbm>> -> memref<80x16xf32, #tpu.memory_space<hbm>>
      tpu.enqueue_dma source(%dma_start3A_361 : memref<80x16xf32, #tpu.memory_space<hbm>>) target(%arg9 : memref<80x16xf32, #tpu.memory_space<vmem>>) target_semaphore(%arg16 : memref<!tpu.dma_semaphore, #tpu.memory_space<semaphore_mem>>)
      %add3A_362 = arith.constant 3 : i32
      %add3A_363 = arith.addi %add3A_277, %add3A_362 : i32
      %dma_wait3A_364 = arith.constant 0 : i32
      %dma_wait3A_365 = tpu.memref_slice %arg2[%mul3A_4, %dma_wait3A_364] : memref<320000x16xf32, #tpu.memory_space<hbm>> -> memref<80x16xf32, #tpu.memory_space<hbm>>
      %dma_wait3A_366 = arith.constant 0 : i32
      %dma_wait3A_367 = tpu.memref_slice %arg2[%mul3A_4, %dma_wait3A_366] : memref<320000x16xf32, #tpu.memory_space<hbm>> -> memref<80x16xf32, #tpu.memory_space<hbm>>
      tpu.wait_dma2 semaphore(%arg14 : memref<!tpu.dma_semaphore, #tpu.memory_space<semaphore_mem>>) src(%dma_wait3A_367 : memref<80x16xf32, #tpu.memory_space<hbm>>) dst(%arg7 : memref<80x16xf32, #tpu.memory_space<vmem>>)
      %dma_start3A_368 = arith.constant 0 : i32
      %dma_start3A_369 = tpu.memref_slice %arg6[%add3A_363, %dma_start3A_368] : memref<125x80xi32, #tpu.memory_space<vmem>> -> memref<1x80xi32, #tpu.memory_space<vmem>>
      %dma_start3A_370 = tpu.memref_squeeze %dma_start3A_369 : memref<1x80xi32, #tpu.memory_space<vmem>> -> memref<80xi32, #tpu.memory_space<vmem>>
      %dma_start3A_371 = arith.constant 0 : i32
      %dma_start3A_372 = arith.constant 0 : i32
      %dma_start3A_373 = tpu.memref_slice %arg13[%dma_start3A_371, %dma_start3A_372] : memref<10240x16xf32, #tpu.memory_space<vmem_shared>> -> memref<10240x16xf32, #tpu.memory_space<vmem_shared>>
      tpu.enqueue_indirect_dma source(%arg7 : memref<80x16xf32, #tpu.memory_space<vmem>>) target(%dma_start3A_373 : memref<10240x16xf32, #tpu.memory_space<vmem_shared>>) offsets(%dma_start3A_370 : memref<80xi32, #tpu.memory_space<vmem>>) semaphore(%arg20 : memref<!tpu.dma_semaphore, #tpu.memory_space<semaphore_mem>>) {add = true}
      %dma_wait3A_374 = arith.constant 0 : i32
      %dma_wait3A_375 = arith.constant 0 : i32
      %dma_wait3A_376 = tpu.memref_slice %arg6[%dma_wait3A_374, %dma_wait3A_375] : memref<125x80xi32, #tpu.memory_space<vmem>> -> memref<1x80xi32, #tpu.memory_space<vmem>>
      %dma_wait3A_377 = tpu.memref_squeeze %dma_wait3A_376 : memref<1x80xi32, #tpu.memory_space<vmem>> -> memref<80xi32, #tpu.memory_space<vmem>>
      %dma_wait3A_378 = arith.constant 0 : i32
      %dma_wait3A_379 = arith.constant 0 : i32
      %dma_wait3A_380 = tpu.memref_slice %arg13[%dma_wait3A_378, %dma_wait3A_379] : memref<10240x16xf32, #tpu.memory_space<vmem_shared>> -> memref<10240x16xf32, #tpu.memory_space<vmem_shared>>
      tpu.wait_indirect_dma semaphore(%arg23 : memref<!tpu.dma_semaphore, #tpu.memory_space<semaphore_mem>>) src(%arg10 : memref<80x16xf32, #tpu.memory_space<vmem>>) dst(%dma_wait3A_380 : memref<10240x16xf32, #tpu.memory_space<vmem_shared>>)
      %add3A_381 = arith.constant 3 : i32
      %add3A_382 = arith.addi %add3A_363, %add3A_381 : i32
      %mul3A_383 = arith.constant 80 : i32
      %mul3A_384 = arith.muli %add3A_382, %mul3A_383 : i32
      %add3A_385 = arith.addi %mul3A_4, %mul3A_384 : i32
      %dma_start3A_386 = arith.constant 0 : i32
      %dma_start3A_387 = tpu.memref_slice %arg2[%add3A_385, %dma_start3A_386] : memref<320000x16xf32, #tpu.memory_space<hbm>> -> memref<80x16xf32, #tpu.memory_space<hbm>>
      %dma_start3A_388 = arith.constant 0 : i32
      %dma_start3A_389 = tpu.memref_slice %arg2[%add3A_385, %dma_start3A_388] : memref<320000x16xf32, #tpu.memory_space<hbm>> -> memref<80x16xf32, #tpu.memory_space<hbm>>
      tpu.enqueue_dma source(%dma_start3A_389 : memref<80x16xf32, #tpu.memory_space<hbm>>) target(%arg10 : memref<80x16xf32, #tpu.memory_space<vmem>>) target_semaphore(%arg17 : memref<!tpu.dma_semaphore, #tpu.memory_space<semaphore_mem>>)
      %add3A_390 = arith.constant 4 : i32
      %add3A_391 = arith.addi %add3A_277, %add3A_390 : i32
      %dma_wait3A_392 = arith.constant 0 : i32
      %dma_wait3A_393 = tpu.memref_slice %arg2[%mul3A_4, %dma_wait3A_392] : memref<320000x16xf32, #tpu.memory_space<hbm>> -> memref<80x16xf32, #tpu.memory_space<hbm>>
      %dma_wait3A_394 = arith.constant 0 : i32
      %dma_wait3A_395 = tpu.memref_slice %arg2[%mul3A_4, %dma_wait3A_394] : memref<320000x16xf32, #tpu.memory_space<hbm>> -> memref<80x16xf32, #tpu.memory_space<hbm>>
      tpu.wait_dma2 semaphore(%arg15 : memref<!tpu.dma_semaphore, #tpu.memory_space<semaphore_mem>>) src(%dma_wait3A_395 : memref<80x16xf32, #tpu.memory_space<hbm>>) dst(%arg8 : memref<80x16xf32, #tpu.memory_space<vmem>>)
      %dma_start3A_396 = arith.constant 0 : i32
      %dma_start3A_397 = tpu.memref_slice %arg6[%add3A_391, %dma_start3A_396] : memref<125x80xi32, #tpu.memory_space<vmem>> -> memref<1x80xi32, #tpu.memory_space<vmem>>
      %dma_start3A_398 = tpu.memref_squeeze %dma_start3A_397 : memref<1x80xi32, #tpu.memory_space<vmem>> -> memref<80xi32, #tpu.memory_space<vmem>>
      %dma_start3A_399 = arith.constant 0 : i32
      %dma_start3A_400 = arith.constant 0 : i32
      %dma_start3A_401 = tpu.memref_slice %arg13[%dma_start3A_399, %dma_start3A_400] : memref<10240x16xf32, #tpu.memory_space<vmem_shared>> -> memref<10240x16xf32, #tpu.memory_space<vmem_shared>>
      tpu.enqueue_indirect_dma source(%arg8 : memref<80x16xf32, #tpu.memory_space<vmem>>) target(%dma_start3A_401 : memref<10240x16xf32, #tpu.memory_space<vmem_shared>>) offsets(%dma_start3A_398 : memref<80xi32, #tpu.memory_space<vmem>>) semaphore(%arg21 : memref<!tpu.dma_semaphore, #tpu.memory_space<semaphore_mem>>) {add = true}
      %dma_wait3A_402 = arith.constant 0 : i32
      %dma_wait3A_403 = arith.constant 0 : i32
      %dma_wait3A_404 = tpu.memref_slice %arg6[%dma_wait3A_402, %dma_wait3A_403] : memref<125x80xi32, #tpu.memory_space<vmem>> -> memref<1x80xi32, #tpu.memory_space<vmem>>
      %dma_wait3A_405 = tpu.memref_squeeze %dma_wait3A_404 : memref<1x80xi32, #tpu.memory_space<vmem>> -> memref<80xi32, #tpu.memory_space<vmem>>
      %dma_wait3A_406 = arith.constant 0 : i32
      %dma_wait3A_407 = arith.constant 0 : i32
      %dma_wait3A_408 = tpu.memref_slice %arg13[%dma_wait3A_406, %dma_wait3A_407] : memref<10240x16xf32, #tpu.memory_space<vmem_shared>> -> memref<10240x16xf32, #tpu.memory_space<vmem_shared>>
      tpu.wait_indirect_dma semaphore(%arg24 : memref<!tpu.dma_semaphore, #tpu.memory_space<semaphore_mem>>) src(%arg11 : memref<80x16xf32, #tpu.memory_space<vmem>>) dst(%dma_wait3A_408 : memref<10240x16xf32, #tpu.memory_space<vmem_shared>>)
      %add3A_409 = arith.constant 3 : i32
      %add3A_410 = arith.addi %add3A_391, %add3A_409 : i32
      %mul3A_411 = arith.constant 80 : i32
      %mul3A_412 = arith.muli %add3A_410, %mul3A_411 : i32
      %add3A_413 = arith.addi %mul3A_4, %mul3A_412 : i32
      %dma_start3A_414 = arith.constant 0 : i32
      %dma_start3A_415 = tpu.memref_slice %arg2[%add3A_413, %dma_start3A_414] : memref<320000x16xf32, #tpu.memory_space<hbm>> -> memref<80x16xf32, #tpu.memory_space<hbm>>
      %dma_start3A_416 = arith.constant 0 : i32
      %dma_start3A_417 = tpu.memref_slice %arg2[%add3A_413, %dma_start3A_416] : memref<320000x16xf32, #tpu.memory_space<hbm>> -> memref<80x16xf32, #tpu.memory_space<hbm>>
      tpu.enqueue_dma source(%dma_start3A_417 : memref<80x16xf32, #tpu.memory_space<hbm>>) target(%arg11 : memref<80x16xf32, #tpu.memory_space<vmem>>) target_semaphore(%arg18 : memref<!tpu.dma_semaphore, #tpu.memory_space<semaphore_mem>>)
      %add3A_418 = arith.constant 5 : i32
      %add3A_419 = arith.addi %add3A_277, %add3A_418 : i32
      %dma_wait3A_420 = arith.constant 0 : i32
      %dma_wait3A_421 = tpu.memref_slice %arg2[%mul3A_4, %dma_wait3A_420] : memref<320000x16xf32, #tpu.memory_space<hbm>> -> memref<80x16xf32, #tpu.memory_space<hbm>>
      %dma_wait3A_422 = arith.constant 0 : i32
      %dma_wait3A_423 = tpu.memref_slice %arg2[%mul3A_4, %dma_wait3A_422] : memref<320000x16xf32, #tpu.memory_space<hbm>> -> memref<80x16xf32, #tpu.memory_space<hbm>>
      tpu.wait_dma2 semaphore(%arg16 : memref<!tpu.dma_semaphore, #tpu.memory_space<semaphore_mem>>) src(%dma_wait3A_423 : memref<80x16xf32, #tpu.memory_space<hbm>>) dst(%arg9 : memref<80x16xf32, #tpu.memory_space<vmem>>)
      %dma_start3A_424 = arith.constant 0 : i32
      %dma_start3A_425 = tpu.memref_slice %arg6[%add3A_419, %dma_start3A_424] : memref<125x80xi32, #tpu.memory_space<vmem>> -> memref<1x80xi32, #tpu.memory_space<vmem>>
      %dma_start3A_426 = tpu.memref_squeeze %dma_start3A_425 : memref<1x80xi32, #tpu.memory_space<vmem>> -> memref<80xi32, #tpu.memory_space<vmem>>
      %dma_start3A_427 = arith.constant 0 : i32
      %dma_start3A_428 = arith.constant 0 : i32
      %dma_start3A_429 = tpu.memref_slice %arg13[%dma_start3A_427, %dma_start3A_428] : memref<10240x16xf32, #tpu.memory_space<vmem_shared>> -> memref<10240x16xf32, #tpu.memory_space<vmem_shared>>
      tpu.enqueue_indirect_dma source(%arg9 : memref<80x16xf32, #tpu.memory_space<vmem>>) target(%dma_start3A_429 : memref<10240x16xf32, #tpu.memory_space<vmem_shared>>) offsets(%dma_start3A_426 : memref<80xi32, #tpu.memory_space<vmem>>) semaphore(%arg22 : memref<!tpu.dma_semaphore, #tpu.memory_space<semaphore_mem>>) {add = true}
      %dma_wait3A_430 = arith.constant 0 : i32
      %dma_wait3A_431 = arith.constant 0 : i32
      %dma_wait3A_432 = tpu.memref_slice %arg6[%dma_wait3A_430, %dma_wait3A_431] : memref<125x80xi32, #tpu.memory_space<vmem>> -> memref<1x80xi32, #tpu.memory_space<vmem>>
      %dma_wait3A_433 = tpu.memref_squeeze %dma_wait3A_432 : memref<1x80xi32, #tpu.memory_space<vmem>> -> memref<80xi32, #tpu.memory_space<vmem>>
      %dma_wait3A_434 = arith.constant 0 : i32
      %dma_wait3A_435 = arith.constant 0 : i32
      %dma_wait3A_436 = tpu.memref_slice %arg13[%dma_wait3A_434, %dma_wait3A_435] : memref<10240x16xf32, #tpu.memory_space<vmem_shared>> -> memref<10240x16xf32, #tpu.memory_space<vmem_shared>>
      tpu.wait_indirect_dma semaphore(%arg25 : memref<!tpu.dma_semaphore, #tpu.memory_space<semaphore_mem>>) src(%arg12 : memref<80x16xf32, #tpu.memory_space<vmem>>) dst(%dma_wait3A_436 : memref<10240x16xf32, #tpu.memory_space<vmem_shared>>)
      %add3A_437 = arith.constant 3 : i32
      %add3A_438 = arith.addi %add3A_419, %add3A_437 : i32
      %mul3A_439 = arith.constant 80 : i32
      %mul3A_440 = arith.muli %add3A_438, %mul3A_439 : i32
      %add3A_441 = arith.addi %mul3A_4, %mul3A_440 : i32
      %dma_start3A_442 = arith.constant 0 : i32
      %dma_start3A_443 = tpu.memref_slice %arg2[%add3A_441, %dma_start3A_442] : memref<320000x16xf32, #tpu.memory_space<hbm>> -> memref<80x16xf32, #tpu.memory_space<hbm>>
      %dma_start3A_444 = arith.constant 0 : i32
      %dma_start3A_445 = tpu.memref_slice %arg2[%add3A_441, %dma_start3A_444] : memref<320000x16xf32, #tpu.memory_space<hbm>> -> memref<80x16xf32, #tpu.memory_space<hbm>>
      tpu.enqueue_dma source(%dma_start3A_445 : memref<80x16xf32, #tpu.memory_space<hbm>>) target(%arg12 : memref<80x16xf32, #tpu.memory_space<vmem>>) target_semaphore(%arg19 : memref<!tpu.dma_semaphore, #tpu.memory_space<semaphore_mem>>)
    }
    %scan3A_76 = arith.constant 19 : i32
    %dma_wait3A_77 = arith.constant 0 : i32
    %dma_wait3A_78 = tpu.memref_slice %arg2[%mul3A_4, %dma_wait3A_77] : memref<320000x16xf32, #tpu.memory_space<hbm>> -> memref<80x16xf32, #tpu.memory_space<hbm>>
    %dma_wait3A_79 = arith.constant 0 : i32
    %dma_wait3A_80 = tpu.memref_slice %arg2[%mul3A_4, %dma_wait3A_79] : memref<320000x16xf32, #tpu.memory_space<hbm>> -> memref<80x16xf32, #tpu.memory_space<hbm>>
    tpu.wait_dma2 semaphore(%arg17 : memref<!tpu.dma_semaphore, #tpu.memory_space<semaphore_mem>>) src(%dma_wait3A_80 : memref<80x16xf32, #tpu.memory_space<hbm>>) dst(%arg10 : memref<80x16xf32, #tpu.memory_space<vmem>>)
    %dma_start3A_81 = arith.constant 117 : i32
    %dma_start3A_82 = arith.constant 0 : i32
    %dma_start3A_83 = tpu.memref_slice %arg6[%dma_start3A_81, %dma_start3A_82] : memref<125x80xi32, #tpu.memory_space<vmem>> -> memref<1x80xi32, #tpu.memory_space<vmem>>
    %dma_start3A_84 = tpu.memref_squeeze %dma_start3A_83 : memref<1x80xi32, #tpu.memory_space<vmem>> -> memref<80xi32, #tpu.memory_space<vmem>>
    %dma_start3A_85 = arith.constant 0 : i32
    %dma_start3A_86 = arith.constant 0 : i32
    %dma_start3A_87 = tpu.memref_slice %arg13[%dma_start3A_85, %dma_start3A_86] : memref<10240x16xf32, #tpu.memory_space<vmem_shared>> -> memref<10240x16xf32, #tpu.memory_space<vmem_shared>>
    tpu.enqueue_indirect_dma source(%arg10 : memref<80x16xf32, #tpu.memory_space<vmem>>) target(%dma_start3A_87 : memref<10240x16xf32, #tpu.memory_space<vmem_shared>>) offsets(%dma_start3A_84 : memref<80xi32, #tpu.memory_space<vmem>>) semaphore(%arg23 : memref<!tpu.dma_semaphore, #tpu.memory_space<semaphore_mem>>) {add = true}
    %dma_wait3A_88 = arith.constant 0 : i32
    %dma_wait3A_89 = arith.constant 0 : i32
    %dma_wait3A_90 = tpu.memref_slice %arg6[%dma_wait3A_88, %dma_wait3A_89] : memref<125x80xi32, #tpu.memory_space<vmem>> -> memref<1x80xi32, #tpu.memory_space<vmem>>
    %dma_wait3A_91 = tpu.memref_squeeze %dma_wait3A_90 : memref<1x80xi32, #tpu.memory_space<vmem>> -> memref<80xi32, #tpu.memory_space<vmem>>
    %dma_wait3A_92 = arith.constant 0 : i32
    %dma_wait3A_93 = arith.constant 0 : i32
    %dma_wait3A_94 = tpu.memref_slice %arg13[%dma_wait3A_92, %dma_wait3A_93] : memref<10240x16xf32, #tpu.memory_space<vmem_shared>> -> memref<10240x16xf32, #tpu.memory_space<vmem_shared>>
    tpu.wait_indirect_dma semaphore(%arg20 : memref<!tpu.dma_semaphore, #tpu.memory_space<semaphore_mem>>) src(%arg7 : memref<80x16xf32, #tpu.memory_space<vmem>>) dst(%dma_wait3A_94 : memref<10240x16xf32, #tpu.memory_space<vmem_shared>>)
    %add3A_95 = arith.constant 9600 : i32
    %add3A_96 = arith.addi %mul3A_4, %add3A_95 : i32
    %dma_start3A_97 = arith.constant 0 : i32
    %dma_start3A_98 = tpu.memref_slice %arg2[%add3A_96, %dma_start3A_97] : memref<320000x16xf32, #tpu.memory_space<hbm>> -> memref<80x16xf32, #tpu.memory_space<hbm>>
    %dma_start3A_99 = arith.constant 0 : i32
    %dma_start3A_100 = tpu.memref_slice %arg2[%add3A_96, %dma_start3A_99] : memref<320000x16xf32, #tpu.memory_space<hbm>> -> memref<80x16xf32, #tpu.memory_space<hbm>>
    tpu.enqueue_dma source(%dma_start3A_100 : memref<80x16xf32, #tpu.memory_space<hbm>>) target(%arg7 : memref<80x16xf32, #tpu.memory_space<vmem>>) target_semaphore(%arg14 : memref<!tpu.dma_semaphore, #tpu.memory_space<semaphore_mem>>)
    %dma_wait3A_101 = arith.constant 0 : i32
    %dma_wait3A_102 = tpu.memref_slice %arg2[%mul3A_4, %dma_wait3A_101] : memref<320000x16xf32, #tpu.memory_space<hbm>> -> memref<80x16xf32, #tpu.memory_space<hbm>>
    %dma_wait3A_103 = arith.constant 0 : i32
    %dma_wait3A_104 = tpu.memref_slice %arg2[%mul3A_4, %dma_wait3A_103] : memref<320000x16xf32, #tpu.memory_space<hbm>> -> memref<80x16xf32, #tpu.memory_space<hbm>>
    tpu.wait_dma2 semaphore(%arg18 : memref<!tpu.dma_semaphore, #tpu.memory_space<semaphore_mem>>) src(%dma_wait3A_104 : memref<80x16xf32, #tpu.memory_space<hbm>>) dst(%arg11 : memref<80x16xf32, #tpu.memory_space<vmem>>)
    %dma_start3A_105 = arith.constant 118 : i32
    %dma_start3A_106 = arith.constant 0 : i32
    %dma_start3A_107 = tpu.memref_slice %arg6[%dma_start3A_105, %dma_start3A_106] : memref<125x80xi32, #tpu.memory_space<vmem>> -> memref<1x80xi32, #tpu.memory_space<vmem>>
    %dma_start3A_108 = tpu.memref_squeeze %dma_start3A_107 : memref<1x80xi32, #tpu.memory_space<vmem>> -> memref<80xi32, #tpu.memory_space<vmem>>
    %dma_start3A_109 = arith.constant 0 : i32
    %dma_start3A_110 = arith.constant 0 : i32
    %dma_start3A_111 = tpu.memref_slice %arg13[%dma_start3A_109, %dma_start3A_110] : memref<10240x16xf32, #tpu.memory_space<vmem_shared>> -> memref<10240x16xf32, #tpu.memory_space<vmem_shared>>
    tpu.enqueue_indirect_dma source(%arg11 : memref<80x16xf32, #tpu.memory_space<vmem>>) target(%dma_start3A_111 : memref<10240x16xf32, #tpu.memory_space<vmem_shared>>) offsets(%dma_start3A_108 : memref<80xi32, #tpu.memory_space<vmem>>) semaphore(%arg24 : memref<!tpu.dma_semaphore, #tpu.memory_space<semaphore_mem>>) {add = true}
    %dma_wait3A_112 = arith.constant 0 : i32
    %dma_wait3A_113 = arith.constant 0 : i32
    %dma_wait3A_114 = tpu.memref_slice %arg6[%dma_wait3A_112, %dma_wait3A_113] : memref<125x80xi32, #tpu.memory_space<vmem>> -> memref<1x80xi32, #tpu.memory_space<vmem>>
    %dma_wait3A_115 = tpu.memref_squeeze %dma_wait3A_114 : memref<1x80xi32, #tpu.memory_space<vmem>> -> memref<80xi32, #tpu.memory_space<vmem>>
    %dma_wait3A_116 = arith.constant 0 : i32
    %dma_wait3A_117 = arith.constant 0 : i32
    %dma_wait3A_118 = tpu.memref_slice %arg13[%dma_wait3A_116, %dma_wait3A_117] : memref<10240x16xf32, #tpu.memory_space<vmem_shared>> -> memref<10240x16xf32, #tpu.memory_space<vmem_shared>>
    tpu.wait_indirect_dma semaphore(%arg21 : memref<!tpu.dma_semaphore, #tpu.memory_space<semaphore_mem>>) src(%arg8 : memref<80x16xf32, #tpu.memory_space<vmem>>) dst(%dma_wait3A_118 : memref<10240x16xf32, #tpu.memory_space<vmem_shared>>)
    %add3A_119 = arith.constant 9680 : i32
    %add3A_120 = arith.addi %mul3A_4, %add3A_119 : i32
    %dma_start3A_121 = arith.constant 0 : i32
    %dma_start3A_122 = tpu.memref_slice %arg2[%add3A_120, %dma_start3A_121] : memref<320000x16xf32, #tpu.memory_space<hbm>> -> memref<80x16xf32, #tpu.memory_space<hbm>>
    %dma_start3A_123 = arith.constant 0 : i32
    %dma_start3A_124 = tpu.memref_slice %arg2[%add3A_120, %dma_start3A_123] : memref<320000x16xf32, #tpu.memory_space<hbm>> -> memref<80x16xf32, #tpu.memory_space<hbm>>
    tpu.enqueue_dma source(%dma_start3A_124 : memref<80x16xf32, #tpu.memory_space<hbm>>) target(%arg8 : memref<80x16xf32, #tpu.memory_space<vmem>>) target_semaphore(%arg15 : memref<!tpu.dma_semaphore, #tpu.memory_space<semaphore_mem>>)
    %dma_wait3A_125 = arith.constant 0 : i32
    %dma_wait3A_126 = tpu.memref_slice %arg2[%mul3A_4, %dma_wait3A_125] : memref<320000x16xf32, #tpu.memory_space<hbm>> -> memref<80x16xf32, #tpu.memory_space<hbm>>
    %dma_wait3A_127 = arith.constant 0 : i32
    %dma_wait3A_128 = tpu.memref_slice %arg2[%mul3A_4, %dma_wait3A_127] : memref<320000x16xf32, #tpu.memory_space<hbm>> -> memref<80x16xf32, #tpu.memory_space<hbm>>
    tpu.wait_dma2 semaphore(%arg19 : memref<!tpu.dma_semaphore, #tpu.memory_space<semaphore_mem>>) src(%dma_wait3A_128 : memref<80x16xf32, #tpu.memory_space<hbm>>) dst(%arg12 : memref<80x16xf32, #tpu.memory_space<vmem>>)
    %dma_start3A_129 = arith.constant 119 : i32
    %dma_start3A_130 = arith.constant 0 : i32
    %dma_start3A_131 = tpu.memref_slice %arg6[%dma_start3A_129, %dma_start3A_130] : memref<125x80xi32, #tpu.memory_space<vmem>> -> memref<1x80xi32, #tpu.memory_space<vmem>>
    %dma_start3A_132 = tpu.memref_squeeze %dma_start3A_131 : memref<1x80xi32, #tpu.memory_space<vmem>> -> memref<80xi32, #tpu.memory_space<vmem>>
    %dma_start3A_133 = arith.constant 0 : i32
    %dma_start3A_134 = arith.constant 0 : i32
    %dma_start3A_135 = tpu.memref_slice %arg13[%dma_start3A_133, %dma_start3A_134] : memref<10240x16xf32, #tpu.memory_space<vmem_shared>> -> memref<10240x16xf32, #tpu.memory_space<vmem_shared>>
    tpu.enqueue_indirect_dma source(%arg12 : memref<80x16xf32, #tpu.memory_space<vmem>>) target(%dma_start3A_135 : memref<10240x16xf32, #tpu.memory_space<vmem_shared>>) offsets(%dma_start3A_132 : memref<80xi32, #tpu.memory_space<vmem>>) semaphore(%arg25 : memref<!tpu.dma_semaphore, #tpu.memory_space<semaphore_mem>>) {add = true}
    %dma_wait3A_136 = arith.constant 0 : i32
    %dma_wait3A_137 = arith.constant 0 : i32
    %dma_wait3A_138 = tpu.memref_slice %arg6[%dma_wait3A_136, %dma_wait3A_137] : memref<125x80xi32, #tpu.memory_space<vmem>> -> memref<1x80xi32, #tpu.memory_space<vmem>>
    %dma_wait3A_139 = tpu.memref_squeeze %dma_wait3A_138 : memref<1x80xi32, #tpu.memory_space<vmem>> -> memref<80xi32, #tpu.memory_space<vmem>>
    %dma_wait3A_140 = arith.constant 0 : i32
    %dma_wait3A_141 = arith.constant 0 : i32
    %dma_wait3A_142 = tpu.memref_slice %arg13[%dma_wait3A_140, %dma_wait3A_141] : memref<10240x16xf32, #tpu.memory_space<vmem_shared>> -> memref<10240x16xf32, #tpu.memory_space<vmem_shared>>
    tpu.wait_indirect_dma semaphore(%arg22 : memref<!tpu.dma_semaphore, #tpu.memory_space<semaphore_mem>>) src(%arg9 : memref<80x16xf32, #tpu.memory_space<vmem>>) dst(%dma_wait3A_142 : memref<10240x16xf32, #tpu.memory_space<vmem_shared>>)
    %add3A_143 = arith.constant 9760 : i32
    %add3A_144 = arith.addi %mul3A_4, %add3A_143 : i32
    %dma_start3A_145 = arith.constant 0 : i32
    %dma_start3A_146 = tpu.memref_slice %arg2[%add3A_144, %dma_start3A_145] : memref<320000x16xf32, #tpu.memory_space<hbm>> -> memref<80x16xf32, #tpu.memory_space<hbm>>
    %dma_start3A_147 = arith.constant 0 : i32
    %dma_start3A_148 = tpu.memref_slice %arg2[%add3A_144, %dma_start3A_147] : memref<320000x16xf32, #tpu.memory_space<hbm>> -> memref<80x16xf32, #tpu.memory_space<hbm>>
    tpu.enqueue_dma source(%dma_start3A_148 : memref<80x16xf32, #tpu.memory_space<hbm>>) target(%arg9 : memref<80x16xf32, #tpu.memory_space<vmem>>) target_semaphore(%arg16 : memref<!tpu.dma_semaphore, #tpu.memory_space<semaphore_mem>>)
    %dma_wait3A_149 = arith.constant 0 : i32
    %dma_wait3A_150 = tpu.memref_slice %arg2[%mul3A_4, %dma_wait3A_149] : memref<320000x16xf32, #tpu.memory_space<hbm>> -> memref<80x16xf32, #tpu.memory_space<hbm>>
    %dma_wait3A_151 = arith.constant 0 : i32
    %dma_wait3A_152 = tpu.memref_slice %arg2[%mul3A_4, %dma_wait3A_151] : memref<320000x16xf32, #tpu.memory_space<hbm>> -> memref<80x16xf32, #tpu.memory_space<hbm>>
    tpu.wait_dma2 semaphore(%arg14 : memref<!tpu.dma_semaphore, #tpu.memory_space<semaphore_mem>>) src(%dma_wait3A_152 : memref<80x16xf32, #tpu.memory_space<hbm>>) dst(%arg7 : memref<80x16xf32, #tpu.memory_space<vmem>>)
    %dma_start3A_153 = arith.constant 120 : i32
    %dma_start3A_154 = arith.constant 0 : i32
    %dma_start3A_155 = tpu.memref_slice %arg6[%dma_start3A_153, %dma_start3A_154] : memref<125x80xi32, #tpu.memory_space<vmem>> -> memref<1x80xi32, #tpu.memory_space<vmem>>
    %dma_start3A_156 = tpu.memref_squeeze %dma_start3A_155 : memref<1x80xi32, #tpu.memory_space<vmem>> -> memref<80xi32, #tpu.memory_space<vmem>>
    %dma_start3A_157 = arith.constant 0 : i32
    %dma_start3A_158 = arith.constant 0 : i32
    %dma_start3A_159 = tpu.memref_slice %arg13[%dma_start3A_157, %dma_start3A_158] : memref<10240x16xf32, #tpu.memory_space<vmem_shared>> -> memref<10240x16xf32, #tpu.memory_space<vmem_shared>>
    tpu.enqueue_indirect_dma source(%arg7 : memref<80x16xf32, #tpu.memory_space<vmem>>) target(%dma_start3A_159 : memref<10240x16xf32, #tpu.memory_space<vmem_shared>>) offsets(%dma_start3A_156 : memref<80xi32, #tpu.memory_space<vmem>>) semaphore(%arg20 : memref<!tpu.dma_semaphore, #tpu.memory_space<semaphore_mem>>) {add = true}
    %dma_wait3A_160 = arith.constant 0 : i32
    %dma_wait3A_161 = arith.constant 0 : i32
    %dma_wait3A_162 = tpu.memref_slice %arg6[%dma_wait3A_160, %dma_wait3A_161] : memref<125x80xi32, #tpu.memory_space<vmem>> -> memref<1x80xi32, #tpu.memory_space<vmem>>
    %dma_wait3A_163 = tpu.memref_squeeze %dma_wait3A_162 : memref<1x80xi32, #tpu.memory_space<vmem>> -> memref<80xi32, #tpu.memory_space<vmem>>
    %dma_wait3A_164 = arith.constant 0 : i32
    %dma_wait3A_165 = arith.constant 0 : i32
    %dma_wait3A_166 = tpu.memref_slice %arg13[%dma_wait3A_164, %dma_wait3A_165] : memref<10240x16xf32, #tpu.memory_space<vmem_shared>> -> memref<10240x16xf32, #tpu.memory_space<vmem_shared>>
    tpu.wait_indirect_dma semaphore(%arg23 : memref<!tpu.dma_semaphore, #tpu.memory_space<semaphore_mem>>) src(%arg10 : memref<80x16xf32, #tpu.memory_space<vmem>>) dst(%dma_wait3A_166 : memref<10240x16xf32, #tpu.memory_space<vmem_shared>>)
    %add3A_167 = arith.constant 9840 : i32
    %add3A_168 = arith.addi %mul3A_4, %add3A_167 : i32
    %dma_start3A_169 = arith.constant 0 : i32
    %dma_start3A_170 = tpu.memref_slice %arg2[%add3A_168, %dma_start3A_169] : memref<320000x16xf32, #tpu.memory_space<hbm>> -> memref<80x16xf32, #tpu.memory_space<hbm>>
    %dma_start3A_171 = arith.constant 0 : i32
    %dma_start3A_172 = tpu.memref_slice %arg2[%add3A_168, %dma_start3A_171] : memref<320000x16xf32, #tpu.memory_space<hbm>> -> memref<80x16xf32, #tpu.memory_space<hbm>>
    tpu.enqueue_dma source(%dma_start3A_172 : memref<80x16xf32, #tpu.memory_space<hbm>>) target(%arg10 : memref<80x16xf32, #tpu.memory_space<vmem>>) target_semaphore(%arg17 : memref<!tpu.dma_semaphore, #tpu.memory_space<semaphore_mem>>)
    %dma_wait3A_173 = arith.constant 0 : i32
    %dma_wait3A_174 = tpu.memref_slice %arg2[%mul3A_4, %dma_wait3A_173] : memref<320000x16xf32, #tpu.memory_space<hbm>> -> memref<80x16xf32, #tpu.memory_space<hbm>>
    %dma_wait3A_175 = arith.constant 0 : i32
    %dma_wait3A_176 = tpu.memref_slice %arg2[%mul3A_4, %dma_wait3A_175] : memref<320000x16xf32, #tpu.memory_space<hbm>> -> memref<80x16xf32, #tpu.memory_space<hbm>>
    tpu.wait_dma2 semaphore(%arg15 : memref<!tpu.dma_semaphore, #tpu.memory_space<semaphore_mem>>) src(%dma_wait3A_176 : memref<80x16xf32, #tpu.memory_space<hbm>>) dst(%arg8 : memref<80x16xf32, #tpu.memory_space<vmem>>)
    %dma_start3A_177 = arith.constant 121 : i32
    %dma_start3A_178 = arith.constant 0 : i32
    %dma_start3A_179 = tpu.memref_slice %arg6[%dma_start3A_177, %dma_start3A_178] : memref<125x80xi32, #tpu.memory_space<vmem>> -> memref<1x80xi32, #tpu.memory_space<vmem>>
    %dma_start3A_180 = tpu.memref_squeeze %dma_start3A_179 : memref<1x80xi32, #tpu.memory_space<vmem>> -> memref<80xi32, #tpu.memory_space<vmem>>
    %dma_start3A_181 = arith.constant 0 : i32
    %dma_start3A_182 = arith.constant 0 : i32
    %dma_start3A_183 = tpu.memref_slice %arg13[%dma_start3A_181, %dma_start3A_182] : memref<10240x16xf32, #tpu.memory_space<vmem_shared>> -> memref<10240x16xf32, #tpu.memory_space<vmem_shared>>
    tpu.enqueue_indirect_dma source(%arg8 : memref<80x16xf32, #tpu.memory_space<vmem>>) target(%dma_start3A_183 : memref<10240x16xf32, #tpu.memory_space<vmem_shared>>) offsets(%dma_start3A_180 : memref<80xi32, #tpu.memory_space<vmem>>) semaphore(%arg21 : memref<!tpu.dma_semaphore, #tpu.memory_space<semaphore_mem>>) {add = true}
    %dma_wait3A_184 = arith.constant 0 : i32
    %dma_wait3A_185 = arith.constant 0 : i32
    %dma_wait3A_186 = tpu.memref_slice %arg6[%dma_wait3A_184, %dma_wait3A_185] : memref<125x80xi32, #tpu.memory_space<vmem>> -> memref<1x80xi32, #tpu.memory_space<vmem>>
    %dma_wait3A_187 = tpu.memref_squeeze %dma_wait3A_186 : memref<1x80xi32, #tpu.memory_space<vmem>> -> memref<80xi32, #tpu.memory_space<vmem>>
    %dma_wait3A_188 = arith.constant 0 : i32
    %dma_wait3A_189 = arith.constant 0 : i32
    %dma_wait3A_190 = tpu.memref_slice %arg13[%dma_wait3A_188, %dma_wait3A_189] : memref<10240x16xf32, #tpu.memory_space<vmem_shared>> -> memref<10240x16xf32, #tpu.memory_space<vmem_shared>>
    tpu.wait_indirect_dma semaphore(%arg24 : memref<!tpu.dma_semaphore, #tpu.memory_space<semaphore_mem>>) src(%arg11 : memref<80x16xf32, #tpu.memory_space<vmem>>) dst(%dma_wait3A_190 : memref<10240x16xf32, #tpu.memory_space<vmem_shared>>)
    %add3A_191 = arith.constant 9920 : i32
    %add3A_192 = arith.addi %mul3A_4, %add3A_191 : i32
    %dma_start3A_193 = arith.constant 0 : i32
    %dma_start3A_194 = tpu.memref_slice %arg2[%add3A_192, %dma_start3A_193] : memref<320000x16xf32, #tpu.memory_space<hbm>> -> memref<80x16xf32, #tpu.memory_space<hbm>>
    %dma_start3A_195 = arith.constant 0 : i32
    %dma_start3A_196 = tpu.memref_slice %arg2[%add3A_192, %dma_start3A_195] : memref<320000x16xf32, #tpu.memory_space<hbm>> -> memref<80x16xf32, #tpu.memory_space<hbm>>
    tpu.enqueue_dma source(%dma_start3A_196 : memref<80x16xf32, #tpu.memory_space<hbm>>) target(%arg11 : memref<80x16xf32, #tpu.memory_space<vmem>>) target_semaphore(%arg18 : memref<!tpu.dma_semaphore, #tpu.memory_space<semaphore_mem>>)
    %dma_wait3A_197 = arith.constant 0 : i32
    %dma_wait3A_198 = tpu.memref_slice %arg2[%mul3A_4, %dma_wait3A_197] : memref<320000x16xf32, #tpu.memory_space<hbm>> -> memref<80x16xf32, #tpu.memory_space<hbm>>
    %dma_wait3A_199 = arith.constant 0 : i32
    %dma_wait3A_200 = tpu.memref_slice %arg2[%mul3A_4, %dma_wait3A_199] : memref<320000x16xf32, #tpu.memory_space<hbm>> -> memref<80x16xf32, #tpu.memory_space<hbm>>
    tpu.wait_dma2 semaphore(%arg16 : memref<!tpu.dma_semaphore, #tpu.memory_space<semaphore_mem>>) src(%dma_wait3A_200 : memref<80x16xf32, #tpu.memory_space<hbm>>) dst(%arg9 : memref<80x16xf32, #tpu.memory_space<vmem>>)
    %dma_start3A_201 = arith.constant 122 : i32
    %dma_start3A_202 = arith.constant 0 : i32
    %dma_start3A_203 = tpu.memref_slice %arg6[%dma_start3A_201, %dma_start3A_202] : memref<125x80xi32, #tpu.memory_space<vmem>> -> memref<1x80xi32, #tpu.memory_space<vmem>>
    %dma_start3A_204 = tpu.memref_squeeze %dma_start3A_203 : memref<1x80xi32, #tpu.memory_space<vmem>> -> memref<80xi32, #tpu.memory_space<vmem>>
    %dma_start3A_205 = arith.constant 0 : i32
    %dma_start3A_206 = arith.constant 0 : i32
    %dma_start3A_207 = tpu.memref_slice %arg13[%dma_start3A_205, %dma_start3A_206] : memref<10240x16xf32, #tpu.memory_space<vmem_shared>> -> memref<10240x16xf32, #tpu.memory_space<vmem_shared>>
    tpu.enqueue_indirect_dma source(%arg9 : memref<80x16xf32, #tpu.memory_space<vmem>>) target(%dma_start3A_207 : memref<10240x16xf32, #tpu.memory_space<vmem_shared>>) offsets(%dma_start3A_204 : memref<80xi32, #tpu.memory_space<vmem>>) semaphore(%arg22 : memref<!tpu.dma_semaphore, #tpu.memory_space<semaphore_mem>>) {add = true}
    %dma_wait3A_208 = arith.constant 0 : i32
    %dma_wait3A_209 = arith.constant 0 : i32
    %dma_wait3A_210 = tpu.memref_slice %arg6[%dma_wait3A_208, %dma_wait3A_209] : memref<125x80xi32, #tpu.memory_space<vmem>> -> memref<1x80xi32, #tpu.memory_space<vmem>>
    %dma_wait3A_211 = tpu.memref_squeeze %dma_wait3A_210 : memref<1x80xi32, #tpu.memory_space<vmem>> -> memref<80xi32, #tpu.memory_space<vmem>>
    %dma_wait3A_212 = arith.constant 0 : i32
    %dma_wait3A_213 = arith.constant 0 : i32
    %dma_wait3A_214 = tpu.memref_slice %arg13[%dma_wait3A_212, %dma_wait3A_213] : memref<10240x16xf32, #tpu.memory_space<vmem_shared>> -> memref<10240x16xf32, #tpu.memory_space<vmem_shared>>
    tpu.wait_indirect_dma semaphore(%arg25 : memref<!tpu.dma_semaphore, #tpu.memory_space<semaphore_mem>>) src(%arg12 : memref<80x16xf32, #tpu.memory_space<vmem>>) dst(%dma_wait3A_214 : memref<10240x16xf32, #tpu.memory_space<vmem_shared>>)
    %dma_wait3A_215 = arith.constant 0 : i32
    %dma_wait3A_216 = tpu.memref_slice %arg2[%mul3A_4, %dma_wait3A_215] : memref<320000x16xf32, #tpu.memory_space<hbm>> -> memref<80x16xf32, #tpu.memory_space<hbm>>
    %dma_wait3A_217 = arith.constant 0 : i32
    %dma_wait3A_218 = tpu.memref_slice %arg2[%mul3A_4, %dma_wait3A_217] : memref<320000x16xf32, #tpu.memory_space<hbm>> -> memref<80x16xf32, #tpu.memory_space<hbm>>
    tpu.wait_dma2 semaphore(%arg17 : memref<!tpu.dma_semaphore, #tpu.memory_space<semaphore_mem>>) src(%dma_wait3A_218 : memref<80x16xf32, #tpu.memory_space<hbm>>) dst(%arg10 : memref<80x16xf32, #tpu.memory_space<vmem>>)
    %dma_start3A_219 = arith.constant 123 : i32
    %dma_start3A_220 = arith.constant 0 : i32
    %dma_start3A_221 = tpu.memref_slice %arg6[%dma_start3A_219, %dma_start3A_220] : memref<125x80xi32, #tpu.memory_space<vmem>> -> memref<1x80xi32, #tpu.memory_space<vmem>>
    %dma_start3A_222 = tpu.memref_squeeze %dma_start3A_221 : memref<1x80xi32, #tpu.memory_space<vmem>> -> memref<80xi32, #tpu.memory_space<vmem>>
    %dma_start3A_223 = arith.constant 0 : i32
    %dma_start3A_224 = arith.constant 0 : i32
    %dma_start3A_225 = tpu.memref_slice %arg13[%dma_start3A_223, %dma_start3A_224] : memref<10240x16xf32, #tpu.memory_space<vmem_shared>> -> memref<10240x16xf32, #tpu.memory_space<vmem_shared>>
    tpu.enqueue_indirect_dma source(%arg10 : memref<80x16xf32, #tpu.memory_space<vmem>>) target(%dma_start3A_225 : memref<10240x16xf32, #tpu.memory_space<vmem_shared>>) offsets(%dma_start3A_222 : memref<80xi32, #tpu.memory_space<vmem>>) semaphore(%arg23 : memref<!tpu.dma_semaphore, #tpu.memory_space<semaphore_mem>>) {add = true}
    %dma_wait3A_226 = arith.constant 0 : i32
    %dma_wait3A_227 = arith.constant 0 : i32
    %dma_wait3A_228 = tpu.memref_slice %arg6[%dma_wait3A_226, %dma_wait3A_227] : memref<125x80xi32, #tpu.memory_space<vmem>> -> memref<1x80xi32, #tpu.memory_space<vmem>>
    %dma_wait3A_229 = tpu.memref_squeeze %dma_wait3A_228 : memref<1x80xi32, #tpu.memory_space<vmem>> -> memref<80xi32, #tpu.memory_space<vmem>>
    %dma_wait3A_230 = arith.constant 0 : i32
    %dma_wait3A_231 = arith.constant 0 : i32
    %dma_wait3A_232 = tpu.memref_slice %arg13[%dma_wait3A_230, %dma_wait3A_231] : memref<10240x16xf32, #tpu.memory_space<vmem_shared>> -> memref<10240x16xf32, #tpu.memory_space<vmem_shared>>
    tpu.wait_indirect_dma semaphore(%arg20 : memref<!tpu.dma_semaphore, #tpu.memory_space<semaphore_mem>>) src(%arg7 : memref<80x16xf32, #tpu.memory_space<vmem>>) dst(%dma_wait3A_232 : memref<10240x16xf32, #tpu.memory_space<vmem_shared>>)
    %dma_wait3A_233 = arith.constant 0 : i32
    %dma_wait3A_234 = tpu.memref_slice %arg2[%mul3A_4, %dma_wait3A_233] : memref<320000x16xf32, #tpu.memory_space<hbm>> -> memref<80x16xf32, #tpu.memory_space<hbm>>
    %dma_wait3A_235 = arith.constant 0 : i32
    %dma_wait3A_236 = tpu.memref_slice %arg2[%mul3A_4, %dma_wait3A_235] : memref<320000x16xf32, #tpu.memory_space<hbm>> -> memref<80x16xf32, #tpu.memory_space<hbm>>
    tpu.wait_dma2 semaphore(%arg18 : memref<!tpu.dma_semaphore, #tpu.memory_space<semaphore_mem>>) src(%dma_wait3A_236 : memref<80x16xf32, #tpu.memory_space<hbm>>) dst(%arg11 : memref<80x16xf32, #tpu.memory_space<vmem>>)
    %dma_start3A_237 = arith.constant 124 : i32
    %dma_start3A_238 = arith.constant 0 : i32
    %dma_start3A_239 = tpu.memref_slice %arg6[%dma_start3A_237, %dma_start3A_238] : memref<125x80xi32, #tpu.memory_space<vmem>> -> memref<1x80xi32, #tpu.memory_space<vmem>>
    %dma_start3A_240 = tpu.memref_squeeze %dma_start3A_239 : memref<1x80xi32, #tpu.memory_space<vmem>> -> memref<80xi32, #tpu.memory_space<vmem>>
    %dma_start3A_241 = arith.constant 0 : i32
    %dma_start3A_242 = arith.constant 0 : i32
    %dma_start3A_243 = tpu.memref_slice %arg13[%dma_start3A_241, %dma_start3A_242] : memref<10240x16xf32, #tpu.memory_space<vmem_shared>> -> memref<10240x16xf32, #tpu.memory_space<vmem_shared>>
    tpu.enqueue_indirect_dma source(%arg11 : memref<80x16xf32, #tpu.memory_space<vmem>>) target(%dma_start3A_243 : memref<10240x16xf32, #tpu.memory_space<vmem_shared>>) offsets(%dma_start3A_240 : memref<80xi32, #tpu.memory_space<vmem>>) semaphore(%arg24 : memref<!tpu.dma_semaphore, #tpu.memory_space<semaphore_mem>>) {add = true}
    %dma_wait3A_244 = arith.constant 0 : i32
    %dma_wait3A_245 = arith.constant 0 : i32
    %dma_wait3A_246 = tpu.memref_slice %arg6[%dma_wait3A_244, %dma_wait3A_245] : memref<125x80xi32, #tpu.memory_space<vmem>> -> memref<1x80xi32, #tpu.memory_space<vmem>>
    %dma_wait3A_247 = tpu.memref_squeeze %dma_wait3A_246 : memref<1x80xi32, #tpu.memory_space<vmem>> -> memref<80xi32, #tpu.memory_space<vmem>>
    %dma_wait3A_248 = arith.constant 0 : i32
    %dma_wait3A_249 = arith.constant 0 : i32
    %dma_wait3A_250 = tpu.memref_slice %arg13[%dma_wait3A_248, %dma_wait3A_249] : memref<10240x16xf32, #tpu.memory_space<vmem_shared>> -> memref<10240x16xf32, #tpu.memory_space<vmem_shared>>
    tpu.wait_indirect_dma semaphore(%arg21 : memref<!tpu.dma_semaphore, #tpu.memory_space<semaphore_mem>>) src(%arg8 : memref<80x16xf32, #tpu.memory_space<vmem>>) dst(%dma_wait3A_250 : memref<10240x16xf32, #tpu.memory_space<vmem_shared>>)
    %dma_wait3A_251 = arith.constant 0 : i32
    %dma_wait3A_252 = arith.constant 0 : i32
    %dma_wait3A_253 = tpu.memref_slice %arg6[%dma_wait3A_251, %dma_wait3A_252] : memref<125x80xi32, #tpu.memory_space<vmem>> -> memref<1x80xi32, #tpu.memory_space<vmem>>
    %dma_wait3A_254 = tpu.memref_squeeze %dma_wait3A_253 : memref<1x80xi32, #tpu.memory_space<vmem>> -> memref<80xi32, #tpu.memory_space<vmem>>
    %dma_wait3A_255 = arith.constant 0 : i32
    %dma_wait3A_256 = arith.constant 0 : i32
    %dma_wait3A_257 = tpu.memref_slice %arg13[%dma_wait3A_255, %dma_wait3A_256] : memref<10240x16xf32, #tpu.memory_space<vmem_shared>> -> memref<10240x16xf32, #tpu.memory_space<vmem_shared>>
    tpu.wait_indirect_dma semaphore(%arg22 : memref<!tpu.dma_semaphore, #tpu.memory_space<semaphore_mem>>) src(%arg9 : memref<80x16xf32, #tpu.memory_space<vmem>>) dst(%dma_wait3A_257 : memref<10240x16xf32, #tpu.memory_space<vmem_shared>>)
    %dma_wait3A_258 = arith.constant 0 : i32
    %dma_wait3A_259 = arith.constant 0 : i32
    %dma_wait3A_260 = tpu.memref_slice %arg6[%dma_wait3A_258, %dma_wait3A_259] : memref<125x80xi32, #tpu.memory_space<vmem>> -> memref<1x80xi32, #tpu.memory_space<vmem>>
    %dma_wait3A_261 = tpu.memref_squeeze %dma_wait3A_260 : memref<1x80xi32, #tpu.memory_space<vmem>> -> memref<80xi32, #tpu.memory_space<vmem>>
    %dma_wait3A_262 = arith.constant 0 : i32
    %dma_wait3A_263 = arith.constant 0 : i32
    %dma_wait3A_264 = tpu.memref_slice %arg13[%dma_wait3A_262, %dma_wait3A_263] : memref<10240x16xf32, #tpu.memory_space<vmem_shared>> -> memref<10240x16xf32, #tpu.memory_space<vmem_shared>>
    tpu.wait_indirect_dma semaphore(%arg23 : memref<!tpu.dma_semaphore, #tpu.memory_space<semaphore_mem>>) src(%arg10 : memref<80x16xf32, #tpu.memory_space<vmem>>) dst(%dma_wait3A_264 : memref<10240x16xf32, #tpu.memory_space<vmem_shared>>)
    %dma_wait3A_265 = arith.constant 0 : i32
    %dma_wait3A_266 = arith.constant 0 : i32
    %dma_wait3A_267 = tpu.memref_slice %arg6[%dma_wait3A_265, %dma_wait3A_266] : memref<125x80xi32, #tpu.memory_space<vmem>> -> memref<1x80xi32, #tpu.memory_space<vmem>>
    %dma_wait3A_268 = tpu.memref_squeeze %dma_wait3A_267 : memref<1x80xi32, #tpu.memory_space<vmem>> -> memref<80xi32, #tpu.memory_space<vmem>>
    %dma_wait3A_269 = arith.constant 0 : i32
    %dma_wait3A_270 = arith.constant 0 : i32
    %dma_wait3A_271 = tpu.memref_slice %arg13[%dma_wait3A_269, %dma_wait3A_270] : memref<10240x16xf32, #tpu.memory_space<vmem_shared>> -> memref<10240x16xf32, #tpu.memory_space<vmem_shared>>
    tpu.wait_indirect_dma semaphore(%arg24 : memref<!tpu.dma_semaphore, #tpu.memory_space<semaphore_mem>>) src(%arg11 : memref<80x16xf32, #tpu.memory_space<vmem>>) dst(%dma_wait3A_271 : memref<10240x16xf32, #tpu.memory_space<vmem_shared>>)
    %barrier3A_272 = arith.constant 0 : index
    tpu.barrier barrier_id(%barrier3A_272)
    "tpu.region"() ({
      %run_scoped3A = tpu.sem_alloc : memref<!tpu.dma_semaphore, #tpu.memory_space<semaphore_mem>>
      %dma_start3A_273 = arith.constant 0 : i32
      %dma_start3A_274 = tpu.memref_slice %arg5[%arg0, %mul3A_2, %dma_start3A_273] : memref<2x10240x16xf32, #tpu.memory_space<hbm>> -> memref<1x640x16xf32, #tpu.memory_space<hbm>>
      %dma_start3A_275 = tpu.memref_squeeze %dma_start3A_274 : memref<1x640x16xf32, #tpu.memory_space<hbm>> -> memref<640x16xf32, #tpu.memory_space<hbm>>
      %dma_start3A_276 = arith.constant 0 : i32
      %dma_start3A_277 = tpu.memref_slice %arg13[%mul3A_2, %dma_start3A_276] : memref<10240x16xf32, #tpu.memory_space<vmem_shared>> -> memref<640x16xf32, #tpu.memory_space<vmem_shared>>
      tpu.enqueue_dma source(%dma_start3A_277 : memref<640x16xf32, #tpu.memory_space<vmem_shared>>) target(%dma_start3A_275 : memref<640x16xf32, #tpu.memory_space<hbm>>) target_semaphore(%run_scoped3A : memref<!tpu.dma_semaphore, #tpu.memory_space<semaphore_mem>>)
      %dma_wait3A_278 = arith.constant 0 : i32
      %dma_wait3A_279 = tpu.memref_slice %arg5[%arg0, %mul3A_2, %dma_wait3A_278] : memref<2x10240x16xf32, #tpu.memory_space<hbm>> -> memref<1x640x16xf32, #tpu.memory_space<hbm>>
      %dma_wait3A_280 = tpu.memref_squeeze %dma_wait3A_279 : memref<1x640x16xf32, #tpu.memory_space<hbm>> -> memref<640x16xf32, #tpu.memory_space<hbm>>
      %dma_wait3A_281 = arith.constant 0 : i32
      %dma_wait3A_282 = tpu.memref_slice %arg13[%mul3A_2, %dma_wait3A_281] : memref<10240x16xf32, #tpu.memory_space<vmem_shared>> -> memref<640x16xf32, #tpu.memory_space<vmem_shared>>
      tpu.wait_dma2 semaphore(%run_scoped3A : memref<!tpu.dma_semaphore, #tpu.memory_space<semaphore_mem>>) src(%dma_wait3A_282 : memref<640x16xf32, #tpu.memory_space<vmem_shared>>) dst(%dma_wait3A_280 : memref<640x16xf32, #tpu.memory_space<hbm>>)
      tpu.yield
    }) : () -> ()
    return
  }
}

module attributes {stable_mosaic.version = 14 : i64} {
  func.func @_mm_body(%arg0: i32, %arg1: memref<1000x128xf32, #tpu.memory_space<vmem>>, %arg2: memref<128x128xf32, #tpu.memory_space<vmem>>, %arg3: memref<1000x128xf32, #tpu.memory_space<vmem>>) attributes {dimension_semantics = [#tpu.dimension_semantics<arbitrary>], iteration_bounds = array<i64: 10>, scalar_prefetch = 0 : i64, scratch_operands = 0 : i64, tpu.core_type = #tpu.core_type<tc>, window_params = [{transform_indices = @transform_0, window_bounds = array<i64: 1000, 128>}, {pipeline_mode = #tpu.pipeline_mode<synchronous>, transform_indices = @transform_1, window_bounds = array<i64: 128, 128>}, {transform_indices = @transform_2, window_bounds = array<i64: 1000, 128>}]} {
    %get3A = arith.constant 0 : index
    %get3A_0 = arith.constant 0 : index
    %get3A_1 = vector.load %arg1[%get3A, %get3A_0] : memref<1000x128xf32, #tpu.memory_space<vmem>>, vector<1000x128xf32>
    %get3A_2 = arith.constant 0 : index
    %get3A_3 = arith.constant 0 : index
    %get3A_4 = vector.load %arg2[%get3A_2, %get3A_3] : memref<128x128xf32, #tpu.memory_space<vmem>>, vector<128x128xf32>
    %dot_general3A = arith.constant dense<0.000000e+00> : vector<1000x128xf32>
    %dot_general3A_5 = tpu.matmul %get3A_1, %get3A_4, %dot_general3A {dimension_numbers = #tpu.dot_dimension_numbers<[1], [0], [0], [1], [0, 0, 1, 1], [], []>, transpose_lhs_hint = false} : vector<1000x128xf32>, vector<128x128xf32>, vector<1000x128xf32> -> vector<1000x128xf32>
    %swap3A = arith.constant 0 : index
    %swap3A_6 = arith.constant 0 : index
    %swap3A_7 = vector.load %arg3[%swap3A, %swap3A_6] : memref<1000x128xf32, #tpu.memory_space<vmem>>, vector<1000x128xf32>
    tpu.vector_store %arg3[%swap3A, %swap3A_6], %dot_general3A_5 {strides = array<i32>} : memref<1000x128xf32, #tpu.memory_space<vmem>>, vector<1000x128xf32>,
    return
  }
  func.func @transform_0(%arg0: i32) -> (i32, i32) {
    %c0_i32 = arith.constant 0 : i32
    %c0_i32_0 = arith.constant 0 : i32
    return %arg0, %c0_i32 : i32, i32
  }
  func.func @transform_1(%arg0: i32) -> (i32, i32) {
    %c0_i32 = arith.constant 0 : i32
    %c0_i32_0 = arith.constant 0 : i32
    %c0_i32_1 = arith.constant 0 : i32
    return %c0_i32, %c0_i32_0 : i32, i32
  }
  func.func @transform_2(%arg0: i32) -> (i32, i32) {
    %c0_i32 = arith.constant 0 : i32
    %c0_i32_0 = arith.constant 0 : i32
    return %arg0, %c0_i32 : i32, i32
  }
}

module attributes {stable_mosaic.version = 14 : i64} {
  func.func @_combine_body(%arg0: i32, %arg1: memref<1x1000x64xf32, #tpu.memory_space<vmem>>, %arg2: memref<1x1000x64xf32, #tpu.memory_space<vmem>>, %arg3: memref<1x1000x16xf32, #tpu.memory_space<vmem>>, %arg4: memref<1x1000x16xf32, #tpu.memory_space<vmem>>, %arg5: memref<1000x128xf32, #tpu.memory_space<vmem>>, %arg6: memref<128x128xf32, #tpu.memory_space<vmem>>, %arg7: memref<16x128xf32, #tpu.memory_space<vmem>>, %arg8: memref<1000x128xf32, #tpu.memory_space<vmem>>) attributes {dimension_semantics = [#tpu.dimension_semantics<arbitrary>], iteration_bounds = array<i64: 10>, scalar_prefetch = 0 : i64, scratch_operands = 0 : i64, tpu.core_type = #tpu.core_type<tc>, window_params = [{transform_indices = @transform_0, window_bounds = array<i64: 1, 1000, 64>}, {transform_indices = @transform_1, window_bounds = array<i64: 1, 1000, 64>}, {transform_indices = @transform_2, window_bounds = array<i64: 1, 1000, 16>}, {transform_indices = @transform_3, window_bounds = array<i64: 1, 1000, 16>}, {transform_indices = @transform_4, window_bounds = array<i64: 1000, 128>}, {pipeline_mode = #tpu.pipeline_mode<synchronous>, transform_indices = @transform_5, window_bounds = array<i64: 128, 128>}, {pipeline_mode = #tpu.pipeline_mode<synchronous>, transform_indices = @transform_6, window_bounds = array<i64: 16, 128>}, {transform_indices = @transform_7, window_bounds = array<i64: 1000, 128>}]} {
    %get3A = arith.constant 0 : index
    %get3A_0 = arith.constant 0 : index
    %get3A_1 = arith.constant 0 : index
    %get3A_2 = vector.load %arg1[%get3A, %get3A_0, %get3A_1] : memref<1x1000x64xf32, #tpu.memory_space<vmem>>, vector<1x1000x64xf32>
    %get3A_3 = vector.shape_cast %get3A_2 : vector<1x1000x64xf32> to vector<1000x64xf32>
    %get3A_4 = arith.constant 0 : index
    %get3A_5 = arith.constant 0 : index
    %get3A_6 = arith.constant 0 : index
    %get3A_7 = vector.load %arg2[%get3A_4, %get3A_5, %get3A_6] : memref<1x1000x64xf32, #tpu.memory_space<vmem>>, vector<1x1000x64xf32>
    %get3A_8 = vector.shape_cast %get3A_7 : vector<1x1000x64xf32> to vector<1000x64xf32>
    %concatenate3A = tpu.concatenate %get3A_3, %get3A_8 in 1 : vector<1000x64xf32>, vector<1000x64xf32> -> vector<1000x128xf32>
    %get3A_9 = arith.constant 0 : index
    %get3A_10 = arith.constant 0 : index
    %get3A_11 = vector.load %arg5[%get3A_9, %get3A_10] : memref<1000x128xf32, #tpu.memory_space<vmem>>, vector<1000x128xf32>
    %get3A_12 = arith.constant 0 : index
    %get3A_13 = arith.constant 0 : index
    %get3A_14 = vector.load %arg6[%get3A_12, %get3A_13] : memref<128x128xf32, #tpu.memory_space<vmem>>, vector<128x128xf32>
    %dot_general3A = arith.constant dense<0.000000e+00> : vector<1000x128xf32>
    %dot_general3A_15 = tpu.matmul %get3A_11, %get3A_14, %dot_general3A {dimension_numbers = #tpu.dot_dimension_numbers<[1], [0], [0], [1], [0, 0, 1, 1], [], []>, transpose_lhs_hint = false} : vector<1000x128xf32>, vector<128x128xf32>, vector<1000x128xf32> -> vector<1000x128xf32>
    %add3A = arith.addf %concatenate3A, %dot_general3A_15 : vector<1000x128xf32>
    %get3A_16 = arith.constant 0 : index
    %get3A_17 = arith.constant 0 : index
    %get3A_18 = arith.constant 0 : index
    %get3A_19 = vector.load %arg3[%get3A_16, %get3A_17, %get3A_18] : memref<1x1000x16xf32, #tpu.memory_space<vmem>>, vector<1x1000x16xf32>
    %get3A_20 = vector.shape_cast %get3A_19 : vector<1x1000x16xf32> to vector<1000x16xf32>
    %get3A_21 = arith.constant 0 : index
    %get3A_22 = arith.constant 0 : index
    %get3A_23 = arith.constant 0 : index
    %get3A_24 = vector.load %arg4[%get3A_21, %get3A_22, %get3A_23] : memref<1x1000x16xf32, #tpu.memory_space<vmem>>, vector<1x1000x16xf32>
    %get3A_25 = vector.shape_cast %get3A_24 : vector<1x1000x16xf32> to vector<1000x16xf32>
    %add3A_26 = arith.addf %get3A_20, %get3A_25 : vector<1000x16xf32>
    %get3A_27 = arith.constant 0 : index
    %get3A_28 = arith.constant 0 : index
    %get3A_29 = vector.load %arg7[%get3A_27, %get3A_28] : memref<16x128xf32, #tpu.memory_space<vmem>>, vector<16x128xf32>
    %dot_general3A_30 = arith.constant dense<0.000000e+00> : vector<1000x128xf32>
    %dot_general3A_31 = tpu.matmul %add3A_26, %get3A_29, %dot_general3A_30 {dimension_numbers = #tpu.dot_dimension_numbers<[1], [0], [0], [1], [0, 0, 1, 1], [], []>, transpose_lhs_hint = false} : vector<1000x16xf32>, vector<16x128xf32>, vector<1000x128xf32> -> vector<1000x128xf32>
    %add3A_32 = arith.addf %add3A, %dot_general3A_31 : vector<1000x128xf32>
    %swap3A = arith.constant 0 : index
    %swap3A_33 = arith.constant 0 : index
    %swap3A_34 = vector.load %arg8[%swap3A, %swap3A_33] : memref<1000x128xf32, #tpu.memory_space<vmem>>, vector<1000x128xf32>
    tpu.vector_store %arg8[%swap3A, %swap3A_33], %add3A_32 {strides = array<i32>} : memref<1000x128xf32, #tpu.memory_space<vmem>>, vector<1000x128xf32>,
    return
  }
  func.func @transform_0(%arg0: i32) -> (i32, i32, i32) {
    %c0_i32 = arith.constant 0 : i32
    %c0_i32_0 = arith.constant 0 : i32
    %c0_i32_1 = arith.constant 0 : i32
    return %c0_i32, %arg0, %c0_i32_0 : i32, i32, i32
  }
  func.func @transform_1(%arg0: i32) -> (i32, i32, i32) {
    %c1_i32 = arith.constant 1 : i32
    %c0_i32 = arith.constant 0 : i32
    %c0_i32_0 = arith.constant 0 : i32
    return %c1_i32, %arg0, %c0_i32 : i32, i32, i32
  }
  func.func @transform_2(%arg0: i32) -> (i32, i32, i32) {
    %c0_i32 = arith.constant 0 : i32
    %c0_i32_0 = arith.constant 0 : i32
    %c0_i32_1 = arith.constant 0 : i32
    return %c0_i32, %arg0, %c0_i32_0 : i32, i32, i32
  }
  func.func @transform_3(%arg0: i32) -> (i32, i32, i32) {
    %c1_i32 = arith.constant 1 : i32
    %c0_i32 = arith.constant 0 : i32
    %c0_i32_0 = arith.constant 0 : i32
    return %c1_i32, %arg0, %c0_i32 : i32, i32, i32
  }
  func.func @transform_4(%arg0: i32) -> (i32, i32) {
    %c0_i32 = arith.constant 0 : i32
    %c0_i32_0 = arith.constant 0 : i32
    return %arg0, %c0_i32 : i32, i32
  }
  func.func @transform_5(%arg0: i32) -> (i32, i32) {
    %c0_i32 = arith.constant 0 : i32
    %c0_i32_0 = arith.constant 0 : i32
    %c0_i32_1 = arith.constant 0 : i32
    return %c0_i32, %c0_i32_0 : i32, i32
  }
  func.func @transform_6(%arg0: i32) -> (i32, i32) {
    %c0_i32 = arith.constant 0 : i32
    %c0_i32_0 = arith.constant 0 : i32
    %c0_i32_1 = arith.constant 0 : i32
    return %c0_i32, %c0_i32_0 : i32, i32
  }
  func.func @transform_7(%arg0: i32) -> (i32, i32) {
    %c0_i32 = arith.constant 0 : i32
    %c0_i32_0 = arith.constant 0 : i32
    return %arg0, %c0_i32 : i32, i32
  }
}

</mosaic_0001>

<sc_bundles>
// kernel: kernel.6.cloned.1.call-start
scs
__scs_entry_jumppad:
0x0: {  	(pc) =	sbr.rel $0x88, $3  }
0x1: {  	(tag) =	ssettag $0x0;
	lr =	simm.s32 $0x1  }
0x2: {  	[smem:$0x3F9C] =	sst lr;
	_ =	strace $0xD0000000  }
0x3: {  	_ = 	snop  }
0x4: {  	_ = 	snop  }
0x5: {  	_ = 	snop  }
0x6: {  	_ = 	snop  }
0x7: {  	_ = 	snop  }
__scs_overlays_trampoline_lowered:
0x8: {  	[smem:$0x3FAB] =	sst s0  }
0x9: {  	[smem:$0x3FAC] =	sst s1  }
0xa: {  	[smem:$0x3FAD] =	sst s2  }
0xb: {  	[smem:$0x3FAE] =	sst s3  }
0xc: {  	[smem:$0x3FAF] =	sst s4  }
0xd: {  	[smem:$0x3FB0] =	sst s5  }
0xe: {  	[smem:$0x3FB1] =	sst s6  }
0xf: {  	[smem:$0x3FB2] =	sst s7  }
0x10: {  	[smem:$0x3FB3] =	sst s8  }
0x11: {  	[smem:$0x3FB4] =	sst s9;
	s0 =	simm.s32 @!p0 $0x0  }
0x12: {  	s1 =	sld [smem:$0x3F9A];
	s0 =	simm.s32 @p0 $0x1  }
0x13: {  	[smem:$0x3FB5] =	sst s0;
	s0 =	simm.s32 @!p1 $0x0  }
0x14: {  	s2 =	sld [smem:$0x3F99];
	s0 =	simm.s32 @p1 $0x1  }
0x15: {  	[smem:$0x3FB6] =	sst s0;
	s0 =	simm.s32 @!p2 $0x0  }
0x16: {  	s3 =	sld [smem:$0x3FDB];
	s0 =	simm.s32 @p2 $0x1  }
0x17: {  	s4 =	simm.s32 $0x1BF5;
	[smem:$0x3FB8] =	sst s0  }
0x18: {  	s0 =	sld [smem:$0x3F9B];
	_ =	swait.ge [sflag:s4], $0x0  }
0x19: {  	s7 =	sld [smem:$0x3F9C]  }
0x1a: {  	s8 =	sadd.s32 $0xFFFFE003, lr  }
0x1b: {  	s9 =	sadd.s32 $0xFFFFFEF7, lr;
	s5 =	simm.s32 $0xFFFFFFFF;
	p2 =	slt.u32 s8, $0xFFFFF086  }
0x1c: {  	p1 =	slt.u32 s9, $0xF7A;
	s5 =	simm.s32 @!p2 $0x0  }
0x1d: {  	s5 =	simm.s32 @p1 $0x1;
	p0 =	seq.s32 s7, s2  }
0x1e: {  	s7 =	smul.u32 @!p0 $0xF7A, s2;
	p2 =	seq.s32 @!p0 s5, $0x0  }
0x1f: {  	s9 =	smul.u32 $0xF7A, s1;
	s8 =	simm.s32 @!p0 $0x1BF5;
	p2 =	por !p2, p0  }
0x20: {  	[sflag:s8] =	ssyncset.s32 @!p0 $0xFFFFF086;
	s6 =	sadd.s32 @!p0 s3, s7;
	s7 =	simm.s32 @!p0 $0x108  }
0x21: {  	s3 =	sadd.s32 s3, s9;
	s6 =	sadd.s32 @!p0 $0x88, s6;
	s7 =	simm.s32 @p2 $0x1082  }
0x22: {  	[simem:s7], [sflag:s8] =	dma.local @!p0 [hbm:s6], $0xF7A  }
0x23: {  	s9 =	sor.u32 $0xD0000000, s2;
	s6 =	simm.s32 $0x108;
	_ =	swait.ge @!p0 [sflag:s8], $0x0  }
0x24: {  	s3 =	sadd.s32 $0x88, s3;
	s6 =	simm.s32 @!p1 $0x1082;
	[sflag:s4] =	ssyncset.s32 $0xFFFFF086  }
0x25: {  	[simem:s6], [sflag:s4] =	dma.local [hbm:s3], $0xF7A  }
0x26: {  	[smem:$0x3F9C] =	sst s1;
	(tag) =	ssettag s2;
	_ =	strace s9  }
0x27: {  	s1 =	sld [smem:$0x3FAC]  }
0x28: {  	s2 =	sld [smem:$0x3FAD]  }
0x29: {  	s4 =	sld [smem:$0x3FAF]  }
0x2a: {  	p0 =	seq.s32 s5, $0x0;
	s5 =	sld [smem:$0x3FB0]  }
0x2b: {  	s6 =	sld [smem:$0x3FB1]  }
0x2c: {  	s7 =	sld [smem:$0x3FB2]  }
0x2d: {  	s3 =	simm.s32 $0x108;
	s8 =	sld [smem:$0x3FB3]  }
0x2e: {  	s3 =	simm.s32 @!p0 $0x1082;
	s9 =	sld [smem:$0x3FB4]  }
0x2f: {  	lr =	sadd.s32 s0, s3;
	s0 =	sld [smem:$0x3FAB]  }
0x30: {  	s3 =	sld [smem:$0x3FAE]  }
0x31: {  	[smem:$0x3FB7] =	sst s10  }
0x32: {  	s10 =	sld [smem:$0x3FB5];
	_ =	sdelay $0x3  }
0x33: {  	p0 =	seq.s32 s10, $0x1;
	s10 =	sld [smem:$0x3FB7];
	_ =	sdelay $0x3  }
0x34: {  	[smem:$0x3FB7] =	sst s10  }
0x35: {  	s10 =	sld [smem:$0x3FB6];
	_ =	sdelay $0x3  }
0x36: {  	p1 =	seq.s32 s10, $0x1;
	s10 =	sld [smem:$0x3FB7];
	_ =	sdelay $0x3  }
0x37: {  	[smem:$0x3FB7] =	sst s10  }
0x38: {  	s10 =	sld [smem:$0x3FB8]  }
0x39: {  	_ = 	snop;
	(pc) =	sbr.ind lr, $3  }
0x3a: {  	_ = 	snop  }
0x3b: {  	_ = 	snop  }
0x3c: {  	p2 =	seq.s32 s10, $0x1;
	s10 =	sld [smem:$0x3FB7]  }
0x3d: {  	_ =	shalt  }
0x3e: {  	_ =	shalt  }
0x3f: {  	_ =	shalt  }
0x40: {  	_ =	shalt  }
0x41: {  	_ =	shalt  }
0x42: {  	_ =	shalt  }
0x43: {  	_ =	shalt  }
0x44: {  	_ =	shalt  }
0x45: {  	_ =	shalt  }
0x46: {  	_ =	shalt  }
0x47: {  	_ =	shalt  }
0x48: {  	_ =	shalt  }
0x49: {  	_ =	shalt  }
0x4a: {  	_ =	shalt  }
0x4b: {  	_ =	shalt  }
0x4c: {  	_ =	shalt  }
0x4d: {  	_ =	shalt  }
0x4e: {  	_ =	shalt  }
0x4f: {  	_ =	shalt  }
0x50: {  	_ =	shalt  }
0x51: {  	_ =	shalt  }
0x52: {  	_ =	shalt  }
0x53: {  	_ =	shalt  }
0x54: {  	_ =	shalt  }
0x55: {  	_ =	shalt  }
0x56: {  	_ =	shalt  }
0x57: {  	_ =	shalt  }
0x58: {  	_ =	shalt  }
0x59: {  	_ =	shalt  }
0x5a: {  	_ =	shalt  }
0x5b: {  	_ =	shalt  }
0x5c: {  	_ =	shalt  }
0x5d: {  	_ =	shalt  }
0x5e: {  	_ =	shalt  }
0x5f: {  	_ =	shalt  }
0x60: {  	_ =	shalt  }
0x61: {  	_ =	shalt  }
0x62: {  	_ =	shalt  }
0x63: {  	_ =	shalt  }
0x64: {  	_ =	shalt  }
0x65: {  	_ =	shalt  }
0x66: {  	_ =	shalt  }
0x67: {  	_ =	shalt  }
0x68: {  	_ =	shalt  }
0x69: {  	_ =	shalt  }
0x6a: {  	_ =	shalt  }
0x6b: {  	_ =	shalt  }
0x6c: {  	_ =	shalt  }
0x6d: {  	_ =	shalt  }
0x6e: {  	_ =	shalt  }
0x6f: {  	_ =	shalt  }
0x70: {  	_ =	shalt  }
0x71: {  	_ =	shalt  }
0x72: {  	_ =	shalt  }
0x73: {  	_ =	shalt  }
0x74: {  	_ =	shalt  }
0x75: {  	_ =	shalt  }
0x76: {  	_ =	shalt  }
0x77: {  	_ =	shalt  }
0x78: {  	_ =	shalt  }
0x79: {  	_ =	shalt  }
0x7a: {  	_ =	shalt  }
0x7b: {  	_ =	shalt  }
0x7c: {  	_ =	shalt  }
0x7d: {  	_ =	shalt  }
0x7e: {  	_ =	shalt  }
0x7f: {  	_ =	shalt  }
0x80: {  	_ =	shalt  }
0x81: {  	_ =	shalt  }
0x82: {  	_ =	shalt  }
0x83: {  	_ =	shalt  }
0x84: {  	_ =	shalt  }
0x85: {  	_ =	shalt  }
0x86: {  	_ =	shalt  }
0x87: {  	_ =	shalt  }
.Lfunc_end0:
.L_simem_size_0:
called_computation_lowered:
.L_overlay_start_0:
0x88: {  	s2 =	sld [smem:$0x3FD9]  }
0x89: {  	s3 =	sld [smem:$0x3FFE];
	_ =	sdelay $0x1  }
0x8a: {  	s1 =	srdreg.scid  }
0x8b: {  	s0 =	sand.u32 $0x1, s1  }
0x8c: {  	s17 =	sshll.u32 s0, $0xA;
	s2 =	sadd.s32 s3, s2  }
0x8d: {  	s2 =	sadd.s32 s2, s17  }
0x8e: {  	[smem:$0x3FC3] =	sst s2  }
0x8f: {  	_ = 	snop  }
0x90: {  	s2 =	sld [smem:$0x3FD0];
	(tm) =	ssettm $0x1  }
0x91: {  	s18 =	sld [smem:$0x3FFB];
	_ =	sdelay $0x3  }
0x92: {  	_ =	strace s18  }
0x93: {  	s3 =	sld [smem:$0x3FFC];
	_ =	sdelay $0x3  }
0x94: {  	_ =	strace s3  }
0x95: {  	s3 =	sld [smem:$0x3FFD];
	_ =	sdelay $0x3  }
0x96: {  	_ =	strace s3  }
0x97: {  	_ =	strace $0x8FFFFFFF  }
0x98: {  	s19 =	sld [smem:$0x3FDB];
	_ =	sdelay $0x1  }
0x99: {  	s4 =	simm.s32 $_scs_section_size  }
0x9a: {  	s5 =	simm.s32 $_size__tile_overlayer_lowered;
	s6 =	simm.s32 $_tile_overlayer_lowered  }
0x9b: {  	s22 =	simm.s32 $0x1BFF;
	s21 =	sshll.u32 s6, $0x1;
	s3 =	sadd.s32 s4, s19  }
0x9c: {  	s7 =	simm.s32 $0x0;
	s20 =	sshll.u32 s5, $0x1;
	s5 =	sadd.s32 s21, s3  }
0x9d: {  	[timem:s7], [sflag:s22] =	dma.local [hbm:s5], s20  }
0x9e: {  	_ =	swait.ge [sflag:s22], s20  }
0x9f: {  	s4 =	ssub.s32 $0x0, s20;
	[sflag:s22] =	ssyncset.done $0x0  }
0xa0: {  	[sflag:s22] =	ssyncadd.s32 s4;
	_ =	sdelay $0x1  }
0xa1: {  	s23 =	simm.s32 $0x1B8B  }
0xa2: {  	_ =	swait.ge [sflag:s23], $0x1  }
0xa3: {  	[sflag:s23] =	ssyncset.done $0x0  }
0xa4: {  	s25 =	simm.s32 $0x1B8E;
	s24 =	sld [smem:$0x3FFE];
	[sflag:s23] =	ssyncadd.s32 $0xFFFFFFFF  }
0xa5: {  	s26 =	simm.s32 $execute0_lowered;
	[smem:$0x3FD2] =	sst s25  }
0xa6: {  	s5 =	sshll.u32 s26, $0x1;
	_ =	strace $0x80000046;
	[dreg:$0x1] =	wrdreg $0xFFFFFFFF  }
0xa7: {  	s28 =	simm.s32 $_size_execute0_lowered;
	s3 =	sadd.s32 s3, s5;
	[dreg:$0x0] =	wrdreg $0x0  }
0xa8: {  	s5 =	sshll.u32 s28, $0x1;
	[dreg:$0x2] =	wrdreg s3  }
0xa9: {  	[dreg:$0x3] =	wrdreg s5  }
0xaa: {  	[dreg:$0x4] =	wrdreg $0xC0  }
0xab: {  	_ =	task [dreg:s7], $0x5FFFF  }
0xac: {  	[dreg:$0x1] =	wrdreg $0xFFFFFFFF  }
0xad: {  	[dreg:$0x0] =	wrdreg $0x60  }
0xae: {  	[dreg:$0x2] =	wrdreg s2  }
0xaf: {  	[dreg:$0x3] =	wrdreg s24  }
0xb0: {  	[dreg:$0x4] =	wrdreg $0x114400  }
0xb1: {  	[dreg:$0x5] =	wrdreg $0x9  }
0xb2: {  	_ =	task.clear_ibuf [dreg:s7], $0x6FFFF;
	_ =	strace $0x90000046  }
0xb3: {  	s29 =	simm.s32 $0x9;
	_ =	strace $0x80000048  }
0xb4: {  	_ =	swait.ge [sflag:s29], $0x1  }
0xb5: {  	[sflag:s29] =	ssyncadd.s32 $0xFFFFFFFF  }
0xb6: {  	_ =	strace $0x90000048  }
0xb7: {  	_ =	sfence  }
0xb8: {  	s30 =	sld [smem:$0x0];
	_ =	sdelay $0x2  }
0xb9: {  	s31 =	sshll.u32 s1, $0xD;
	s1 =	sshrl.u32 s1, $0x2  }
0xba: {  	s3 =	sand.u32 $0x4000, s31;
	s1 =	sadd.s32 s1, s30  }
0xbb: {  	s0 =	sor.u32 s3, s0;
	s1 =	sshll.u32 s1, $0x11  }
0xbc: {  	s0 =	sor.u32 s1, s0  }
0xbd: {  	s0 =	sadd.s32 $0x8F2B, s0  }
0xbe: {  	[sflag:s0] =	ssyncadd.remote.s32 $0x1  }
0xbf: {  	_ =	sfence.sel $0xFFFF  }
0xc0: {  	[dreg:$0x0] =	wrdreg $0xFFFFFFFF;
	(pc) =	sbr.abs _section_cstart, $3  }
0xc1: {  	[dreg:$0x1] =	wrdreg $0xFFFFFFFF  }
0xc2: {  	_ =	task.clear_ibuf [dreg:s7], $0x2FFFF;
	_ =	strace $0x9FFFFFFF  }
0xc3: {  	(tm) =	ssettm $0x7FFFFFFF  }
tec
execute0_lowered:
.L_overlay_start_1:
0x0: {  	(tag) =	ssettag $0x1  }
0x1: {  	s2 =	rddreg [dreg:$0x0]  }
0x2: {  	s0 =	rddreg [dreg:$0x1]  }
0x3: {  	s3 =	rddreg [dreg:$0x2]  }
0x4: {  	s11 =	stileid.u32;
	s5 =	srdreg.scid;
	s4 =	simm.s32 $0x0  }
0x5: {  	s12 =	simm.s32 $0xD;
	s14 =	simm.s32 $0x50;
	s15 =	simm.s32 $0x9C40  }
0x6: {  	s16 =	simm.s32 $0xB040;
	s18 =	simm.s32 $0xC440;
	s19 =	simm.s32 $0x1  }
0x7: {  	s21 =	simm.s32 $0xD840;
	s30 =	simm.s32 $0x10040;
	s31 =	simm.s32 $0x4  }
0x8: {  	s17 =	simm.s32 $0x8;
	s20 =	simm.s32 $0x6;
	s1 =	smul.u32 $0x9C4, s11  }
0x9: {  	s28 =	simm.s32 $0xB;
	s29 =	simm.s32 $0xC;
	s6 =	smul.u32 $0x9C40, s11  }
0xa: {  	s5 =	sand.u32 $0x1, s5;
	[smem:$0x7FF] =	sst s4;
	s25 =	sshll.u32 s11, $0x6  }
0xb: {  	s7 =	smul.u32 $0x9C400, s5;
	_ =	strace $0x80000047;
	s8 =	ssub.s32 $0x2, s5  }
0xc: {  	p0 =	seq.s32 s5, $0x1;
	s5 =	simm.s32 $0x16000;
	s1 =	sadd.s32 s1, s0  }
0xd: {  	s9 =	sshrl.u32 s6, $0x3;
	s10 =	sshrl.u32 s8, $0x1;
	s23 =	sadd.s32 s6, s3  }
0xe: {  	s5 =	simm.s32 @!p0 $0xC200;
	s7 =	sadd.s32 s6, s7;
	s9 =	sadd.s32 s9, s0  }
0xf: {  	s22 =	ssub.s32 s8, s10;
	s6 =	sor.u32 $0x1C0D, s25;
	s26 =	sadd.s32 $0x2400, s1  }
0x10: {  	s10 =	sadd.s32 s5, s1;
	s11 =	sshrl.u32 s23, $0x3;
	s25 =	simm.s32 $0xEC40  }
0x11: {  	s1 =	simm.s32 $0x5;
	s23 =	simm.s32 $0x9;
	s5 =	simm.s32 $0x0  }
0x12: {  	s7 =	sshrl.u32 s7, $0x3;
	s24 =	sadd.s32 $0x1FE00, s9;
	[dreg:$0x5] =	wrdreg s26  }
0x13: {  	s9 =	smax.u32 s22, $0x1;
	s22 =	simm.s32 $0x2;
	s0 =	sadd.s32 s7, s0  }
0x14: {  	s26 =	simm.s32 $0x3;
	[dreg:$0x4] =	wrdreg s24;
	s0 =	sadd.s32 $0x33800, s0  }
0x15: {  	s24 =	simm.s32 $0xA;
	[dreg:$0x6] =	wrdreg s0;
	s0 =	simm.s32 $0x7  }
.LBB2_1:
0x16: {  	s7 =	rddreg [dreg:$0x4]  }
0x17: {  	[spmem:s11], [sflag:s6] =	dma.local [hbm:s7], $0x1388  }
0x18: {  	_ =	swait.ge [sflag:s12], $0x1388  }
0x19: {  	[sflag:s12] =	ssyncset.done $0x0  }
0x1a: {  	[sflag:s12] =	ssyncadd.s32 $0xFFFFEC78  }
0x1b: {  	[bflag:$0x0] =	sbarrier.arrive $0xFFFF  }
0x1c: {  	[tilespmem:s4], [sflag:$0xD] =	stream.linear.gather [hbm4b:s10+s4], $0x4E20, $0x38;
	[tilespmem:$0x1B080] =	vst v63  }
0x1d: {  	_ =	swait.ge [sflag:s12], $0x4E20  }
0x1e: {  	[sflag:s12] =	ssyncset.done $0x0  }
0x1f: {  	s8 =	simm.s32 $0x4E20;
	s13 =	rddreg [dreg:$0x5];
	[sflag:s12] =	ssyncadd.s32 $0xFFFFB1E0  }
0x20: {  	[tilespmem:s8], [sflag:$0xD] =	stream.linear.gather [hbm4b:s13+s4], $0x4E20, $0x38;
	[tilespmem:$0x1B080] =	vst v63  }
0x21: {  	_ =	swait.ge [sflag:s12], $0x4E20  }
0x22: {  	[sflag:s12] =	ssyncset.done $0x0  }
0x23: {  	[sflag:s12] =	ssyncadd.s32 $0xFFFFB1E0  }
0x24: {  	[tilespmem:s15], [sflag:$0x1] =	stream.indirect.gather [hbm4b:s2+s14], $0x40, s4, s14, $0xb8;
	[tilespmem:$0x1B080] =	vst v63  }
0x25: {  	_ = 	snop  }
0x26: {  	[tilespmem:s16], [sflag:$0x2] =	stream.indirect.gather [hbm4b:s2+s14], $0x40, s14, s14, $0xb8;
	[tilespmem:$0x1B080] =	vst v63  }
0x27: {  	s13 =	simm.s32 $0xA0  }
0x28: {  	[tilespmem:s18], [sflag:$0x3] =	stream.indirect.gather [hbm4b:s2+s14], $0x40, s13, s14, $0xb8;
	[tilespmem:$0x1B080] =	vst v63  }
0x29: {  	_ =	swait.ge [sflag:s19], $0x1400  }
0x2a: {  	[sflag:s19] =	ssyncset.done $0x0  }
0x2b: {  	[sflag:s19] =	ssyncadd.s32 $0xFFFFEC00  }
0x2c: {  	[spmem:s3] =	stream.indirect.scatter.add.f32 [tilespmem:s15], [sflag:$0x7], $0x40, s8, s14, $0xb8;
	[tilespmem:$0x1B080] =	vst v63  }
0x2d: {  	s8 =	simm.s32 $0xF0  }
0x2e: {  	[tilespmem:s21], [sflag:$0x4] =	stream.indirect.gather [hbm4b:s2+s14], $0x40, s8, s14, $0xb8;
	[tilespmem:$0x1B080] =	vst v63  }
0x2f: {  	_ =	swait.ge [sflag:s22], $0x1400  }
0x30: {  	[sflag:s22] =	ssyncset.done $0x0  }
0x31: {  	s13 =	simm.s32 $0x4E70;
	[sflag:s22] =	ssyncadd.s32 $0xFFFFEC00  }
0x32: {  	[spmem:s3] =	stream.indirect.scatter.add.f32 [tilespmem:s16], [sflag:$0x8], $0x40, s13, s14, $0xb8;
	[tilespmem:$0x1B080] =	vst v63  }
0x33: {  	s8 =	simm.s32 $0x140  }
0x34: {  	[tilespmem:s25], [sflag:$0x5] =	stream.indirect.gather [hbm4b:s2+s14], $0x40, s8, s14, $0xb8;
	[tilespmem:$0x1B080] =	vst v63  }
0x35: {  	_ =	swait.ge [sflag:s26], $0x1400  }
0x36: {  	[sflag:s26] =	ssyncset.done $0x0  }
0x37: {  	s13 =	simm.s32 $0x4EC0;
	[sflag:s26] =	ssyncadd.s32 $0xFFFFEC00  }
0x38: {  	[spmem:s3] =	stream.indirect.scatter.add.f32 [tilespmem:s18], [sflag:$0x9], $0x40, s13, s14, $0xb8;
	[tilespmem:$0x1B080] =	vst v63  }
0x39: {  	s8 =	simm.s32 $0x190  }
0x3a: {  	[tilespmem:s30], [sflag:$0x6] =	stream.indirect.gather [hbm4b:s2+s14], $0x40, s8, s14, $0xb8;
	[tilespmem:$0x1B080] =	vst v63  }
0x3b: {  	_ =	swait.ge [sflag:s31], $0x1400  }
0x3c: {  	[sflag:s31] =	ssyncset.done $0x0  }
0x3d: {  	s13 =	simm.s32 $0x4F10;
	[sflag:s31] =	ssyncadd.s32 $0xFFFFEC00  }
0x3e: {  	[spmem:s3] =	stream.indirect.scatter.add.f32 [tilespmem:s21], [sflag:$0xA], $0x40, s13, s14, $0xb8;
	[tilespmem:$0x1B080] =	vst v63  }
0x3f: {  	_ =	swait.ge [sflag:s0], $0x1400  }
0x40: {  	[sflag:s0] =	ssyncset.done $0x0  }
0x41: {  	s8 =	simm.s32 $0x1E0;
	[sflag:s0] =	ssyncadd.s32 $0xFFFFEC00  }
0x42: {  	[tilespmem:s15], [sflag:$0x1] =	stream.indirect.gather [hbm4b:s2+s14], $0x40, s8, s14, $0xb8;
	[tilespmem:$0x1B080] =	vst v63  }
0x43: {  	_ =	swait.ge [sflag:s1], $0x1400  }
0x44: {  	[sflag:s1] =	ssyncset.done $0x0  }
0x45: {  	s13 =	simm.s32 $0x4F60;
	[sflag:s1] =	ssyncadd.s32 $0xFFFFEC00  }
0x46: {  	[spmem:s3] =	stream.indirect.scatter.add.f32 [tilespmem:s25], [sflag:$0xB], $0x40, s13, s14, $0xb8;
	[tilespmem:$0x1B080] =	vst v63  }
0x47: {  	_ =	swait.ge [sflag:s17], $0x1400  }
0x48: {  	[sflag:s17] =	ssyncset.done $0x0  }
0x49: {  	s8 =	simm.s32 $0x230;
	[sflag:s17] =	ssyncadd.s32 $0xFFFFEC00  }
0x4a: {  	[tilespmem:s16], [sflag:$0x2] =	stream.indirect.gather [hbm4b:s2+s14], $0x40, s8, s14, $0xb8;
	[tilespmem:$0x1B080] =	vst v63  }
0x4b: {  	_ =	swait.ge [sflag:s20], $0x1400  }
0x4c: {  	[sflag:s20] =	ssyncset.done $0x0  }
0x4d: {  	s13 =	simm.s32 $0x4FB0;
	[sflag:s20] =	ssyncadd.s32 $0xFFFFEC00  }
0x4e: {  	[spmem:s3] =	stream.indirect.scatter.add.f32 [tilespmem:s30], [sflag:$0xC], $0x40, s13, s14, $0xb8;
	[tilespmem:$0x1B080] =	vst v63  }
0x4f: {  	_ =	swait.ge [sflag:s23], $0x1400  }
0x50: {  	[sflag:s23] =	ssyncset.done $0x0  }
0x51: {  	s8 =	simm.s32 $0x280;
	[sflag:s23] =	ssyncadd.s32 $0xFFFFEC00  }
0x52: {  	[tilespmem:s18], [sflag:$0x3] =	stream.indirect.gather [hbm4b:s2+s14], $0x40, s8, s14, $0xb8;
	[tilespmem:$0x1B080] =	vst v63  }
0x53: {  	_ =	swait.ge [sflag:s19], $0x1400  }
0x54: {  	[sflag:s19] =	ssyncset.done $0x0  }
0x55: {  	s13 =	simm.s32 $0x5000;
	[sflag:s19] =	ssyncadd.s32 $0xFFFFEC00  }
0x56: {  	[spmem:s3] =	stream.indirect.scatter.add.f32 [tilespmem:s15], [sflag:$0x7], $0x40, s13, s14, $0xb8;
	[tilespmem:$0x1B080] =	vst v63  }
0x57: {  	_ =	swait.ge [sflag:s24], $0x1400  }
0x58: {  	[sflag:s24] =	ssyncset.done $0x0  }
0x59: {  	s8 =	simm.s32 $0x2D0;
	[sflag:s24] =	ssyncadd.s32 $0xFFFFEC00  }
0x5a: {  	[tilespmem:s21], [sflag:$0x4] =	stream.indirect.gather [hbm4b:s2+s14], $0x40, s8, s14, $0xb8;
	[tilespmem:$0x1B080] =	vst v63  }
0x5b: {  	_ =	swait.ge [sflag:s22], $0x1400  }
0x5c: {  	[sflag:s22] =	ssyncset.done $0x0  }
0x5d: {  	s13 =	simm.s32 $0x5050;
	[sflag:s22] =	ssyncadd.s32 $0xFFFFEC00  }
0x5e: {  	[spmem:s3] =	stream.indirect.scatter.add.f32 [tilespmem:s16], [sflag:$0x8], $0x40, s13, s14, $0xb8;
	[tilespmem:$0x1B080] =	vst v63  }
0x5f: {  	_ =	swait.ge [sflag:s28], $0x1400  }
0x60: {  	[sflag:s28] =	ssyncset.done $0x0  }
0x61: {  	s8 =	simm.s32 $0x320;
	[sflag:s28] =	ssyncadd.s32 $0xFFFFEC00  }
0x62: {  	[tilespmem:s25], [sflag:$0x5] =	stream.indirect.gather [hbm4b:s2+s14], $0x40, s8, s14, $0xb8;
	[tilespmem:$0x1B080] =	vst v63  }
0x63: {  	_ =	swait.ge [sflag:s26], $0x1400  }
0x64: {  	[sflag:s26] =	ssyncset.done $0x0  }
0x65: {  	s13 =	simm.s32 $0x50A0;
	[sflag:s26] =	ssyncadd.s32 $0xFFFFEC00  }
0x66: {  	[spmem:s3] =	stream.indirect.scatter.add.f32 [tilespmem:s18], [sflag:$0x9], $0x40, s13, s14, $0xb8;
	[tilespmem:$0x1B080] =	vst v63  }
0x67: {  	_ =	swait.ge [sflag:s29], $0x1400  }
0x68: {  	[sflag:s29] =	ssyncset.done $0x0  }
0x69: {  	s7 =	simm.s32 $0x780;
	s8 =	simm.s32 $0x370;
	[sflag:s29] =	ssyncadd.s32 $0xFFFFEC00  }
.LBB2_2:
0x6a: {  	[tilespmem:s30], [sflag:$0x6] =	stream.indirect.gather [hbm4b:s2+s14], $0x40, s8, s14, $0xb8;
	[tilespmem:$0x1B080] =	vst v63  }
0x6b: {  	s8 =	smov.u32 s7  }
0x6c: {  	p0 =	sne.s32 s7, $0x12480;
	s7 =	sadd.s32 $0x780, s7;
	_ =	swait.ge [sflag:s31], $0x1400  }
0x6d: {  	s8 =	sshra.s32 s8, $0x2;
	[sflag:s31] =	ssyncset.done $0x0  }
0x6e: {  	s13 =	sadd.s32 $0x4F10, s8;
	[sflag:s31] =	ssyncadd.s32 $0xFFFFEC00  }
0x6f: {  	[spmem:s3] =	stream.indirect.scatter.add.f32 [tilespmem:s21], [sflag:$0xA], $0x40, s13, s14, $0xb8;
	[tilespmem:$0x1B080] =	vst v63  }
0x70: {  	_ =	swait.ge [sflag:s0], $0x1400  }
0x71: {  	[sflag:s0] =	ssyncset.done $0x0  }
0x72: {  	s13 =	sadd.s32 $0x1E0, s8;
	[sflag:s0] =	ssyncadd.s32 $0xFFFFEC00  }
0x73: {  	[tilespmem:s15], [sflag:$0x1] =	stream.indirect.gather [hbm4b:s2+s14], $0x40, s13, s14, $0xb8;
	[tilespmem:$0x1B080] =	vst v63  }
0x74: {  	_ =	swait.ge [sflag:s1], $0x1400  }
0x75: {  	[sflag:s1] =	ssyncset.done $0x0  }
0x76: {  	s13 =	sadd.s32 $0x4F60, s8;
	[sflag:s1] =	ssyncadd.s32 $0xFFFFEC00  }
0x77: {  	[spmem:s3] =	stream.indirect.scatter.add.f32 [tilespmem:s25], [sflag:$0xB], $0x40, s13, s14, $0xb8;
	[tilespmem:$0x1B080] =	vst v63  }
0x78: {  	_ =	swait.ge [sflag:s17], $0x1400  }
0x79: {  	[sflag:s17] =	ssyncset.done $0x0  }
0x7a: {  	s13 =	sadd.s32 $0x230, s8;
	[sflag:s17] =	ssyncadd.s32 $0xFFFFEC00  }
0x7b: {  	[tilespmem:s16], [sflag:$0x2] =	stream.indirect.gather [hbm4b:s2+s14], $0x40, s13, s14, $0xb8;
	[tilespmem:$0x1B080] =	vst v63  }
0x7c: {  	_ =	swait.ge [sflag:s20], $0x1400  }
0x7d: {  	[sflag:s20] =	ssyncset.done $0x0  }
0x7e: {  	s13 =	sadd.s32 $0x4FB0, s8;
	[sflag:s20] =	ssyncadd.s32 $0xFFFFEC00  }
0x7f: {  	[spmem:s3] =	stream.indirect.scatter.add.f32 [tilespmem:s30], [sflag:$0xC], $0x40, s13, s14, $0xb8;
	[tilespmem:$0x1B080] =	vst v63  }
0x80: {  	_ =	swait.ge [sflag:s23], $0x1400  }
0x81: {  	[sflag:s23] =	ssyncset.done $0x0  }
0x82: {  	s13 =	sadd.s32 $0x280, s8;
	[sflag:s23] =	ssyncadd.s32 $0xFFFFEC00  }
0x83: {  	[tilespmem:s18], [sflag:$0x3] =	stream.indirect.gather [hbm4b:s2+s14], $0x40, s13, s14, $0xb8;
	[tilespmem:$0x1B080] =	vst v63  }
0x84: {  	_ =	swait.ge [sflag:s19], $0x1400  }
0x85: {  	[sflag:s19] =	ssyncset.done $0x0  }
0x86: {  	s13 =	sadd.s32 $0x5000, s8;
	[sflag:s19] =	ssyncadd.s32 $0xFFFFEC00  }
0x87: {  	[spmem:s3] =	stream.indirect.scatter.add.f32 [tilespmem:s15], [sflag:$0x7], $0x40, s13, s14, $0xb8;
	[tilespmem:$0x1B080] =	vst v63  }
0x88: {  	_ =	swait.ge [sflag:s24], $0x1400  }
0x89: {  	[sflag:s24] =	ssyncset.done $0x0  }
0x8a: {  	s13 =	sadd.s32 $0x2D0, s8;
	[sflag:s24] =	ssyncadd.s32 $0xFFFFEC00  }
0x8b: {  	[tilespmem:s21], [sflag:$0x4] =	stream.indirect.gather [hbm4b:s2+s14], $0x40, s13, s14, $0xb8;
	[tilespmem:$0x1B080] =	vst v63  }
0x8c: {  	_ =	swait.ge [sflag:s22], $0x1400  }
0x8d: {  	[sflag:s22] =	ssyncset.done $0x0  }
0x8e: {  	s13 =	sadd.s32 $0x5050, s8;
	[sflag:s22] =	ssyncadd.s32 $0xFFFFEC00  }
0x8f: {  	[spmem:s3] =	stream.indirect.scatter.add.f32 [tilespmem:s16], [sflag:$0x8], $0x40, s13, s14, $0xb8;
	[tilespmem:$0x1B080] =	vst v63  }
0x90: {  	_ =	swait.ge [sflag:s28], $0x1400  }
0x91: {  	[sflag:s28] =	ssyncset.done $0x0  }
0x92: {  	s13 =	sadd.s32 $0x320, s8;
	[sflag:s28] =	ssyncadd.s32 $0xFFFFEC00  }
0x93: {  	[tilespmem:s25], [sflag:$0x5] =	stream.indirect.gather [hbm4b:s2+s14], $0x40, s13, s14, $0xb8;
	[tilespmem:$0x1B080] =	vst v63  }
0x94: {  	_ =	swait.ge [sflag:s26], $0x1400  }
0x95: {  	[sflag:s26] =	ssyncset.done $0x0  }
.Ltmp0:
0x96: {  	s13 =	sadd.s32 $0x50A0, s8;
	[sflag:s26] =	ssyncadd.s32 $0xFFFFEC00;
	(pc) =	sbr.rel @p0 .LBB2_2-.Ltmp0, $4  }
0x97: {  	[spmem:s3] =	stream.indirect.scatter.add.f32 [tilespmem:s18], [sflag:$0x9], $0x40, s13, s14, $0xb8;
	[tilespmem:$0x1B080] =	vst v63  }
0x98: {  	_ =	swait.ge [sflag:s29], $0x1400  }
0x99: {  	[sflag:s29] =	ssyncset.done $0x0  }
0x9a: {  	s8 =	sadd.s32 $0x370, s8;
	[sflag:s29] =	ssyncadd.s32 $0xFFFFEC00  }
0x9b: {  	[tilespmem:s30], [sflag:$0x6] =	stream.indirect.gather [hbm4b:s2+s14], $0x40, s8, s14, $0xb8;
	[tilespmem:$0x1B080] =	vst v63  }
0x9c: {  	_ =	swait.ge [sflag:s31], $0x1400  }
0x9d: {  	[sflag:s31] =	ssyncset.done $0x0  }
0x9e: {  	s7 =	simm.s32 $0x9A10;
	[sflag:s31] =	ssyncadd.s32 $0xFFFFEC00  }
0x9f: {  	[spmem:s3] =	stream.indirect.scatter.add.f32 [tilespmem:s21], [sflag:$0xA], $0x40, s7, s14, $0xb8;
	[tilespmem:$0x1B080] =	vst v63  }
0xa0: {  	_ =	swait.ge [sflag:s0], $0x1400  }
0xa1: {  	[sflag:s0] =	ssyncset.done $0x0  }
0xa2: {  	s13 =	simm.s32 $0x4CE0;
	[sflag:s0] =	ssyncadd.s32 $0xFFFFEC00  }
0xa3: {  	[tilespmem:s15], [sflag:$0x1] =	stream.indirect.gather [hbm4b:s2+s14], $0x40, s13, s14, $0xb8;
	[tilespmem:$0x1B080] =	vst v63  }
0xa4: {  	_ =	swait.ge [sflag:s1], $0x1400  }
0xa5: {  	[sflag:s1] =	ssyncset.done $0x0  }
0xa6: {  	s8 =	simm.s32 $0x9A60;
	[sflag:s1] =	ssyncadd.s32 $0xFFFFEC00  }
0xa7: {  	[spmem:s3] =	stream.indirect.scatter.add.f32 [tilespmem:s25], [sflag:$0xB], $0x40, s8, s14, $0xb8;
	[tilespmem:$0x1B080] =	vst v63  }
0xa8: {  	_ =	swait.ge [sflag:s17], $0x1400  }
0xa9: {  	[sflag:s17] =	ssyncset.done $0x0  }
0xaa: {  	s13 =	simm.s32 $0x4D30;
	[sflag:s17] =	ssyncadd.s32 $0xFFFFEC00  }
0xab: {  	[tilespmem:s16], [sflag:$0x2] =	stream.indirect.gather [hbm4b:s2+s14], $0x40, s13, s14, $0xb8;
	[tilespmem:$0x1B080] =	vst v63  }
0xac: {  	_ =	swait.ge [sflag:s20], $0x1400  }
0xad: {  	[sflag:s20] =	ssyncset.done $0x0  }
0xae: {  	s8 =	simm.s32 $0x9AB0;
	[sflag:s20] =	ssyncadd.s32 $0xFFFFEC00  }
0xaf: {  	[spmem:s3] =	stream.indirect.scatter.add.f32 [tilespmem:s30], [sflag:$0xC], $0x40, s8, s14, $0xb8;
	[tilespmem:$0x1B080] =	vst v63  }
0xb0: {  	_ =	swait.ge [sflag:s23], $0x1400  }
0xb1: {  	[sflag:s23] =	ssyncset.done $0x0  }
0xb2: {  	s13 =	simm.s32 $0x4D80;
	[sflag:s23] =	ssyncadd.s32 $0xFFFFEC00  }
0xb3: {  	[tilespmem:s18], [sflag:$0x3] =	stream.indirect.gather [hbm4b:s2+s14], $0x40, s13, s14, $0xb8;
	[tilespmem:$0x1B080] =	vst v63  }
0xb4: {  	_ =	swait.ge [sflag:s19], $0x1400  }
0xb5: {  	[sflag:s19] =	ssyncset.done $0x0  }
0xb6: {  	s8 =	simm.s32 $0x9B00;
	[sflag:s19] =	ssyncadd.s32 $0xFFFFEC00  }
0xb7: {  	[spmem:s3] =	stream.indirect.scatter.add.f32 [tilespmem:s15], [sflag:$0x7], $0x40, s8, s14, $0xb8;
	[tilespmem:$0x1B080] =	vst v63  }
0xb8: {  	_ =	swait.ge [sflag:s24], $0x1400  }
0xb9: {  	[sflag:s24] =	ssyncset.done $0x0  }
0xba: {  	s13 =	simm.s32 $0x4DD0;
	[sflag:s24] =	ssyncadd.s32 $0xFFFFEC00  }
0xbb: {  	[tilespmem:s21], [sflag:$0x4] =	stream.indirect.gather [hbm4b:s2+s14], $0x40, s13, s14, $0xb8;
	[tilespmem:$0x1B080] =	vst v63  }
0xbc: {  	_ =	swait.ge [sflag:s22], $0x1400  }
0xbd: {  	[sflag:s22] =	ssyncset.done $0x0  }
0xbe: {  	s8 =	simm.s32 $0x9B50;
	[sflag:s22] =	ssyncadd.s32 $0xFFFFEC00  }
0xbf: {  	[spmem:s3] =	stream.indirect.scatter.add.f32 [tilespmem:s16], [sflag:$0x8], $0x40, s8, s14, $0xb8;
	[tilespmem:$0x1B080] =	vst v63  }
0xc0: {  	_ =	swait.ge [sflag:s28], $0x1400  }
0xc1: {  	[sflag:s28] =	ssyncset.done $0x0  }
0xc2: {  	[sflag:s28] =	ssyncadd.s32 $0xFFFFEC00  }
0xc3: {  	_ =	swait.ge [sflag:s26], $0x1400  }
0xc4: {  	[sflag:s26] =	ssyncset.done $0x0  }
0xc5: {  	s13 =	simm.s32 $0x9BA0;
	[sflag:s26] =	ssyncadd.s32 $0xFFFFEC00  }
0xc6: {  	[spmem:s3] =	stream.indirect.scatter.add.f32 [tilespmem:s18], [sflag:$0x9], $0x40, s13, s14, $0xb8;
	[tilespmem:$0x1B080] =	vst v63  }
0xc7: {  	_ =	swait.ge [sflag:s29], $0x1400  }
0xc8: {  	[sflag:s29] =	ssyncset.done $0x0  }
0xc9: {  	[sflag:s29] =	ssyncadd.s32 $0xFFFFEC00  }
0xca: {  	_ =	swait.ge [sflag:s31], $0x1400  }
0xcb: {  	[sflag:s31] =	ssyncset.done $0x0  }
0xcc: {  	s8 =	simm.s32 $0x9BF0;
	[sflag:s31] =	ssyncadd.s32 $0xFFFFEC00  }
0xcd: {  	[spmem:s3] =	stream.indirect.scatter.add.f32 [tilespmem:s21], [sflag:$0xA], $0x40, s8, s14, $0xb8;
	[tilespmem:$0x1B080] =	vst v63  }
0xce: {  	_ =	swait.ge [sflag:s0], $0x1400  }
0xcf: {  	[sflag:s0] =	ssyncset.done $0x0  }
0xd0: {  	[sflag:s0] =	ssyncadd.s32 $0xFFFFEC00  }
0xd1: {  	_ =	swait.ge [sflag:s17], $0x1400  }
0xd2: {  	[sflag:s17] =	ssyncset.done $0x0  }
0xd3: {  	[sflag:s17] =	ssyncadd.s32 $0xFFFFEC00  }
0xd4: {  	_ =	swait.ge [sflag:s23], $0x1400  }
0xd5: {  	[sflag:s23] =	ssyncset.done $0x0  }
0xd6: {  	[sflag:s23] =	ssyncadd.s32 $0xFFFFEC00  }
0xd7: {  	_ =	swait.ge [sflag:s24], $0x1400  }
0xd8: {  	[sflag:s24] =	ssyncset.done $0x0  }
0xd9: {  	s5 =	sadd.s32 $0x1, s5;
	[sflag:s24] =	ssyncadd.s32 $0xFFFFEC00  }
0xda: {  	p0 =	sne.s32 s5, s9;
	[bflag:$0x0] =	sbarrier.arrive $0xFFFF  }
.Ltmp1:
0xdb: {  	s13 =	rddreg [dreg:$0x6];
	(pc) =	sbr.rel @p0 .LBB2_1-.Ltmp1, $4  }
0xdc: {  	[hbm:s13], [sflag:s6] =	dma.local [spmem:s11], $0x1388  }
0xdd: {  	_ =	swait.ge [sflag:s12], $0x1388  }
0xde: {  	[sflag:s12] =	ssyncset.done $0x0  }
0xdf: {  	[sflag:s12] =	ssyncadd.s32 $0xFFFFEC78  }
0xe0: {  	_ =	sfence.sel $0x180000  }
0xe1: {  	[bflag:$0x0] =	sbarrier.arrive $0xFFFF  }
0xe2: {  	_ =	strace $0x90000047  }
0xe3: {  	s0 =	stileid.u32;
	[bflag:$0x2] =	sbarrier.arrive $0xFFFF  }
0xe4: {  	p0 =	sne.s32 s0, $0x0;
	s0 =	rddreg [dreg:$0x3]  }
0xe5: {  	s0 =	sadd.s32 @!p0 $0x100000, s0  }
0xe6: {  	[sflag:s0] =	ssyncadd.tile.s32 @!p0 $0x1;
	_ =	shalt  }
.Lfunc_end2:
_tile_overlayer_lowered:
.L_overlay_start_2:
0xe7: {  	(tag) =	ssettag $0x2  }
0xe8: {  	s0 =	rddreg [dreg:$0x0];
	s2 =	stileid.u32  }
0xe9: {  	s1 =	rddreg [dreg:$0x1];
	p0 =	sne.s32 s2, $0x0  }
0xea: {  	s3 =	rddreg [dreg:$0x2];
	[bflag:$0x3] =	sbarrier.arrive $0xFFFF;
	s2 =	simm.s32 @!p0 $0x1C0D  }
0xeb: {  	[timem:s3], [sflag:s2] =	dma.local @!p0 [hbm:s0], s1  }
0xec: {  	s0 =	simm.s32 @!p0 $0xD  }
0xed: {  	_ =	swait.ge @!p0 [sflag:s0], s1  }
0xee: {  	s1 =	ssub.s32 @!p0 $0x0, s1;
	[sflag:s0] =	ssyncset.done @!p0 $0x0  }
0xef: {  	[sflag:s0] =	ssyncadd.s32 @!p0 s1  }
0xf0: {  	[bflag:$0x3] =	sbarrier.arrive $0xFFFF  }
0xf1: {  	_ =	shalt  }

// kernel: kernel.9.cloned.1.call-start
scs
__scs_entry_jumppad:
0x0: {  	(pc) =	sbr.rel $0x88, $3  }
0x1: {  	(tag) =	ssettag $0x0;
	lr =	simm.s32 $0x1  }
0x2: {  	[smem:$0x3F9C] =	sst lr;
	_ =	strace $0xD0000000  }
0x3: {  	_ = 	snop  }
0x4: {  	_ = 	snop  }
0x5: {  	_ = 	snop  }
0x6: {  	_ = 	snop  }
0x7: {  	_ = 	snop  }
__scs_overlays_trampoline_lowered:
0x8: {  	[smem:$0x3FAB] =	sst s0  }
0x9: {  	[smem:$0x3FAC] =	sst s1  }
0xa: {  	[smem:$0x3FAD] =	sst s2  }
0xb: {  	[smem:$0x3FAE] =	sst s3  }
0xc: {  	[smem:$0x3FAF] =	sst s4  }
0xd: {  	[smem:$0x3FB0] =	sst s5  }
0xe: {  	[smem:$0x3FB1] =	sst s6  }
0xf: {  	[smem:$0x3FB2] =	sst s7  }
0x10: {  	[smem:$0x3FB3] =	sst s8  }
0x11: {  	[smem:$0x3FB4] =	sst s9;
	s0 =	simm.s32 @!p0 $0x0  }
0x12: {  	s1 =	sld [smem:$0x3F9A];
	s0 =	simm.s32 @p0 $0x1  }
0x13: {  	[smem:$0x3FB5] =	sst s0;
	s0 =	simm.s32 @!p1 $0x0  }
0x14: {  	s2 =	sld [smem:$0x3F99];
	s0 =	simm.s32 @p1 $0x1  }
0x15: {  	[smem:$0x3FB6] =	sst s0;
	s0 =	simm.s32 @!p2 $0x0  }
0x16: {  	s3 =	sld [smem:$0x3FDB];
	s0 =	simm.s32 @p2 $0x1  }
0x17: {  	s4 =	simm.s32 $0x1BF5;
	[smem:$0x3FB8] =	sst s0  }
0x18: {  	s0 =	sld [smem:$0x3F9B];
	_ =	swait.ge [sflag:s4], $0x0  }
0x19: {  	s7 =	sld [smem:$0x3F9C]  }
0x1a: {  	s8 =	sadd.s32 $0xFFFFE003, lr  }
0x1b: {  	s9 =	sadd.s32 $0xFFFFFEF7, lr;
	s5 =	simm.s32 $0xFFFFFFFF;
	p2 =	slt.u32 s8, $0xFFFFF086  }
0x1c: {  	p1 =	slt.u32 s9, $0xF7A;
	s5 =	simm.s32 @!p2 $0x0  }
0x1d: {  	s5 =	simm.s32 @p1 $0x1;
	p0 =	seq.s32 s7, s2  }
0x1e: {  	s7 =	smul.u32 @!p0 $0xF7A, s2;
	p2 =	seq.s32 @!p0 s5, $0x0  }
0x1f: {  	s9 =	smul.u32 $0xF7A, s1;
	s8 =	simm.s32 @!p0 $0x1BF5;
	p2 =	por !p2, p0  }
0x20: {  	[sflag:s8] =	ssyncset.s32 @!p0 $0xFFFFF086;
	s6 =	sadd.s32 @!p0 s3, s7;
	s7 =	simm.s32 @!p0 $0x108  }
0x21: {  	s3 =	sadd.s32 s3, s9;
	s6 =	sadd.s32 @!p0 $0x88, s6;
	s7 =	simm.s32 @p2 $0x1082  }
0x22: {  	[simem:s7], [sflag:s8] =	dma.local @!p0 [hbm:s6], $0xF7A  }
0x23: {  	s9 =	sor.u32 $0xD0000000, s2;
	s6 =	simm.s32 $0x108;
	_ =	swait.ge @!p0 [sflag:s8], $0x0  }
0x24: {  	s3 =	sadd.s32 $0x88, s3;
	s6 =	simm.s32 @!p1 $0x1082;
	[sflag:s4] =	ssyncset.s32 $0xFFFFF086  }
0x25: {  	[simem:s6], [sflag:s4] =	dma.local [hbm:s3], $0xF7A  }
0x26: {  	[smem:$0x3F9C] =	sst s1;
	(tag) =	ssettag s2;
	_ =	strace s9  }
0x27: {  	s1 =	sld [smem:$0x3FAC]  }
0x28: {  	s2 =	sld [smem:$0x3FAD]  }
0x29: {  	s4 =	sld [smem:$0x3FAF]  }
0x2a: {  	p0 =	seq.s32 s5, $0x0;
	s5 =	sld [smem:$0x3FB0]  }
0x2b: {  	s6 =	sld [smem:$0x3FB1]  }
0x2c: {  	s7 =	sld [smem:$0x3FB2]  }
0x2d: {  	s3 =	simm.s32 $0x108;
	s8 =	sld [smem:$0x3FB3]  }
0x2e: {  	s3 =	simm.s32 @!p0 $0x1082;
	s9 =	sld [smem:$0x3FB4]  }
0x2f: {  	lr =	sadd.s32 s0, s3;
	s0 =	sld [smem:$0x3FAB]  }
0x30: {  	s3 =	sld [smem:$0x3FAE]  }
0x31: {  	[smem:$0x3FB7] =	sst s10  }
0x32: {  	s10 =	sld [smem:$0x3FB5];
	_ =	sdelay $0x3  }
0x33: {  	p0 =	seq.s32 s10, $0x1;
	s10 =	sld [smem:$0x3FB7];
	_ =	sdelay $0x3  }
0x34: {  	[smem:$0x3FB7] =	sst s10  }
0x35: {  	s10 =	sld [smem:$0x3FB6];
	_ =	sdelay $0x3  }
0x36: {  	p1 =	seq.s32 s10, $0x1;
	s10 =	sld [smem:$0x3FB7];
	_ =	sdelay $0x3  }
0x37: {  	[smem:$0x3FB7] =	sst s10  }
0x38: {  	s10 =	sld [smem:$0x3FB8]  }
0x39: {  	_ = 	snop;
	(pc) =	sbr.ind lr, $3  }
0x3a: {  	_ = 	snop  }
0x3b: {  	_ = 	snop  }
0x3c: {  	p2 =	seq.s32 s10, $0x1;
	s10 =	sld [smem:$0x3FB7]  }
0x3d: {  	_ =	shalt  }
0x3e: {  	_ =	shalt  }
0x3f: {  	_ =	shalt  }
0x40: {  	_ =	shalt  }
0x41: {  	_ =	shalt  }
0x42: {  	_ =	shalt  }
0x43: {  	_ =	shalt  }
0x44: {  	_ =	shalt  }
0x45: {  	_ =	shalt  }
0x46: {  	_ =	shalt  }
0x47: {  	_ =	shalt  }
0x48: {  	_ =	shalt  }
0x49: {  	_ =	shalt  }
0x4a: {  	_ =	shalt  }
0x4b: {  	_ =	shalt  }
0x4c: {  	_ =	shalt  }
0x4d: {  	_ =	shalt  }
0x4e: {  	_ =	shalt  }
0x4f: {  	_ =	shalt  }
0x50: {  	_ =	shalt  }
0x51: {  	_ =	shalt  }
0x52: {  	_ =	shalt  }
0x53: {  	_ =	shalt  }
0x54: {  	_ =	shalt  }
0x55: {  	_ =	shalt  }
0x56: {  	_ =	shalt  }
0x57: {  	_ =	shalt  }
0x58: {  	_ =	shalt  }
0x59: {  	_ =	shalt  }
0x5a: {  	_ =	shalt  }
0x5b: {  	_ =	shalt  }
0x5c: {  	_ =	shalt  }
0x5d: {  	_ =	shalt  }
0x5e: {  	_ =	shalt  }
0x5f: {  	_ =	shalt  }
0x60: {  	_ =	shalt  }
0x61: {  	_ =	shalt  }
0x62: {  	_ =	shalt  }
0x63: {  	_ =	shalt  }
0x64: {  	_ =	shalt  }
0x65: {  	_ =	shalt  }
0x66: {  	_ =	shalt  }
0x67: {  	_ =	shalt  }
0x68: {  	_ =	shalt  }
0x69: {  	_ =	shalt  }
0x6a: {  	_ =	shalt  }
0x6b: {  	_ =	shalt  }
0x6c: {  	_ =	shalt  }
0x6d: {  	_ =	shalt  }
0x6e: {  	_ =	shalt  }
0x6f: {  	_ =	shalt  }
0x70: {  	_ =	shalt  }
0x71: {  	_ =	shalt  }
0x72: {  	_ =	shalt  }
0x73: {  	_ =	shalt  }
0x74: {  	_ =	shalt  }
0x75: {  	_ =	shalt  }
0x76: {  	_ =	shalt  }
0x77: {  	_ =	shalt  }
0x78: {  	_ =	shalt  }
0x79: {  	_ =	shalt  }
0x7a: {  	_ =	shalt  }
0x7b: {  	_ =	shalt  }
0x7c: {  	_ =	shalt  }
0x7d: {  	_ =	shalt  }
0x7e: {  	_ =	shalt  }
0x7f: {  	_ =	shalt  }
0x80: {  	_ =	shalt  }
0x81: {  	_ =	shalt  }
0x82: {  	_ =	shalt  }
0x83: {  	_ =	shalt  }
0x84: {  	_ =	shalt  }
0x85: {  	_ =	shalt  }
0x86: {  	_ =	shalt  }
0x87: {  	_ =	shalt  }
.Lfunc_end0:
.L_simem_size_0:
called_computation.1_lowered:
.L_overlay_start_0:
0x88: {  	s2 =	sld [smem:$0x3FD9]  }
0x89: {  	s3 =	sld [smem:$0x3FFE];
	_ =	sdelay $0x1  }
0x8a: {  	s1 =	srdreg.scid  }
0x8b: {  	s0 =	sand.u32 $0x1, s1  }
0x8c: {  	s17 =	sshll.u32 s0, $0xA;
	s2 =	sadd.s32 s3, s2  }
0x8d: {  	s2 =	sadd.s32 s2, s17  }
0x8e: {  	[smem:$0x3FC3] =	sst s2  }
0x8f: {  	_ = 	snop  }
0x90: {  	(tm) =	ssettm $0x1  }
0x91: {  	s18 =	sld [smem:$0x3FFB];
	_ =	sdelay $0x3  }
0x92: {  	_ =	strace s18  }
0x93: {  	s2 =	sld [smem:$0x3FFC];
	_ =	sdelay $0x3  }
0x94: {  	_ =	strace s2  }
0x95: {  	s2 =	sld [smem:$0x3FFD];
	_ =	sdelay $0x3  }
0x96: {  	_ =	strace s2  }
0x97: {  	_ =	strace $0x8FFFFFFF  }
0x98: {  	s19 =	sld [smem:$0x3FDB];
	_ =	sdelay $0x1  }
0x99: {  	s20 =	simm.s32 $_scs_section_size  }
0x9a: {  	s4 =	simm.s32 $_size__tile_overlayer_lowered;
	s5 =	simm.s32 $_tile_overlayer_lowered  }
0x9b: {  	s6 =	simm.s32 $0x1BFF;
	s21 =	sshll.u32 s5, $0x1;
	s3 =	sadd.s32 s20, s19  }
0x9c: {  	s22 =	simm.s32 $0x0;
	s4 =	sshll.u32 s4, $0x1;
	s5 =	sadd.s32 s21, s3  }
0x9d: {  	[timem:s22], [sflag:s6] =	dma.local [hbm:s5], s4  }
0x9e: {  	_ =	swait.ge [sflag:s6], s4  }
0x9f: {  	s4 =	ssub.s32 $0x0, s4;
	[sflag:s6] =	ssyncset.done $0x0  }
0xa0: {  	[sflag:s6] =	ssyncadd.s32 s4;
	_ =	sdelay $0x1  }
0xa1: {  	s23 =	simm.s32 $0x1B8B  }
0xa2: {  	_ =	swait.ge [sflag:s23], $0x1  }
0xa3: {  	[sflag:s23] =	ssyncset.done $0x0  }
0xa4: {  	[sflag:s23] =	ssyncadd.s32 $0xFFFFFFFF  }
0xa5: {  	s4 =	sld [smem:$0x0]  }
0xa6: {  	s5 =	sand.u32 $0xFFFFFFFE, s1  }
0xa7: {  	p0 =	sne.s32 s1, s5  }
0xa8: {  	s5 =	sshll.u32 @p0 s5, $0xE  }
0xa9: {  	s5 =	sadd.s32 @p0 $0x11B8D, s5;
	s6 =	sshll.u32 @p0 s4, $0x11  }
0xaa: {  	s5 =	sor.u32 @p0 s6, s5  }
0xab: {  	[sflag:s5] =	ssyncadd.remote.s32 @p0 $0x1;
	_ =	sdelay $0x1  }
0xac: {  	s5 =	simm.s32 @p0 $0x1B8D  }
0xad: {  	_ =	swait.eq @p0 [sflag:s5], $0x1  }
0xae: {  	[sflag:s5] =	ssyncadd.s32 @p0 $0xFFFFFFFF  }
0xaf: {  	s6 =	sshll.u32 @!p0 s1, $0xE  }
0xb0: {  	s6 =	sor.u32 @!p0 $0x4000, s6;
	s5 =	simm.s32 @!p0 $0x1B8D  }
0xb1: {  	s4 =	sshll.u32 @!p0 s4, $0x11;
	s6 =	sadd.s32 @!p0 $0x11B8D, s6;
	_ =	swait.eq @!p0 [sflag:s5], $0x1  }
0xb2: {  	s4 =	sor.u32 @!p0 s4, s6;
	[sflag:s5] =	ssyncadd.s32 @!p0 $0xFFFFFFFF  }
0xb3: {  	s25 =	simm.s32 $0x1B8E;
	s24 =	sld [smem:$0x3FFE];
	[sflag:s4] =	ssyncadd.remote.s32 @!p0 $0x1  }
0xb4: {  	s26 =	simm.s32 $execute0_lowered;
	[smem:$0x3FD2] =	sst s25  }
0xb5: {  	s5 =	sshll.u32 s26, $0x1;
	_ =	strace $0x80000049;
	[dreg:$0x1] =	wrdreg $0xFFFFFFFF  }
0xb6: {  	s28 =	simm.s32 $_size_execute0_lowered;
	s3 =	sadd.s32 s3, s5;
	[dreg:$0x0] =	wrdreg $0x0  }
0xb7: {  	s5 =	sshll.u32 s28, $0x1;
	[dreg:$0x2] =	wrdreg s3  }
0xb8: {  	[dreg:$0x3] =	wrdreg s5  }
0xb9: {  	[dreg:$0x4] =	wrdreg $0xC0  }
0xba: {  	_ =	task [dreg:s22], $0x5FFFF  }
0xbb: {  	[dreg:$0x1] =	wrdreg $0xFFFFFFFF  }
0xbc: {  	[dreg:$0x0] =	wrdreg $0x60  }
0xbd: {  	[dreg:$0x2] =	wrdreg s24  }
0xbe: {  	[dreg:$0x3] =	wrdreg $0x45100  }
0xbf: {  	[dreg:$0x4] =	wrdreg $0xA  }
0xc0: {  	_ =	task.clear_ibuf [dreg:s22], $0x5FFFF;
	_ =	strace $0x90000049  }
0xc1: {  	s29 =	simm.s32 $0xA;
	_ =	strace $0x8000004B  }
0xc2: {  	_ =	swait.ge [sflag:s29], $0x1  }
0xc3: {  	[sflag:s29] =	ssyncadd.s32 $0xFFFFFFFF  }
0xc4: {  	_ =	strace $0x9000004B  }
0xc5: {  	_ =	sfence  }
0xc6: {  	s30 =	sld [smem:$0x0];
	_ =	sdelay $0x2  }
0xc7: {  	s31 =	sshll.u32 s1, $0xD;
	s1 =	sshrl.u32 s1, $0x2  }
0xc8: {  	s4 =	sand.u32 $0x4000, s31;
	s1 =	sadd.s32 s1, s30  }
0xc9: {  	s0 =	sor.u32 s4, s0;
	s1 =	sshll.u32 s1, $0x11  }
0xca: {  	s0 =	sor.u32 s1, s0  }
0xcb: {  	s0 =	sadd.s32 $0x8F2B, s0  }
0xcc: {  	[sflag:s0] =	ssyncadd.remote.s32 $0x1  }
0xcd: {  	_ =	sfence.sel $0xFFFF  }
0xce: {  	[dreg:$0x0] =	wrdreg $0xFFFFFFFF;
	(pc) =	sbr.abs _section_cstart, $3  }
0xcf: {  	[dreg:$0x1] =	wrdreg $0xFFFFFFFF  }
0xd0: {  	_ =	task.clear_ibuf [dreg:s22], $0x2FFFF;
	_ =	strace $0x9FFFFFFF  }
0xd1: {  	(tm) =	ssettm $0x7FFFFFFF  }
tec
execute0_lowered:
.L_overlay_start_1:
0x0: {  	(tag) =	ssettag $0x1  }
0x1: {  	s0 =	srdreg.scid;
	s4 =	rddreg [dreg:$0x0]  }
0x2: {  	s12 =	stileid.u32;
	s2 =	rddreg [dreg:$0x1];
	s3 =	simm.s32 $0x0  }
0x3: {  	s28 =	simm.s32 $0x3610;
	s29 =	simm.s32 $0x2;
	s6 =	smul.u32 $0x2800, s12  }
0x4: {  	s30 =	simm.s32 $0x3B10;
	s0 =	sand.u32 $0x1, s0;
	s25 =	smul.u32 $0x4E20, s12  }
0x5: {  	s31 =	simm.s32 $0x3;
	s1 =	sshll.u32 s12, $0x1;
	s7 =	smul.u32 $0x28000, s0  }
0x6: {  	s1 =	sor.u32 s0, s1;
	s10 =	ssub.s32 $0x2, s0;
	s0 =	smul.u32 $0x2710, s0  }
0x7: {  	[smem:$0x7FF] =	sst s3;
	s8 =	sadd.s32 $0x53CA00, s4;
	s5 =	smul.u32 $0x2710, s1  }
0x8: {  	_ =	strace $0x8000004A;
	s9 =	sshrl.u32 s6, $0x3;
	s11 =	smul.u32 $0x27100, s1  }
0x9: {  	s1 =	smul.u32 $0x4E20, s1;
	s7 =	sadd.s32 s6, s7;
	s6 =	sadd.s32 s6, s2  }
0xa: {  	s9 =	sadd.s32 s9, s4;
	s5 =	sshrl.u32 s5, $0x3;
	[dreg:$0x9] =	wrdreg s6  }
0xb: {  	s26 =	sadd.s32 $0x5AA00, s9;
	s9 =	sshll.u32 s12, $0x6;
	s11 =	sshrl.u32 s11, $0x3  }
0xc: {  	s1 =	sadd.s32 s8, s1;
	s5 =	sadd.s32 s5, s4;
	[dreg:$0xa] =	wrdreg s26  }
0xd: {  	s12 =	sadd.s32 s8, s11;
	[dreg:$0xc] =	wrdreg s1;
	s5 =	sadd.s32 $0x2400, s5  }
0xe: {  	s24 =	sshrl.u32 s10, $0x1;
	s13 =	sadd.s32 $0xA0, s12;
	[dreg:$0xb] =	wrdreg s5  }
0xf: {  	s0 =	sadd.s32 s0, s25;
	s14 =	sadd.s32 $0x140, s12;
	[dreg:$0xd] =	wrdreg s13  }
0x10: {  	s7 =	sshrl.u32 s7, $0x3;
	s15 =	sadd.s32 $0x1E0, s12;
	[dreg:$0xe] =	wrdreg s14  }
0x11: {  	s0 =	sshll.u32 s0, $0x1;
	s16 =	sadd.s32 $0x280, s12;
	[dreg:$0xf] =	wrdreg s15  }
0x12: {  	s4 =	sadd.s32 s7, s4;
	s17 =	sadd.s32 $0x320, s12;
	[dreg:$0x10] =	wrdreg s16  }
0x13: {  	s0 =	sadd.s32 s8, s0;
	s19 =	sadd.s32 $0x4B00, s12;
	[dreg:$0x11] =	wrdreg s17  }
0x14: {  	s7 =	ssub.s32 s10, s24;
	s18 =	sadd.s32 $0x6E0, s0;
	[dreg:$0x12] =	wrdreg s19  }
0x15: {  	s6 =	sor.u32 $0x1C0D, s9;
	s21 =	sadd.s32 $0x4BA0, s12;
	[dreg:$0x3] =	wrdreg s18  }
0x16: {  	s1 =	simm.s32 $0x4;
	s20 =	sadd.s32 $0x640, s0;
	[dreg:$0x13] =	wrdreg s21  }
0x17: {  	s8 =	simm.s32 $0x6;
	s23 =	sadd.s32 $0x4C40, s12;
	[dreg:$0x4] =	wrdreg s20  }
0x18: {  	s9 =	simm.s32 $0x9;
	s22 =	sadd.s32 $0x5A0, s0;
	[dreg:$0x14] =	wrdreg s23  }
0x19: {  	s10 =	simm.s32 $0xA;
	s25 =	sadd.s32 $0x4CE0, s12;
	[dreg:$0x5] =	wrdreg s22  }
0x1a: {  	s11 =	simm.s32 $0xB;
	s24 =	sadd.s32 $0x500, s0;
	[dreg:$0x15] =	wrdreg s25  }
0x1b: {  	s26 =	sadd.s32 $0x460, s0;
	s0 =	sadd.s32 $0x3C0, s0;
	[dreg:$0x6] =	wrdreg s24  }
0x1c: {  	s5 =	sadd.s32 $0x4D80, s12;
	[dreg:$0x7] =	wrdreg s26;
	s19 =	sadd.s32 $0x5FA00, s4  }
0x1d: {  	s20 =	smax.u32 s7, $0x1;
	[dreg:$0x8] =	wrdreg s0;
	s21 =	simm.s32 $0xD  }
0x1e: {  	s22 =	simm.s32 $0x2710;
	s23 =	simm.s32 $0x2C10;
	s24 =	simm.s32 $0x3110  }
0x1f: {  	s25 =	simm.s32 $0x1;
	s26 =	simm.s32 $0x50;
	s0 =	simm.s32 $0x4010  }
0x20: {  	s4 =	simm.s32 $0x7;
	s7 =	simm.s32 $0x8;
	s12 =	simm.s32 $0xC  }
0x21: {  	s13 =	simm.s32 $0x0;
	[dreg:$0x16] =	wrdreg s5;
	s5 =	simm.s32 $0x5  }
.LBB2_1:
0x22: {  	s14 =	rddreg [dreg:$0x9]  }
0x23: {  	s15 =	rddreg [dreg:$0xa];
	s14 =	sshrl.u32 s14, $0x3  }
0x24: {  	[spmem:s14], [sflag:s6] =	dma.local [hbm:s15], $0x500  }
0x25: {  	_ =	swait.ge [sflag:s21], $0x500  }
0x26: {  	[sflag:s21] =	ssyncset.done $0x0  }
0x27: {  	[sflag:s21] =	ssyncadd.s32 $0xFFFFFB00  }
0x28: {  	[bflag:$0x0] =	sbarrier.arrive $0xFFFF  }
0x29: {  	s18 =	rddreg [dreg:$0xb]  }
0x2a: {  	[tilespmem:s3], [sflag:$0xD] =	stream.linear.gather [hbm4b:s18+s3], $0x2710, $0x38;
	[tilespmem:$0x6D10] =	vst v63  }
0x2b: {  	_ =	swait.ge [sflag:s21], $0x2710  }
0x2c: {  	[sflag:s21] =	ssyncset.done $0x0  }
0x2d: {  	s16 =	rddreg [dreg:$0xc];
	[sflag:s21] =	ssyncadd.s32 $0xFFFFD8F0  }
0x2e: {  	[tilespmem:s22], [sflag:$0x1] =	stream.linear.gather [hbm4b:s16+s3], $0x500, $0x38;
	[tilespmem:$0x6D10] =	vst v63  }
0x2f: {  	s17 =	rddreg [dreg:$0xd]  }
0x30: {  	[tilespmem:s23], [sflag:$0x2] =	stream.linear.gather [hbm4b:s17+s3], $0x500, $0x38;
	[tilespmem:$0x6D10] =	vst v63  }
0x31: {  	s18 =	rddreg [dreg:$0xe]  }
0x32: {  	[tilespmem:s24], [sflag:$0x3] =	stream.linear.gather [hbm4b:s18+s3], $0x500, $0x38;
	[tilespmem:$0x6D10] =	vst v63  }
0x33: {  	_ =	swait.ge [sflag:s25], $0x500  }
0x34: {  	[sflag:s25] =	ssyncset.done $0x0  }
0x35: {  	[sflag:s25] =	ssyncadd.s32 $0xFFFFFB00  }
0x36: {  	[spmem:s2] =	stream.indirect.scatter.add.f32 [tilespmem:s22], [sflag:$0x7], $0x10, s3, s26, $0xb8;
	[tilespmem:$0x6D10] =	vst v63  }
0x37: {  	s16 =	rddreg [dreg:$0xf]  }
0x38: {  	[tilespmem:s28], [sflag:$0x4] =	stream.linear.gather [hbm4b:s16+s3], $0x500, $0x38;
	[tilespmem:$0x6D10] =	vst v63  }
0x39: {  	_ =	swait.ge [sflag:s29], $0x500  }
0x3a: {  	[sflag:s29] =	ssyncset.done $0x0  }
0x3b: {  	[sflag:s29] =	ssyncadd.s32 $0xFFFFFB00  }
0x3c: {  	[spmem:s2] =	stream.indirect.scatter.add.f32 [tilespmem:s23], [sflag:$0x8], $0x10, s26, s26, $0xb8;
	[tilespmem:$0x6D10] =	vst v63  }
0x3d: {  	s17 =	rddreg [dreg:$0x10]  }
0x3e: {  	[tilespmem:s30], [sflag:$0x5] =	stream.linear.gather [hbm4b:s17+s3], $0x500, $0x38;
	[tilespmem:$0x6D10] =	vst v63  }
0x3f: {  	_ =	swait.ge [sflag:s31], $0x500  }
0x40: {  	[sflag:s31] =	ssyncset.done $0x0  }
0x41: {  	s18 =	simm.s32 $0xA0;
	[sflag:s31] =	ssyncadd.s32 $0xFFFFFB00  }
0x42: {  	[spmem:s2] =	stream.indirect.scatter.add.f32 [tilespmem:s24], [sflag:$0x9], $0x10, s18, s26, $0xb8;
	[tilespmem:$0x6D10] =	vst v63  }
0x43: {  	s16 =	rddreg [dreg:$0x11]  }
0x44: {  	[tilespmem:s0], [sflag:$0x6] =	stream.linear.gather [hbm4b:s16+s3], $0x500, $0x38;
	[tilespmem:$0x6D10] =	vst v63  }
0x45: {  	_ =	swait.ge [sflag:s1], $0x500  }
0x46: {  	[sflag:s1] =	ssyncset.done $0x0  }
0x47: {  	s17 =	simm.s32 $0xF0;
	[sflag:s1] =	ssyncadd.s32 $0xFFFFFB00  }
0x48: {  	[spmem:s2] =	stream.indirect.scatter.add.f32 [tilespmem:s28], [sflag:$0xA], $0x10, s17, s26, $0xb8;
	[tilespmem:$0x6D10] =	vst v63  }
0x49: {  	_ =	swait.ge [sflag:s4], $0x500  }
0x4a: {  	s18 =	rddreg [dreg:$0x8];
	[sflag:s4] =	ssyncset.done $0x0  }
0x4b: {  	[sflag:s4] =	ssyncadd.s32 $0xFFFFFB00;
	s15 =	sadd.s32 $0x0, s18  }
0x4c: {  	[tilespmem:s22], [sflag:$0x1] =	stream.linear.gather [hbm4b:s15+s3], $0x500, $0x38;
	[tilespmem:$0x6D10] =	vst v63  }
0x4d: {  	_ =	swait.ge [sflag:s5], $0x500  }
0x4e: {  	[sflag:s5] =	ssyncset.done $0x0  }
0x4f: {  	s16 =	simm.s32 $0x140;
	[sflag:s5] =	ssyncadd.s32 $0xFFFFFB00  }
0x50: {  	[spmem:s2] =	stream.indirect.scatter.add.f32 [tilespmem:s30], [sflag:$0xB], $0x10, s16, s26, $0xb8;
	[tilespmem:$0x6D10] =	vst v63  }
0x51: {  	_ =	swait.ge [sflag:s7], $0x500  }
0x52: {  	s17 =	rddreg [dreg:$0x7];
	[sflag:s7] =	ssyncset.done $0x0  }
0x53: {  	[sflag:s7] =	ssyncadd.s32 $0xFFFFFB00;
	s15 =	sadd.s32 $0x0, s17  }
0x54: {  	[tilespmem:s23], [sflag:$0x2] =	stream.linear.gather [hbm4b:s15+s3], $0x500, $0x38;
	[tilespmem:$0x6D10] =	vst v63  }
0x55: {  	_ =	swait.ge [sflag:s8], $0x500  }
0x56: {  	[sflag:s8] =	ssyncset.done $0x0  }
0x57: {  	s18 =	simm.s32 $0x190;
	[sflag:s8] =	ssyncadd.s32 $0xFFFFFB00  }
0x58: {  	[spmem:s2] =	stream.indirect.scatter.add.f32 [tilespmem:s0], [sflag:$0xC], $0x10, s18, s26, $0xb8;
	[tilespmem:$0x6D10] =	vst v63  }
0x59: {  	_ =	swait.ge [sflag:s9], $0x500  }
0x5a: {  	s16 =	rddreg [dreg:$0x6];
	[sflag:s9] =	ssyncset.done $0x0  }
0x5b: {  	[sflag:s9] =	ssyncadd.s32 $0xFFFFFB00;
	s15 =	sadd.s32 $0x0, s16  }
0x5c: {  	[tilespmem:s24], [sflag:$0x3] =	stream.linear.gather [hbm4b:s15+s3], $0x500, $0x38;
	[tilespmem:$0x6D10] =	vst v63  }
0x5d: {  	_ =	swait.ge [sflag:s25], $0x500  }
0x5e: {  	[sflag:s25] =	ssyncset.done $0x0  }
0x5f: {  	s17 =	simm.s32 $0x1E0;
	[sflag:s25] =	ssyncadd.s32 $0xFFFFFB00  }
0x60: {  	[spmem:s2] =	stream.indirect.scatter.add.f32 [tilespmem:s22], [sflag:$0x7], $0x10, s17, s26, $0xb8;
	[tilespmem:$0x6D10] =	vst v63  }
0x61: {  	_ =	swait.ge [sflag:s10], $0x500  }
0x62: {  	s18 =	rddreg [dreg:$0x5];
	[sflag:s10] =	ssyncset.done $0x0  }
0x63: {  	[sflag:s10] =	ssyncadd.s32 $0xFFFFFB00;
	s15 =	sadd.s32 $0x0, s18  }
0x64: {  	[tilespmem:s28], [sflag:$0x4] =	stream.linear.gather [hbm4b:s15+s3], $0x500, $0x38;
	[tilespmem:$0x6D10] =	vst v63  }
0x65: {  	_ =	swait.ge [sflag:s29], $0x500  }
0x66: {  	[sflag:s29] =	ssyncset.done $0x0  }
0x67: {  	s16 =	simm.s32 $0x230;
	[sflag:s29] =	ssyncadd.s32 $0xFFFFFB00  }
0x68: {  	[spmem:s2] =	stream.indirect.scatter.add.f32 [tilespmem:s23], [sflag:$0x8], $0x10, s16, s26, $0xb8;
	[tilespmem:$0x6D10] =	vst v63  }
0x69: {  	_ =	swait.ge [sflag:s11], $0x500  }
0x6a: {  	s17 =	rddreg [dreg:$0x4];
	[sflag:s11] =	ssyncset.done $0x0  }
0x6b: {  	[sflag:s11] =	ssyncadd.s32 $0xFFFFFB00;
	s15 =	sadd.s32 $0x0, s17  }
0x6c: {  	[tilespmem:s30], [sflag:$0x5] =	stream.linear.gather [hbm4b:s15+s3], $0x500, $0x38;
	[tilespmem:$0x6D10] =	vst v63  }
0x6d: {  	_ =	swait.ge [sflag:s31], $0x500  }
0x6e: {  	[sflag:s31] =	ssyncset.done $0x0  }
0x6f: {  	s18 =	simm.s32 $0x280;
	[sflag:s31] =	ssyncadd.s32 $0xFFFFFB00  }
0x70: {  	[spmem:s2] =	stream.indirect.scatter.add.f32 [tilespmem:s24], [sflag:$0x9], $0x10, s18, s26, $0xb8;
	[tilespmem:$0x6D10] =	vst v63  }
0x71: {  	_ =	swait.ge [sflag:s12], $0x500  }
0x72: {  	s15 =	simm.s32 $0x3C0;
	s16 =	rddreg [dreg:$0x3];
	[sflag:s12] =	ssyncset.done $0x0  }
0x73: {  	[sflag:s12] =	ssyncadd.s32 $0xFFFFFB00;
	s17 =	sadd.s32 $0x0, s16;
	s16 =	simm.s32 $0x460  }
.LBB2_2:
0x74: {  	[tilespmem:s0], [sflag:$0x6] =	stream.linear.gather [hbm4b:s17+s3], $0x500, $0x38;
	[tilespmem:$0x6D10] =	vst v63  }
0x75: {  	_ =	swait.ge [sflag:s1], $0x500  }
0x76: {  	[sflag:s1] =	ssyncset.done $0x0  }
0x77: {  	s18 =	sadd.s32 $0xFFFFFE70, s16;
	[sflag:s1] =	ssyncadd.s32 $0xFFFFFB00  }
0x78: {  	[spmem:s2] =	stream.indirect.scatter.add.f32 [tilespmem:s28], [sflag:$0xA], $0x10, s18, s26, $0xb8;
	[tilespmem:$0x6D10] =	vst v63  }
0x79: {  	_ =	swait.ge [sflag:s4], $0x500  }
0x7a: {  	s17 =	smov.u32 s15;
	s18 =	rddreg [dreg:$0x8];
	[sflag:s4] =	ssyncset.done $0x0  }
0x7b: {  	[sflag:s4] =	ssyncadd.s32 $0xFFFFFB00;
	s18 =	sadd.s32 s17, s18  }
0x7c: {  	[tilespmem:s22], [sflag:$0x1] =	stream.linear.gather [hbm4b:s18+s3], $0x500, $0x38;
	[tilespmem:$0x6D10] =	vst v63  }
0x7d: {  	_ =	swait.ge [sflag:s5], $0x500  }
0x7e: {  	[sflag:s5] =	ssyncset.done $0x0  }
0x7f: {  	s18 =	sadd.s32 $0xFFFFFEC0, s16;
	[sflag:s5] =	ssyncadd.s32 $0xFFFFFB00  }
0x80: {  	[spmem:s2] =	stream.indirect.scatter.add.f32 [tilespmem:s30], [sflag:$0xB], $0x10, s18, s26, $0xb8;
	[tilespmem:$0x6D10] =	vst v63  }
0x81: {  	_ =	swait.ge [sflag:s7], $0x500  }
0x82: {  	s18 =	rddreg [dreg:$0x7];
	[sflag:s7] =	ssyncset.done $0x0  }
0x83: {  	[sflag:s7] =	ssyncadd.s32 $0xFFFFFB00;
	s18 =	sadd.s32 s17, s18  }
0x84: {  	[tilespmem:s23], [sflag:$0x2] =	stream.linear.gather [hbm4b:s18+s3], $0x500, $0x38;
	[tilespmem:$0x6D10] =	vst v63  }
0x85: {  	_ =	swait.ge [sflag:s8], $0x500  }
0x86: {  	[sflag:s8] =	ssyncset.done $0x0  }
0x87: {  	s18 =	sadd.s32 $0xFFFFFF10, s16;
	[sflag:s8] =	ssyncadd.s32 $0xFFFFFB00  }
0x88: {  	[spmem:s2] =	stream.indirect.scatter.add.f32 [tilespmem:s0], [sflag:$0xC], $0x10, s18, s26, $0xb8;
	[tilespmem:$0x6D10] =	vst v63  }
0x89: {  	_ =	swait.ge [sflag:s9], $0x500  }
0x8a: {  	s18 =	rddreg [dreg:$0x6];
	[sflag:s9] =	ssyncset.done $0x0  }
0x8b: {  	[sflag:s9] =	ssyncadd.s32 $0xFFFFFB00;
	s18 =	sadd.s32 s17, s18  }
0x8c: {  	[tilespmem:s24], [sflag:$0x3] =	stream.linear.gather [hbm4b:s18+s3], $0x500, $0x38;
	[tilespmem:$0x6D10] =	vst v63  }
0x8d: {  	_ =	swait.ge [sflag:s25], $0x500  }
0x8e: {  	[sflag:s25] =	ssyncset.done $0x0  }
0x8f: {  	s18 =	sadd.s32 $0xFFFFFF60, s16;
	[sflag:s25] =	ssyncadd.s32 $0xFFFFFB00  }
0x90: {  	[spmem:s2] =	stream.indirect.scatter.add.f32 [tilespmem:s22], [sflag:$0x7], $0x10, s18, s26, $0xb8;
	[tilespmem:$0x6D10] =	vst v63  }
0x91: {  	_ =	swait.ge [sflag:s10], $0x500  }
0x92: {  	s18 =	rddreg [dreg:$0x5];
	[sflag:s10] =	ssyncset.done $0x0  }
0x93: {  	[sflag:s10] =	ssyncadd.s32 $0xFFFFFB00;
	s18 =	sadd.s32 s17, s18  }
0x94: {  	[tilespmem:s28], [sflag:$0x4] =	stream.linear.gather [hbm4b:s18+s3], $0x500, $0x38;
	[tilespmem:$0x6D10] =	vst v63  }
0x95: {  	_ =	swait.ge [sflag:s29], $0x500  }
0x96: {  	[sflag:s29] =	ssyncset.done $0x0  }
0x97: {  	s18 =	sadd.s32 $0xFFFFFFB0, s16;
	[sflag:s29] =	ssyncadd.s32 $0xFFFFFB00  }
0x98: {  	[spmem:s2] =	stream.indirect.scatter.add.f32 [tilespmem:s23], [sflag:$0x8], $0x10, s18, s26, $0xb8;
	[tilespmem:$0x6D10] =	vst v63  }
0x99: {  	_ =	swait.ge [sflag:s11], $0x500  }
0x9a: {  	s18 =	rddreg [dreg:$0x4];
	[sflag:s11] =	ssyncset.done $0x0  }
0x9b: {  	[sflag:s11] =	ssyncadd.s32 $0xFFFFFB00;
	s18 =	sadd.s32 s17, s18  }
0x9c: {  	[tilespmem:s30], [sflag:$0x5] =	stream.linear.gather [hbm4b:s18+s3], $0x500, $0x38;
	[tilespmem:$0x6D10] =	vst v63  }
0x9d: {  	_ =	swait.ge [sflag:s31], $0x500  }
0x9e: {  	p0 =	sne.s32 s15, $0x4380;
	[sflag:s31] =	ssyncset.done $0x0  }
.Ltmp0:
0x9f: {  	[sflag:s31] =	ssyncadd.s32 $0xFFFFFB00;
	(pc) =	sbr.rel @p0 .LBB2_2-.Ltmp0, $4  }
0xa0: {  	[spmem:s2] =	stream.indirect.scatter.add.f32 [tilespmem:s24], [sflag:$0x9], $0x10, s16, s26, $0xb8;
	[tilespmem:$0x6D10] =	vst v63  }
0xa1: {  	_ =	swait.ge [sflag:s12], $0x500  }
0xa2: {  	s15 =	sadd.s32 $0x3C0, s15;
	[sflag:s12] =	ssyncset.done $0x0;
	s18 =	rddreg [dreg:$0x3]  }
0xa3: {  	s16 =	sadd.s32 $0x1E0, s16;
	[sflag:s12] =	ssyncadd.s32 $0xFFFFFB00;
	s17 =	sadd.s32 s17, s18  }
0xa4: {  	[tilespmem:s0], [sflag:$0x6] =	stream.linear.gather [hbm4b:s17+s3], $0x500, $0x38;
	[tilespmem:$0x6D10] =	vst v63  }
0xa5: {  	_ =	swait.ge [sflag:s1], $0x500  }
0xa6: {  	[sflag:s1] =	ssyncset.done $0x0  }
0xa7: {  	s15 =	simm.s32 $0x2490;
	[sflag:s1] =	ssyncadd.s32 $0xFFFFFB00  }
0xa8: {  	[spmem:s2] =	stream.indirect.scatter.add.f32 [tilespmem:s28], [sflag:$0xA], $0x10, s15, s26, $0xb8;
	[tilespmem:$0x6D10] =	vst v63  }
0xa9: {  	_ =	swait.ge [sflag:s4], $0x500  }
0xaa: {  	[sflag:s4] =	ssyncset.done $0x0  }
0xab: {  	s16 =	rddreg [dreg:$0x12];
	[sflag:s4] =	ssyncadd.s32 $0xFFFFFB00  }
0xac: {  	[tilespmem:s22], [sflag:$0x1] =	stream.linear.gather [hbm4b:s16+s3], $0x500, $0x38;
	[tilespmem:$0x6D10] =	vst v63  }
0xad: {  	_ =	swait.ge [sflag:s5], $0x500  }
0xae: {  	[sflag:s5] =	ssyncset.done $0x0  }
0xaf: {  	s17 =	simm.s32 $0x24E0;
	[sflag:s5] =	ssyncadd.s32 $0xFFFFFB00  }
0xb0: {  	[spmem:s2] =	stream.indirect.scatter.add.f32 [tilespmem:s30], [sflag:$0xB], $0x10, s17, s26, $0xb8;
	[tilespmem:$0x6D10] =	vst v63  }
0xb1: {  	_ =	swait.ge [sflag:s7], $0x500  }
0xb2: {  	[sflag:s7] =	ssyncset.done $0x0  }
0xb3: {  	s18 =	rddreg [dreg:$0x13];
	[sflag:s7] =	ssyncadd.s32 $0xFFFFFB00  }
0xb4: {  	[tilespmem:s23], [sflag:$0x2] =	stream.linear.gather [hbm4b:s18+s3], $0x500, $0x38;
	[tilespmem:$0x6D10] =	vst v63  }
0xb5: {  	_ =	swait.ge [sflag:s8], $0x500  }
0xb6: {  	[sflag:s8] =	ssyncset.done $0x0  }
0xb7: {  	s16 =	simm.s32 $0x2530;
	[sflag:s8] =	ssyncadd.s32 $0xFFFFFB00  }
0xb8: {  	[spmem:s2] =	stream.indirect.scatter.add.f32 [tilespmem:s0], [sflag:$0xC], $0x10, s16, s26, $0xb8;
	[tilespmem:$0x6D10] =	vst v63  }
0xb9: {  	_ =	swait.ge [sflag:s9], $0x500  }
0xba: {  	[sflag:s9] =	ssyncset.done $0x0  }
0xbb: {  	s17 =	rddreg [dreg:$0x14];
	[sflag:s9] =	ssyncadd.s32 $0xFFFFFB00  }
0xbc: {  	[tilespmem:s24], [sflag:$0x3] =	stream.linear.gather [hbm4b:s17+s3], $0x500, $0x38;
	[tilespmem:$0x6D10] =	vst v63  }
0xbd: {  	_ =	swait.ge [sflag:s25], $0x500  }
0xbe: {  	[sflag:s25] =	ssyncset.done $0x0  }
0xbf: {  	s18 =	simm.s32 $0x2580;
	[sflag:s25] =	ssyncadd.s32 $0xFFFFFB00  }
0xc0: {  	[spmem:s2] =	stream.indirect.scatter.add.f32 [tilespmem:s22], [sflag:$0x7], $0x10, s18, s26, $0xb8;
	[tilespmem:$0x6D10] =	vst v63  }
0xc1: {  	_ =	swait.ge [sflag:s10], $0x500  }
0xc2: {  	[sflag:s10] =	ssyncset.done $0x0  }
0xc3: {  	s16 =	rddreg [dreg:$0x15];
	[sflag:s10] =	ssyncadd.s32 $0xFFFFFB00  }
0xc4: {  	[tilespmem:s28], [sflag:$0x4] =	stream.linear.gather [hbm4b:s16+s3], $0x500, $0x38;
	[tilespmem:$0x6D10] =	vst v63  }
0xc5: {  	_ =	swait.ge [sflag:s29], $0x500  }
0xc6: {  	[sflag:s29] =	ssyncset.done $0x0  }
0xc7: {  	s17 =	simm.s32 $0x25D0;
	[sflag:s29] =	ssyncadd.s32 $0xFFFFFB00  }
0xc8: {  	[spmem:s2] =	stream.indirect.scatter.add.f32 [tilespmem:s23], [sflag:$0x8], $0x10, s17, s26, $0xb8;
	[tilespmem:$0x6D10] =	vst v63  }
0xc9: {  	_ =	swait.ge [sflag:s11], $0x500  }
0xca: {  	[sflag:s11] =	ssyncset.done $0x0  }
0xcb: {  	s18 =	rddreg [dreg:$0x16];
	[sflag:s11] =	ssyncadd.s32 $0xFFFFFB00  }
0xcc: {  	[tilespmem:s30], [sflag:$0x5] =	stream.linear.gather [hbm4b:s18+s3], $0x500, $0x38;
	[tilespmem:$0x6D10] =	vst v63  }
0xcd: {  	_ =	swait.ge [sflag:s31], $0x500  }
0xce: {  	[sflag:s31] =	ssyncset.done $0x0  }
0xcf: {  	s16 =	simm.s32 $0x2620;
	[sflag:s31] =	ssyncadd.s32 $0xFFFFFB00  }
0xd0: {  	[spmem:s2] =	stream.indirect.scatter.add.f32 [tilespmem:s24], [sflag:$0x9], $0x10, s16, s26, $0xb8;
	[tilespmem:$0x6D10] =	vst v63  }
0xd1: {  	_ =	swait.ge [sflag:s12], $0x500  }
0xd2: {  	[sflag:s12] =	ssyncset.done $0x0  }
0xd3: {  	[sflag:s12] =	ssyncadd.s32 $0xFFFFFB00  }
0xd4: {  	_ =	swait.ge [sflag:s1], $0x500  }
0xd5: {  	[sflag:s1] =	ssyncset.done $0x0  }
0xd6: {  	s17 =	simm.s32 $0x2670;
	[sflag:s1] =	ssyncadd.s32 $0xFFFFFB00  }
0xd7: {  	[spmem:s2] =	stream.indirect.scatter.add.f32 [tilespmem:s28], [sflag:$0xA], $0x10, s17, s26, $0xb8;
	[tilespmem:$0x6D10] =	vst v63  }
0xd8: {  	_ =	swait.ge [sflag:s4], $0x500  }
0xd9: {  	[sflag:s4] =	ssyncset.done $0x0  }
0xda: {  	[sflag:s4] =	ssyncadd.s32 $0xFFFFFB00  }
0xdb: {  	_ =	swait.ge [sflag:s5], $0x500  }
0xdc: {  	[sflag:s5] =	ssyncset.done $0x0  }
0xdd: {  	s18 =	simm.s32 $0x26C0;
	[sflag:s5] =	ssyncadd.s32 $0xFFFFFB00  }
0xde: {  	[spmem:s2] =	stream.indirect.scatter.add.f32 [tilespmem:s30], [sflag:$0xB], $0x10, s18, s26, $0xb8;
	[tilespmem:$0x6D10] =	vst v63  }
0xdf: {  	_ =	swait.ge [sflag:s7], $0x500  }
0xe0: {  	[sflag:s7] =	ssyncset.done $0x0  }
0xe1: {  	[sflag:s7] =	ssyncadd.s32 $0xFFFFFB00  }
0xe2: {  	_ =	swait.ge [sflag:s9], $0x500  }
0xe3: {  	[sflag:s9] =	ssyncset.done $0x0  }
0xe4: {  	[sflag:s9] =	ssyncadd.s32 $0xFFFFFB00  }
0xe5: {  	_ =	swait.ge [sflag:s10], $0x500  }
0xe6: {  	[sflag:s10] =	ssyncset.done $0x0  }
0xe7: {  	[sflag:s10] =	ssyncadd.s32 $0xFFFFFB00  }
0xe8: {  	_ =	swait.ge [sflag:s11], $0x500  }
0xe9: {  	s13 =	sadd.s32 $0x1, s13;
	[sflag:s11] =	ssyncset.done $0x0  }
0xea: {  	p0 =	sne.s32 s13, s20;
	[sflag:s11] =	ssyncadd.s32 $0xFFFFFB00  }
.Ltmp1:
0xeb: {  	[bflag:$0x0] =	sbarrier.arrive $0xFFFF;
	(pc) =	sbr.rel @p0 .LBB2_1-.Ltmp1, $4  }
0xec: {  	[hbm:s19], [sflag:s6] =	dma.local [spmem:s14], $0x500  }
0xed: {  	_ =	swait.ge [sflag:s21], $0x500  }
0xee: {  	[sflag:s21] =	ssyncset.done $0x0  }
0xef: {  	[sflag:s21] =	ssyncadd.s32 $0xFFFFFB00  }
0xf0: {  	_ =	sfence.sel $0x180000  }
0xf1: {  	[bflag:$0x0] =	sbarrier.arrive $0xFFFF  }
0xf2: {  	_ =	strace $0x9000004A  }
0xf3: {  	s0 =	stileid.u32;
	[bflag:$0x2] =	sbarrier.arrive $0xFFFF  }
0xf4: {  	p0 =	sne.s32 s0, $0x0;
	s0 =	rddreg [dreg:$0x2]  }
0xf5: {  	s0 =	sadd.s32 @!p0 $0x100000, s0  }
0xf6: {  	[sflag:s0] =	ssyncadd.tile.s32 @!p0 $0x1;
	_ =	shalt  }
.Lfunc_end2:
_tile_overlayer_lowered:
.L_overlay_start_2:
0xf7: {  	(tag) =	ssettag $0x2  }
0xf8: {  	s0 =	rddreg [dreg:$0x0];
	s2 =	stileid.u32  }
0xf9: {  	s1 =	rddreg [dreg:$0x1];
	p0 =	sne.s32 s2, $0x0  }
0xfa: {  	s3 =	rddreg [dreg:$0x2];
	[bflag:$0x3] =	sbarrier.arrive $0xFFFF;
	s2 =	simm.s32 @!p0 $0x1C0D  }
0xfb: {  	[timem:s3], [sflag:s2] =	dma.local @!p0 [hbm:s0], s1  }
0xfc: {  	s0 =	simm.s32 @!p0 $0xD  }
0xfd: {  	_ =	swait.ge @!p0 [sflag:s0], s1  }
0xfe: {  	s1 =	ssub.s32 @!p0 $0x0, s1;
	[sflag:s0] =	ssyncset.done @!p0 $0x0  }
0xff: {  	[sflag:s0] =	ssyncadd.s32 @!p0 s1  }
0x100: {  	[bflag:$0x3] =	sbarrier.arrive $0xFFFF  }
0x101: {  	_ =	shalt  }

</sc_bundles>
